<compile_context>
chip_gen: v7x
topology: tpu7x:2x2x1
jax: 0.10.2.dev20260603
libtpu: 0.0.44.dev20260713+nightly
codegen_flags: <defaults>
</compile_context>

<pallas_src>
import functools
import math

import jax
import jax.numpy as jnp
from jax import lax
from jax.experimental import pallas as pl
from jax.experimental.pallas import tpu as pltpu
from jax.experimental.pallas import tpu_sc as plsc

EMB = 32
SCALE = math.sqrt(float(EMB))
NUM_CORES = 2
NUM_SUBCORES = 16
NW = NUM_CORES * NUM_SUBCORES
PW = 4


@functools.lru_cache(maxsize=None)
def _build(S: int, T: int, V: int, D: int):
    npanel = V // 128
    vtail = V - npanel * 128
    ngroup = npanel // PW
    assert npanel % PW == 0 and D == 32 and S % (128 * NW) == 0 and T >= 2
    iters_a = (ngroup + NW - 1) // NW
    nrm = V // 4
    mesh = plsc.VectorSubcoreMesh(core_axis_name="c", subcore_axis_name="s")

    @functools.partial(
        pl.kernel,
        mesh=mesh,
        out_type=(
            jax.ShapeDtypeStruct((T, D, S), jnp.float32),
            jax.ShapeDtypeStruct((nrm, 128), jnp.float32),
        ),
        scratch_types=[
            pltpu.VMEM((2, D, 128 * PW), jnp.float32),
            pltpu.VMEM((2, 32 * PW, 128), jnp.float32),
            pltpu.VMEM((2, 128), jnp.int32),
            pltpu.VMEM((2, 128), jnp.int32),
            pltpu.VMEM((2, 128), jnp.int32),
            pltpu.VMEM((2, 128, 128), jnp.float32),
            pltpu.VMEM((2, D, 128), jnp.float32),
            pltpu.SemaphoreType.DMA((2,)),
            pltpu.SemaphoreType.DMA((2,)),
            pltpu.SemaphoreType.DMA((2,)),
            pltpu.SemaphoreType.DMA((2,)),
            pltpu.SemaphoreType.DMA((2,)),
            pltpu.SemaphoreType.REGULAR,
        ],
        compiler_params=pltpu.CompilerParams(needs_layout_passes=False),
    )
    def emb_kernel(tokens_t, table_t, tail_in, out_t, table_rm,
                   ia, ta, tok, idx, sub, g, o,
                   ia_s, ta_s, tok_s, g_s, o_s, xsem):
        c = lax.axis_index("c")
        s = lax.axis_index("s")
        wid = s * NUM_CORES + c
        iota16 = lax.iota(jnp.int32, 16)
        pats = [(iota16 + d) & 15 for d in range(16)]

        def a_co(i):
            pg = jnp.minimum(wid + i * NW, ngroup - 1)
            return (pl.multiple_of(pg * (128 * PW), 128),
                    pl.multiple_of(pg * (32 * PW), 32))

        def a_in(i, b):
            co, _ = a_co(i)
            return pltpu.make_async_copy(
                table_t.at[:, pl.ds(co, 128 * PW)], ia.at[b], ia_s.at[b])

        def a_out(i, b):
            _, ro = a_co(i)
            return pltpu.make_async_copy(
                ta.at[b], table_rm.at[pl.ds(ro, 32 * PW), :], ta_s.at[b])

        a_in(0, 0).start()
        a_in(1, 1).start()

        def a_body(i, carry):
            b = lax.rem(i, 2)
            a_in(i, b).wait()

            @pl.when(i >= 2)
            def _():
                a_out(i - 2, b).wait()

            @plsc.parallel_loop(0, 16 * PW, unroll=2)
            def _(blk):
                v0 = (blk >> 1) << 4
                e0 = (blk & 1) << 4
                row = iota16 + e0
                for d in range(16):
                    col = v0 + pats[d]
                    vals = plsc.load_gather(ia.at[b], [row, col])
                    f = (col << 5) | row
                    plsc.store_scatter(
                        ta.at[b], [f >> 7, f & 127], vals * SCALE)

            @pl.when(i + 2 < iters_a)
            def _():
                a_in(i + 2, b).start()

            a_out(i, b).start()
            return carry

        lax.fori_loop(0, iters_a, a_body, 0)
        a_out(iters_a - 2, (iters_a - 2) % 2).wait()
        a_out(iters_a - 1, (iters_a - 1) % 2).wait()

        if vtail:
            ntr = vtail * D // 128

            @pl.when((s == NUM_SUBCORES - 1) & (c == 0))
            def _():
                pltpu.sync_copy(tail_in, ta.at[0, pl.ds(0, ntr), :])
                pltpu.sync_copy(ta.at[0, pl.ds(0, ntr), :],
                                table_rm.at[pl.ds(npanel * 32, ntr), :])

        plsc.subcore_barrier()
        pltpu.semaphore_signal(xsem, 1, device_id={"c": 1 - c, "s": s})
        pltpu.semaphore_wait(xsem, 1)

        sc0 = pl.multiple_of(wid * 128, 128)

        def b_tok(t, b):
            return pltpu.make_async_copy(
                tokens_t.at[t, pl.ds(sc0, 128)], tok.at[b], tok_s.at[b])

        def b_gather(b):
            return pltpu.make_async_copy(
                table_rm.at[idx.at[b]], g.at[b], g_s.at[b])

        def b_out(t, b):
            return pltpu.make_async_copy(
                o.at[b], out_t.at[t, :, pl.ds(sc0, 128)], o_s.at[b])

        def b_idx(b):
            @plsc.parallel_loop(0, 8)
            def _(j):
                t16 = tok[b, pl.ds(j << 4, 16)]
                idx[b, pl.ds(j << 4, 16)] = t16 >> 2
                sub[b, pl.ds(j << 4, 16)] = (t16 & 3) << 5

        b_tok(0, 0).start()
        b_tok(1, 1).start()
        b_tok(0, 0).wait()
        b_idx(0)
        b_gather(0).start()

        def b_body(t, carry):
            b = lax.rem(t, 2)
            b1 = 1 - b
            b_gather(b).wait()

            @pl.when(t + 2 < T)
            def _():
                b_tok(t + 2, b).start()

            @pl.when(t + 1 < T)
            def _():
                b_tok(t + 1, b1).wait()
                b_idx(b1)
                b_gather(b1).start()

            @pl.when(t >= 2)
            def _():
                b_out(t - 2, b).wait()

            @plsc.parallel_loop(0, 16, unroll=2)
            def _(blk):
                k0 = (blk >> 1) << 4
                e0 = (blk & 1) << 4
                krow = iota16 + k0
                sub16 = sub[b, pl.ds(k0, 16)]
                for d in range(16):
                    e = e0 + pats[d]
                    col = sub16 + e
                    vals = plsc.load_gather(g.at[b], [krow, col])
                    plsc.store_scatter(o.at[b], [e, krow], vals)

            b_out(t, b).start()
            return carry

        lax.fori_loop(0, T, b_body, 0)
        b_out(T - 2, (T - 2) % 2).wait()
        b_out(T - 1, (T - 1) % 2).wait()

    return emb_kernel


def kernel(tokens, table):
    S, T = int(tokens.shape[0]), int(tokens.shape[1])
    V, D = int(table.shape[0]), int(table.shape[1])
    tokens_t = tokens.T.astype(jnp.int32)
    table_t = table.T
    vtail = V % 128
    if vtail:
        tail_in = (table[V - vtail:, :] * SCALE).reshape(vtail * D // 128, 128)
    else:
        tail_in = jnp.zeros((8, 128), jnp.float32)
    out_t, _ = _build(S, T, V, D)(tokens_t, table_t, tail_in)
    return jnp.transpose(out_t, (2, 0, 1))

# --- scband reference (transcript-rebuilt; emitter-appended) ---
"""Pipeline reference for scband-token-embedding-78795470013108 (READ-ONLY COPY).

The authoritative reference and input builder live on the scoring server;
editing this copy changes nothing except your own understanding.
"""

import jax, jax.numpy as jnp
import numpy as np
import math

VOCAB = 1000000
EMB = 32

def setup_inputs(seed: int = 0) -> dict:
    key = jax.random.key(seed)
    k1, k2 = jax.random.split(key)
    tokens = jax.random.randint(k1, (4096, 200), 0, VOCAB, dtype=jnp.int64) if jax.config.jax_enable_x64 else jax.random.randint(k1, (4096, 200), 0, VOCAB, dtype=jnp.int32)
    table = jax.random.normal(k2, (VOCAB, EMB), dtype=jnp.float32)
    return {"tokens": tokens, "table": table}

def reference(tokens, table):
    # TokenEmbedding.forward: embedding(tokens.long()) * sqrt(embSize)
    emb = jnp.take(table, tokens, axis=0)
    return emb * math.sqrt(EMB)

if __name__ == "__main__":
    import jax
    _d = setup_inputs()
    print(jax.jit(kernel)(*tuple(_d.values())))

</pallas_src>

<mosaic_0001>
#map = affine_map<(d0, d1) -> (0, 0)>
#map1 = affine_map<(d0, d1) -> (0, 0, 0)>
module attributes {stable_mosaic.version = 14 : i64} {
  func.func @emb_kernel(%arg0: i32, %arg1: i32, %arg2: memref<200x4096xi32, #tpu.memory_space<hbm>>, %arg3: memref<32x1000000xf32, #tpu.memory_space<hbm>>, %arg4: memref<16x128xf32, #tpu.memory_space<hbm>>, %arg5: memref<200x32x4096xf32, #tpu.memory_space<hbm>>, %arg6: memref<250000x128xf32, #tpu.memory_space<hbm>>, %arg7: memref<2x32x512xf32, #tpu.memory_space<vmem>>, %arg8: memref<2x128x128xf32, #tpu.memory_space<vmem>>, %arg9: memref<2x128xi32, #tpu.memory_space<vmem>>, %arg10: memref<2x128xi32, #tpu.memory_space<vmem>>, %arg11: memref<2x128xi32, #tpu.memory_space<vmem>>, %arg12: memref<2x128x128xf32, #tpu.memory_space<vmem>>, %arg13: memref<2x32x128xf32, #tpu.memory_space<vmem>>, %arg14: memref<2x!tpu.dma_semaphore, #tpu.memory_space<semaphore_mem>>, %arg15: memref<2x!tpu.dma_semaphore, #tpu.memory_space<semaphore_mem>>, %arg16: memref<2x!tpu.dma_semaphore, #tpu.memory_space<semaphore_mem>>, %arg17: memref<2x!tpu.dma_semaphore, #tpu.memory_space<semaphore_mem>>, %arg18: memref<2x!tpu.dma_semaphore, #tpu.memory_space<semaphore_mem>>, %arg19: memref<!tpu.semaphore, #tpu.memory_space<semaphore_mem>>) attributes {dimension_semantics = [#tpu.dimension_semantics<core_parallel>, #tpu.dimension_semantics<subcore_parallel>], iteration_bounds = array<i64: 2, 16>, scalar_prefetch = 0 : i64, scratch_operands = 13 : i64, tpu.core_type = #tpu.core_type<sc_vector_subcore>, window_params = [{transform_indices = #map}, {transform_indices = #map}, {transform_indices = #map}, {transform_indices = #map1}, {transform_indices = #map}]} {
    %mul3A = arith.constant 2 : i32
    %mul3A_0 = arith.muli %arg1, %mul3A : i32
    %add3A = arith.addi %mul3A_0, %arg0 : i32
    %iota3A = tpu.iota {dimensions = array<i32: 0>} : vector<16xi32>
    %add3A_1 = arith.constant 0 : i32
    %add3A_2 = vector.broadcast %add3A_1 : i32 to vector<16xi32>
    %add3A_3 = arith.addi %iota3A, %add3A_2 : vector<16xi32>
    %and3A = arith.constant 15 : i32
    %and3A_4 = vector.broadcast %and3A : i32 to vector<16xi32>
    %and3A_5 = arith.andi %add3A_3, %and3A_4 : vector<16xi32>
    %add3A_6 = arith.constant 1 : i32
    %add3A_7 = vector.broadcast %add3A_6 : i32 to vector<16xi32>
    %add3A_8 = arith.addi %iota3A, %add3A_7 : vector<16xi32>
    %and3A_9 = arith.constant 15 : i32
    %and3A_10 = vector.broadcast %and3A_9 : i32 to vector<16xi32>
    %and3A_11 = arith.andi %add3A_8, %and3A_10 : vector<16xi32>
    %add3A_12 = arith.constant 2 : i32
    %add3A_13 = vector.broadcast %add3A_12 : i32 to vector<16xi32>
    %add3A_14 = arith.addi %iota3A, %add3A_13 : vector<16xi32>
    %and3A_15 = arith.constant 15 : i32
    %and3A_16 = vector.broadcast %and3A_15 : i32 to vector<16xi32>
    %and3A_17 = arith.andi %add3A_14, %and3A_16 : vector<16xi32>
    %add3A_18 = arith.constant 3 : i32
    %add3A_19 = vector.broadcast %add3A_18 : i32 to vector<16xi32>
    %add3A_20 = arith.addi %iota3A, %add3A_19 : vector<16xi32>
    %and3A_21 = arith.constant 15 : i32
    %and3A_22 = vector.broadcast %and3A_21 : i32 to vector<16xi32>
    %and3A_23 = arith.andi %add3A_20, %and3A_22 : vector<16xi32>
    %add3A_24 = arith.constant 4 : i32
    %add3A_25 = vector.broadcast %add3A_24 : i32 to vector<16xi32>
    %add3A_26 = arith.addi %iota3A, %add3A_25 : vector<16xi32>
    %and3A_27 = arith.constant 15 : i32
    %and3A_28 = vector.broadcast %and3A_27 : i32 to vector<16xi32>
    %and3A_29 = arith.andi %add3A_26, %and3A_28 : vector<16xi32>
    %add3A_30 = arith.constant 5 : i32
    %add3A_31 = vector.broadcast %add3A_30 : i32 to vector<16xi32>
    %add3A_32 = arith.addi %iota3A, %add3A_31 : vector<16xi32>
    %and3A_33 = arith.constant 15 : i32
    %and3A_34 = vector.broadcast %and3A_33 : i32 to vector<16xi32>
    %and3A_35 = arith.andi %add3A_32, %and3A_34 : vector<16xi32>
    %add3A_36 = arith.constant 6 : i32
    %add3A_37 = vector.broadcast %add3A_36 : i32 to vector<16xi32>
    %add3A_38 = arith.addi %iota3A, %add3A_37 : vector<16xi32>
    %and3A_39 = arith.constant 15 : i32
    %and3A_40 = vector.broadcast %and3A_39 : i32 to vector<16xi32>
    %and3A_41 = arith.andi %add3A_38, %and3A_40 : vector<16xi32>
    %add3A_42 = arith.constant 7 : i32
    %add3A_43 = vector.broadcast %add3A_42 : i32 to vector<16xi32>
    %add3A_44 = arith.addi %iota3A, %add3A_43 : vector<16xi32>
    %and3A_45 = arith.constant 15 : i32
    %and3A_46 = vector.broadcast %and3A_45 : i32 to vector<16xi32>
    %and3A_47 = arith.andi %add3A_44, %and3A_46 : vector<16xi32>
    %add3A_48 = arith.constant 8 : i32
    %add3A_49 = vector.broadcast %add3A_48 : i32 to vector<16xi32>
    %add3A_50 = arith.addi %iota3A, %add3A_49 : vector<16xi32>
    %and3A_51 = arith.constant 15 : i32
    %and3A_52 = vector.broadcast %and3A_51 : i32 to vector<16xi32>
    %and3A_53 = arith.andi %add3A_50, %and3A_52 : vector<16xi32>
    %add3A_54 = arith.constant 9 : i32
    %add3A_55 = vector.broadcast %add3A_54 : i32 to vector<16xi32>
    %add3A_56 = arith.addi %iota3A, %add3A_55 : vector<16xi32>
    %and3A_57 = arith.constant 15 : i32
    %and3A_58 = vector.broadcast %and3A_57 : i32 to vector<16xi32>
    %and3A_59 = arith.andi %add3A_56, %and3A_58 : vector<16xi32>
    %add3A_60 = arith.constant 10 : i32
    %add3A_61 = vector.broadcast %add3A_60 : i32 to vector<16xi32>
    %add3A_62 = arith.addi %iota3A, %add3A_61 : vector<16xi32>
    %and3A_63 = arith.constant 15 : i32
    %and3A_64 = vector.broadcast %and3A_63 : i32 to vector<16xi32>
    %and3A_65 = arith.andi %add3A_62, %and3A_64 : vector<16xi32>
    %add3A_66 = arith.constant 11 : i32
    %add3A_67 = vector.broadcast %add3A_66 : i32 to vector<16xi32>
    %add3A_68 = arith.addi %iota3A, %add3A_67 : vector<16xi32>
    %and3A_69 = arith.constant 15 : i32
    %and3A_70 = vector.broadcast %and3A_69 : i32 to vector<16xi32>
    %and3A_71 = arith.andi %add3A_68, %and3A_70 : vector<16xi32>
    %add3A_72 = arith.constant 12 : i32
    %add3A_73 = vector.broadcast %add3A_72 : i32 to vector<16xi32>
    %add3A_74 = arith.addi %iota3A, %add3A_73 : vector<16xi32>
    %and3A_75 = arith.constant 15 : i32
    %and3A_76 = vector.broadcast %and3A_75 : i32 to vector<16xi32>
    %and3A_77 = arith.andi %add3A_74, %and3A_76 : vector<16xi32>
    %add3A_78 = arith.constant 13 : i32
    %add3A_79 = vector.broadcast %add3A_78 : i32 to vector<16xi32>
    %add3A_80 = arith.addi %iota3A, %add3A_79 : vector<16xi32>
    %and3A_81 = arith.constant 15 : i32
    %and3A_82 = vector.broadcast %and3A_81 : i32 to vector<16xi32>
    %and3A_83 = arith.andi %add3A_80, %and3A_82 : vector<16xi32>
    %add3A_84 = arith.constant 14 : i32
    %add3A_85 = vector.broadcast %add3A_84 : i32 to vector<16xi32>
    %add3A_86 = arith.addi %iota3A, %add3A_85 : vector<16xi32>
    %and3A_87 = arith.constant 15 : i32
    %and3A_88 = vector.broadcast %and3A_87 : i32 to vector<16xi32>
    %and3A_89 = arith.andi %add3A_86, %and3A_88 : vector<16xi32>
    %add3A_90 = arith.constant 15 : i32
    %add3A_91 = vector.broadcast %add3A_90 : i32 to vector<16xi32>
    %add3A_92 = arith.addi %iota3A, %add3A_91 : vector<16xi32>
    %and3A_93 = arith.constant 15 : i32
    %and3A_94 = vector.broadcast %and3A_93 : i32 to vector<16xi32>
    %and3A_95 = arith.andi %add3A_92, %and3A_94 : vector<16xi32>
    %add3A_96 = arith.constant 0 : i32
    %add3A_97 = arith.addi %add3A, %add3A_96 : i32
    %min3A = arith.constant 1952 : i32
    %min3A_98 = arith.minsi %add3A_97, %min3A : i32
    %mul3A_99 = arith.constant 512 : i32
    %mul3A_100 = arith.muli %min3A_98, %mul3A_99 : i32
    %multiple_of3A = tpu.assume_multiple %mul3A_100, 128 : i32
    %mul3A_101 = arith.constant 128 : i32
    %mul3A_102 = arith.muli %min3A_98, %mul3A_101 : i32
    %multiple_of3A_103 = tpu.assume_multiple %mul3A_102, 32 : i32
    %dma_start3A = arith.constant 0 : i32
    %dma_start3A_104 = arith.constant 0 : i32
    %dma_start3A_105 = arith.constant 0 : i32
    %dma_start3A_106 = arith.constant 0 : i32
    %dma_start3A_107 = tpu.memref_slice %arg7[%dma_start3A, %dma_start3A_105, %dma_start3A_106] : memref<2x32x512xf32, #tpu.memory_space<vmem>> -> memref<1x32x512xf32, #tpu.memory_space<vmem>>
    %dma_start3A_108 = tpu.memref_squeeze %dma_start3A_107 : memref<1x32x512xf32, #tpu.memory_space<vmem>> -> memref<32x512xf32, #tpu.memory_space<vmem>>
    %dma_start3A_109 = arith.constant 0 : i32
    %dma_start3A_110 = tpu.memref_slice %arg3[%dma_start3A_109, %multiple_of3A] : memref<32x1000000xf32, #tpu.memory_space<hbm>> -> memref<32x512xf32, #tpu.memory_space<hbm>>
    %dma_start3A_111 = tpu.memref_slice %arg14[%dma_start3A_104] : memref<2x!tpu.dma_semaphore, #tpu.memory_space<semaphore_mem>> -> memref<1x!tpu.dma_semaphore, #tpu.memory_space<semaphore_mem>>
    %dma_start3A_112 = tpu.memref_squeeze %dma_start3A_111 : memref<1x!tpu.dma_semaphore, #tpu.memory_space<semaphore_mem>> -> memref<!tpu.dma_semaphore, #tpu.memory_space<semaphore_mem>>
    %dma_start3A_113 = arith.constant 0 : i32
    %dma_start3A_114 = arith.constant 0 : i32
    %dma_start3A_115 = tpu.memref_slice %arg7[%dma_start3A, %dma_start3A_113, %dma_start3A_114] : memref<2x32x512xf32, #tpu.memory_space<vmem>> -> memref<1x32x512xf32, #tpu.memory_space<vmem>>
    %dma_start3A_116 = tpu.memref_squeeze %dma_start3A_115 : memref<1x32x512xf32, #tpu.memory_space<vmem>> -> memref<32x512xf32, #tpu.memory_space<vmem>>
    %dma_start3A_117 = arith.constant 0 : i32
    %dma_start3A_118 = tpu.memref_slice %arg3[%dma_start3A_117, %multiple_of3A] : memref<32x1000000xf32, #tpu.memory_space<hbm>> -> memref<32x512xf32, #tpu.memory_space<hbm>>
    tpu.enqueue_dma source(%dma_start3A_118 : memref<32x512xf32, #tpu.memory_space<hbm>>) target(%dma_start3A_116 : memref<32x512xf32, #tpu.memory_space<vmem>>) target_semaphore(%dma_start3A_112 : memref<!tpu.dma_semaphore, #tpu.memory_space<semaphore_mem>>)
    %add3A_119 = arith.constant 32 : i32
    %add3A_120 = arith.addi %add3A, %add3A_119 : i32
    %min3A_121 = arith.constant 1952 : i32
    %min3A_122 = arith.minsi %add3A_120, %min3A_121 : i32
    %mul3A_123 = arith.constant 512 : i32
    %mul3A_124 = arith.muli %min3A_122, %mul3A_123 : i32
    %multiple_of3A_125 = tpu.assume_multiple %mul3A_124, 128 : i32
    %mul3A_126 = arith.constant 128 : i32
    %mul3A_127 = arith.muli %min3A_122, %mul3A_126 : i32
    %multiple_of3A_128 = tpu.assume_multiple %mul3A_127, 32 : i32
    %dma_start3A_129 = arith.constant 1 : i32
    %dma_start3A_130 = arith.constant 1 : i32
    %dma_start3A_131 = arith.constant 0 : i32
    %dma_start3A_132 = arith.constant 0 : i32
    %dma_start3A_133 = tpu.memref_slice %arg7[%dma_start3A_129, %dma_start3A_131, %dma_start3A_132] : memref<2x32x512xf32, #tpu.memory_space<vmem>> -> memref<1x32x512xf32, #tpu.memory_space<vmem>>
    %dma_start3A_134 = tpu.memref_squeeze %dma_start3A_133 : memref<1x32x512xf32, #tpu.memory_space<vmem>> -> memref<32x512xf32, #tpu.memory_space<vmem>>
    %dma_start3A_135 = arith.constant 0 : i32
    %dma_start3A_136 = tpu.memref_slice %arg3[%dma_start3A_135, %multiple_of3A_125] : memref<32x1000000xf32, #tpu.memory_space<hbm>> -> memref<32x512xf32, #tpu.memory_space<hbm>>
    %dma_start3A_137 = tpu.memref_slice %arg14[%dma_start3A_130] : memref<2x!tpu.dma_semaphore, #tpu.memory_space<semaphore_mem>> -> memref<1x!tpu.dma_semaphore, #tpu.memory_space<semaphore_mem>>
    %dma_start3A_138 = tpu.memref_squeeze %dma_start3A_137 : memref<1x!tpu.dma_semaphore, #tpu.memory_space<semaphore_mem>> -> memref<!tpu.dma_semaphore, #tpu.memory_space<semaphore_mem>>
    %dma_start3A_139 = arith.constant 0 : i32
    %dma_start3A_140 = arith.constant 0 : i32
    %dma_start3A_141 = tpu.memref_slice %arg7[%dma_start3A_129, %dma_start3A_139, %dma_start3A_140] : memref<2x32x512xf32, #tpu.memory_space<vmem>> -> memref<1x32x512xf32, #tpu.memory_space<vmem>>
    %dma_start3A_142 = tpu.memref_squeeze %dma_start3A_141 : memref<1x32x512xf32, #tpu.memory_space<vmem>> -> memref<32x512xf32, #tpu.memory_space<vmem>>
    %dma_start3A_143 = arith.constant 0 : i32
    %dma_start3A_144 = tpu.memref_slice %arg3[%dma_start3A_143, %multiple_of3A_125] : memref<32x1000000xf32, #tpu.memory_space<hbm>> -> memref<32x512xf32, #tpu.memory_space<hbm>>
    tpu.enqueue_dma source(%dma_start3A_144 : memref<32x512xf32, #tpu.memory_space<hbm>>) target(%dma_start3A_142 : memref<32x512xf32, #tpu.memory_space<vmem>>) target_semaphore(%dma_start3A_138 : memref<!tpu.dma_semaphore, #tpu.memory_space<semaphore_mem>>)
    %scan3A = arith.constant 0 : i32
    %scan3A_145 = arith.constant 0 : i32
    %scan3A_146 = arith.constant 62 : i32
    %scan3A_147 = arith.addi %scan3A_145, %scan3A_146 : i32
    %scan3A_148 = arith.constant 1 : i32
    scf.for %scan3A_317 = %scan3A_145 to %scan3A_147 step %scan3A_148  : i32 {
      %rem3A = arith.constant 2 : i32
      %rem3A_318 = arith.remsi %scan3A_317, %rem3A : i32
      %mul3A_319 = arith.constant 32 : i32
      %mul3A_320 = arith.muli %scan3A_317, %mul3A_319 : i32
      %add3A_321 = arith.addi %add3A, %mul3A_320 : i32
      %min3A_322 = arith.constant 1952 : i32
      %min3A_323 = arith.minsi %add3A_321, %min3A_322 : i32
      %mul3A_324 = arith.constant 512 : i32
      %mul3A_325 = arith.muli %min3A_323, %mul3A_324 : i32
      %multiple_of3A_326 = tpu.assume_multiple %mul3A_325, 128 : i32
      %mul3A_327 = arith.constant 128 : i32
      %mul3A_328 = arith.muli %min3A_323, %mul3A_327 : i32
      %multiple_of3A_329 = tpu.assume_multiple %mul3A_328, 32 : i32
      %dma_wait3A_330 = arith.constant 0 : i32
      %dma_wait3A_331 = arith.constant 0 : i32
      %dma_wait3A_332 = tpu.memref_slice %arg7[%rem3A_318, %dma_wait3A_330, %dma_wait3A_331] : memref<2x32x512xf32, #tpu.memory_space<vmem>> -> memref<1x32x512xf32, #tpu.memory_space<vmem>>
      %dma_wait3A_333 = tpu.memref_squeeze %dma_wait3A_332 : memref<1x32x512xf32, #tpu.memory_space<vmem>> -> memref<32x512xf32, #tpu.memory_space<vmem>>
      %dma_wait3A_334 = arith.constant 0 : i32
      %dma_wait3A_335 = tpu.memref_slice %arg3[%dma_wait3A_334, %multiple_of3A_326] : memref<32x1000000xf32, #tpu.memory_space<hbm>> -> memref<32x512xf32, #tpu.memory_space<hbm>>
      %dma_wait3A_336 = tpu.memref_slice %arg14[%rem3A_318] : memref<2x!tpu.dma_semaphore, #tpu.memory_space<semaphore_mem>> -> memref<1x!tpu.dma_semaphore, #tpu.memory_space<semaphore_mem>>
      %dma_wait3A_337 = tpu.memref_squeeze %dma_wait3A_336 : memref<1x!tpu.dma_semaphore, #tpu.memory_space<semaphore_mem>> -> memref<!tpu.dma_semaphore, #tpu.memory_space<semaphore_mem>>
      %dma_wait3A_338 = arith.constant 0 : i32
      %dma_wait3A_339 = arith.constant 0 : i32
      %dma_wait3A_340 = tpu.memref_slice %arg7[%rem3A_318, %dma_wait3A_338, %dma_wait3A_339] : memref<2x32x512xf32, #tpu.memory_space<vmem>> -> memref<1x32x512xf32, #tpu.memory_space<vmem>>
      %dma_wait3A_341 = tpu.memref_squeeze %dma_wait3A_340 : memref<1x32x512xf32, #tpu.memory_space<vmem>> -> memref<32x512xf32, #tpu.memory_space<vmem>>
      %dma_wait3A_342 = arith.constant 0 : i32
      %dma_wait3A_343 = tpu.memref_slice %arg3[%dma_wait3A_342, %multiple_of3A_326] : memref<32x1000000xf32, #tpu.memory_space<hbm>> -> memref<32x512xf32, #tpu.memory_space<hbm>>
      tpu.wait_dma2 semaphore(%dma_wait3A_337 : memref<!tpu.dma_semaphore, #tpu.memory_space<semaphore_mem>>) src(%dma_wait3A_343 : memref<32x512xf32, #tpu.memory_space<hbm>>) dst(%dma_wait3A_341 : memref<32x512xf32, #tpu.memory_space<vmem>>)
      %ge3A = arith.constant 2 : i32
      %ge3A_344 = arith.cmpi sge, %scan3A_317, %ge3A : i32
      %convert_element_type3A_345 = arith.extui %ge3A_344 : i1 to i32
      %cond3A_346 = arith.constant 0 : i32
      %cond3A_347 = arith.cmpi ne, %convert_element_type3A_345, %cond3A_346 : i32
      scf.if %cond3A_347 {
        %sub3A_382 = arith.constant 2 : i32
        %sub3A_383 = arith.subi %scan3A_317, %sub3A_382 : i32
        %mul3A_384 = arith.constant 32 : i32
        %mul3A_385 = arith.muli %sub3A_383, %mul3A_384 : i32
        %add3A_386 = arith.addi %add3A, %mul3A_385 : i32
        %min3A_387 = arith.constant 1952 : i32
        %min3A_388 = arith.minsi %add3A_386, %min3A_387 : i32
        %mul3A_389 = arith.constant 512 : i32
        %mul3A_390 = arith.muli %min3A_388, %mul3A_389 : i32
        %multiple_of3A_391 = tpu.assume_multiple %mul3A_390, 128 : i32
        %mul3A_392 = arith.constant 128 : i32
        %mul3A_393 = arith.muli %min3A_388, %mul3A_392 : i32
        %multiple_of3A_394 = tpu.assume_multiple %mul3A_393, 32 : i32
        %dma_wait3A_395 = arith.constant 0 : i32
        %dma_wait3A_396 = arith.constant 0 : i32
        %dma_wait3A_397 = tpu.memref_slice %arg8[%rem3A_318, %dma_wait3A_395, %dma_wait3A_396] : memref<2x128x128xf32, #tpu.memory_space<vmem>> -> memref<1x128x128xf32, #tpu.memory_space<vmem>>
        %dma_wait3A_398 = tpu.memref_squeeze %dma_wait3A_397 : memref<1x128x128xf32, #tpu.memory_space<vmem>> -> memref<128x128xf32, #tpu.memory_space<vmem>>
        %dma_wait3A_399 = arith.constant 0 : i32
        %dma_wait3A_400 = tpu.memref_slice %arg6[%multiple_of3A_394, %dma_wait3A_399] : memref<250000x128xf32, #tpu.memory_space<hbm>> -> memref<128x128xf32, #tpu.memory_space<hbm>>
        %dma_wait3A_401 = tpu.memref_slice %arg15[%rem3A_318] : memref<2x!tpu.dma_semaphore, #tpu.memory_space<semaphore_mem>> -> memref<1x!tpu.dma_semaphore, #tpu.memory_space<semaphore_mem>>
        %dma_wait3A_402 = tpu.memref_squeeze %dma_wait3A_401 : memref<1x!tpu.dma_semaphore, #tpu.memory_space<semaphore_mem>> -> memref<!tpu.dma_semaphore, #tpu.memory_space<semaphore_mem>>
        %dma_wait3A_403 = arith.constant 0 : i32
        %dma_wait3A_404 = tpu.memref_slice %arg6[%multiple_of3A_394, %dma_wait3A_403] : memref<250000x128xf32, #tpu.memory_space<hbm>> -> memref<128x128xf32, #tpu.memory_space<hbm>>
        %dma_wait3A_405 = arith.constant 0 : i32
        %dma_wait3A_406 = arith.constant 0 : i32
        %dma_wait3A_407 = tpu.memref_slice %arg8[%rem3A_318, %dma_wait3A_405, %dma_wait3A_406] : memref<2x128x128xf32, #tpu.memory_space<vmem>> -> memref<1x128x128xf32, #tpu.memory_space<vmem>>
        %dma_wait3A_408 = tpu.memref_squeeze %dma_wait3A_407 : memref<1x128x128xf32, #tpu.memory_space<vmem>> -> memref<128x128xf32, #tpu.memory_space<vmem>>
        tpu.wait_dma2 semaphore(%dma_wait3A_402 : memref<!tpu.dma_semaphore, #tpu.memory_space<semaphore_mem>>) src(%dma_wait3A_408 : memref<128x128xf32, #tpu.memory_space<vmem>>) dst(%dma_wait3A_404 : memref<128x128xf32, #tpu.memory_space<hbm>>)
      } else {
      }
      %parallel_loop3A_348 = arith.constant 0 : i32
      %parallel_loop3A_349 = arith.constant 64 : i32
      %parallel_loop3A_350 = arith.constant 1 : i32
      scf.for %parallel_loop3A_382 = %parallel_loop3A_348 to %parallel_loop3A_349 step %parallel_loop3A_350  : i32 {
        %parallel_loop3A_383 = arith.constant 1 : i32
        %parallel_loop3A_384 = arith.shrsi %parallel_loop3A_382, %parallel_loop3A_383 : i32
        %parallel_loop3A_385 = arith.constant 4 : i32
        %parallel_loop3A_386 = arith.shli %parallel_loop3A_384, %parallel_loop3A_385 : i32
        %parallel_loop3A_387 = arith.constant 1 : i32
        %parallel_loop3A_388 = arith.andi %parallel_loop3A_382, %parallel_loop3A_387 : i32
        %parallel_loop3A_389 = arith.constant 4 : i32
        %parallel_loop3A_390 = arith.shli %parallel_loop3A_388, %parallel_loop3A_389 : i32
        %parallel_loop3A_391 = vector.broadcast %parallel_loop3A_390 : i32 to vector<16xi32>
        %parallel_loop3A_392 = arith.addi %iota3A, %parallel_loop3A_391 : vector<16xi32>
        %parallel_loop3A_393 = vector.broadcast %parallel_loop3A_386 : i32 to vector<16xi32>
        %parallel_loop3A_394 = arith.addi %parallel_loop3A_393, %and3A_5 : vector<16xi32>
        %parallel_loop3A_395 = arith.constant 0 : i32
        %parallel_loop3A_396 = arith.constant 0 : i32
        %parallel_loop3A_397 = tpu.memref_slice %arg7[%rem3A_318, %parallel_loop3A_395, %parallel_loop3A_396] : memref<2x32x512xf32, #tpu.memory_space<vmem>> -> memref<1x32x512xf32, #tpu.memory_space<vmem>>
        %parallel_loop3A_398 = tpu.memref_squeeze %parallel_loop3A_397 : memref<1x32x512xf32, #tpu.memory_space<vmem>> -> memref<32x512xf32, #tpu.memory_space<vmem>>
        %parallel_loop3A_399 = tpu.vector_load_idx %parallel_loop3A_398[%parallel_loop3A_392, %parallel_loop3A_394] : memref<32x512xf32, #tpu.memory_space<vmem>>[vector<16xi32>, vector<16xi32>], vector<16xf32>,
        %parallel_loop3A_400 = arith.constant 5 : i32
        %parallel_loop3A_401 = vector.broadcast %parallel_loop3A_400 : i32 to vector<16xi32>
        %parallel_loop3A_402 = arith.shli %parallel_loop3A_394, %parallel_loop3A_401 : vector<16xi32>
        %parallel_loop3A_403 = arith.ori %parallel_loop3A_402, %parallel_loop3A_392 : vector<16xi32>
        %parallel_loop3A_404 = arith.constant 7 : i32
        %parallel_loop3A_405 = vector.broadcast %parallel_loop3A_404 : i32 to vector<16xi32>
        %parallel_loop3A_406 = arith.shrsi %parallel_loop3A_403, %parallel_loop3A_405 : vector<16xi32>
        %parallel_loop3A_407 = arith.constant 127 : i32
        %parallel_loop3A_408 = vector.broadcast %parallel_loop3A_407 : i32 to vector<16xi32>
        %parallel_loop3A_409 = arith.andi %parallel_loop3A_403, %parallel_loop3A_408 : vector<16xi32>
        %parallel_loop3A_410 = arith.constant 5.65685415 : f32
        %parallel_loop3A_411 = vector.broadcast %parallel_loop3A_410 : f32 to vector<16xf32>
        %parallel_loop3A_412 = arith.mulf %parallel_loop3A_399, %parallel_loop3A_411 : vector<16xf32>
        %parallel_loop3A_413 = arith.constant 0 : i32
        %parallel_loop3A_414 = arith.constant 0 : i32
        %parallel_loop3A_415 = tpu.memref_slice %arg8[%rem3A_318, %parallel_loop3A_413, %parallel_loop3A_414] : memref<2x128x128xf32, #tpu.memory_space<vmem>> -> memref<1x128x128xf32, #tpu.memory_space<vmem>>
        %parallel_loop3A_416 = tpu.memref_squeeze %parallel_loop3A_415 : memref<1x128x128xf32, #tpu.memory_space<vmem>> -> memref<128x128xf32, #tpu.memory_space<vmem>>
        tpu.vector_store_idx %parallel_loop3A_416[%parallel_loop3A_406, %parallel_loop3A_409], %parallel_loop3A_412 : memref<128x128xf32, #tpu.memory_space<vmem>>[vector<16xi32>, vector<16xi32>], vector<16xf32>,
        %parallel_loop3A_417 = vector.broadcast %parallel_loop3A_386 : i32 to vector<16xi32>
        %parallel_loop3A_418 = arith.addi %parallel_loop3A_417, %and3A_11 : vector<16xi32>
        %parallel_loop3A_419 = arith.constant 0 : i32
        %parallel_loop3A_420 = arith.constant 0 : i32
        %parallel_loop3A_421 = tpu.memref_slice %arg7[%rem3A_318, %parallel_loop3A_419, %parallel_loop3A_420] : memref<2x32x512xf32, #tpu.memory_space<vmem>> -> memref<1x32x512xf32, #tpu.memory_space<vmem>>
        %parallel_loop3A_422 = tpu.memref_squeeze %parallel_loop3A_421 : memref<1x32x512xf32, #tpu.memory_space<vmem>> -> memref<32x512xf32, #tpu.memory_space<vmem>>
        %parallel_loop3A_423 = tpu.vector_load_idx %parallel_loop3A_422[%parallel_loop3A_392, %parallel_loop3A_418] : memref<32x512xf32, #tpu.memory_space<vmem>>[vector<16xi32>, vector<16xi32>], vector<16xf32>,
        %parallel_loop3A_424 = arith.constant 5 : i32
        %parallel_loop3A_425 = vector.broadcast %parallel_loop3A_424 : i32 to vector<16xi32>
        %parallel_loop3A_426 = arith.shli %parallel_loop3A_418, %parallel_loop3A_425 : vector<16xi32>
        %parallel_loop3A_427 = arith.ori %parallel_loop3A_426, %parallel_loop3A_392 : vector<16xi32>
        %parallel_loop3A_428 = arith.constant 7 : i32
        %parallel_loop3A_429 = vector.broadcast %parallel_loop3A_428 : i32 to vector<16xi32>
        %parallel_loop3A_430 = arith.shrsi %parallel_loop3A_427, %parallel_loop3A_429 : vector<16xi32>
        %parallel_loop3A_431 = arith.constant 127 : i32
        %parallel_loop3A_432 = vector.broadcast %parallel_loop3A_431 : i32 to vector<16xi32>
        %parallel_loop3A_433 = arith.andi %parallel_loop3A_427, %parallel_loop3A_432 : vector<16xi32>
        %parallel_loop3A_434 = arith.constant 5.65685415 : f32
        %parallel_loop3A_435 = vector.broadcast %parallel_loop3A_434 : f32 to vector<16xf32>
        %parallel_loop3A_436 = arith.mulf %parallel_loop3A_423, %parallel_loop3A_435 : vector<16xf32>
        %parallel_loop3A_437 = arith.constant 0 : i32
        %parallel_loop3A_438 = arith.constant 0 : i32
        %parallel_loop3A_439 = tpu.memref_slice %arg8[%rem3A_318, %parallel_loop3A_437, %parallel_loop3A_438] : memref<2x128x128xf32, #tpu.memory_space<vmem>> -> memref<1x128x128xf32, #tpu.memory_space<vmem>>
        %parallel_loop3A_440 = tpu.memref_squeeze %parallel_loop3A_439 : memref<1x128x128xf32, #tpu.memory_space<vmem>> -> memref<128x128xf32, #tpu.memory_space<vmem>>
        tpu.vector_store_idx %parallel_loop3A_440[%parallel_loop3A_430, %parallel_loop3A_433], %parallel_loop3A_436 : memref<128x128xf32, #tpu.memory_space<vmem>>[vector<16xi32>, vector<16xi32>], vector<16xf32>,
        %parallel_loop3A_441 = vector.broadcast %parallel_loop3A_386 : i32 to vector<16xi32>
        %parallel_loop3A_442 = arith.addi %parallel_loop3A_441, %and3A_17 : vector<16xi32>
        %parallel_loop3A_443 = arith.constant 0 : i32
        %parallel_loop3A_444 = arith.constant 0 : i32
        %parallel_loop3A_445 = tpu.memref_slice %arg7[%rem3A_318, %parallel_loop3A_443, %parallel_loop3A_444] : memref<2x32x512xf32, #tpu.memory_space<vmem>> -> memref<1x32x512xf32, #tpu.memory_space<vmem>>
        %parallel_loop3A_446 = tpu.memref_squeeze %parallel_loop3A_445 : memref<1x32x512xf32, #tpu.memory_space<vmem>> -> memref<32x512xf32, #tpu.memory_space<vmem>>
        %parallel_loop3A_447 = tpu.vector_load_idx %parallel_loop3A_446[%parallel_loop3A_392, %parallel_loop3A_442] : memref<32x512xf32, #tpu.memory_space<vmem>>[vector<16xi32>, vector<16xi32>], vector<16xf32>,
        %parallel_loop3A_448 = arith.constant 5 : i32
        %parallel_loop3A_449 = vector.broadcast %parallel_loop3A_448 : i32 to vector<16xi32>
        %parallel_loop3A_450 = arith.shli %parallel_loop3A_442, %parallel_loop3A_449 : vector<16xi32>
        %parallel_loop3A_451 = arith.ori %parallel_loop3A_450, %parallel_loop3A_392 : vector<16xi32>
        %parallel_loop3A_452 = arith.constant 7 : i32
        %parallel_loop3A_453 = vector.broadcast %parallel_loop3A_452 : i32 to vector<16xi32>
        %parallel_loop3A_454 = arith.shrsi %parallel_loop3A_451, %parallel_loop3A_453 : vector<16xi32>
        %parallel_loop3A_455 = arith.constant 127 : i32
        %parallel_loop3A_456 = vector.broadcast %parallel_loop3A_455 : i32 to vector<16xi32>
        %parallel_loop3A_457 = arith.andi %parallel_loop3A_451, %parallel_loop3A_456 : vector<16xi32>
        %parallel_loop3A_458 = arith.constant 5.65685415 : f32
        %parallel_loop3A_459 = vector.broadcast %parallel_loop3A_458 : f32 to vector<16xf32>
        %parallel_loop3A_460 = arith.mulf %parallel_loop3A_447, %parallel_loop3A_459 : vector<16xf32>
        %parallel_loop3A_461 = arith.constant 0 : i32
        %parallel_loop3A_462 = arith.constant 0 : i32
        %parallel_loop3A_463 = tpu.memref_slice %arg8[%rem3A_318, %parallel_loop3A_461, %parallel_loop3A_462] : memref<2x128x128xf32, #tpu.memory_space<vmem>> -> memref<1x128x128xf32, #tpu.memory_space<vmem>>
        %parallel_loop3A_464 = tpu.memref_squeeze %parallel_loop3A_463 : memref<1x128x128xf32, #tpu.memory_space<vmem>> -> memref<128x128xf32, #tpu.memory_space<vmem>>
        tpu.vector_store_idx %parallel_loop3A_464[%parallel_loop3A_454, %parallel_loop3A_457], %parallel_loop3A_460 : memref<128x128xf32, #tpu.memory_space<vmem>>[vector<16xi32>, vector<16xi32>], vector<16xf32>,
        %parallel_loop3A_465 = vector.broadcast %parallel_loop3A_386 : i32 to vector<16xi32>
        %parallel_loop3A_466 = arith.addi %parallel_loop3A_465, %and3A_23 : vector<16xi32>
        %parallel_loop3A_467 = arith.constant 0 : i32
        %parallel_loop3A_468 = arith.constant 0 : i32
        %parallel_loop3A_469 = tpu.memref_slice %arg7[%rem3A_318, %parallel_loop3A_467, %parallel_loop3A_468] : memref<2x32x512xf32, #tpu.memory_space<vmem>> -> memref<1x32x512xf32, #tpu.memory_space<vmem>>
        %parallel_loop3A_470 = tpu.memref_squeeze %parallel_loop3A_469 : memref<1x32x512xf32, #tpu.memory_space<vmem>> -> memref<32x512xf32, #tpu.memory_space<vmem>>
        %parallel_loop3A_471 = tpu.vector_load_idx %parallel_loop3A_470[%parallel_loop3A_392, %parallel_loop3A_466] : memref<32x512xf32, #tpu.memory_space<vmem>>[vector<16xi32>, vector<16xi32>], vector<16xf32>,
        %parallel_loop3A_472 = arith.constant 5 : i32
        %parallel_loop3A_473 = vector.broadcast %parallel_loop3A_472 : i32 to vector<16xi32>
        %parallel_loop3A_474 = arith.shli %parallel_loop3A_466, %parallel_loop3A_473 : vector<16xi32>
        %parallel_loop3A_475 = arith.ori %parallel_loop3A_474, %parallel_loop3A_392 : vector<16xi32>
        %parallel_loop3A_476 = arith.constant 7 : i32
        %parallel_loop3A_477 = vector.broadcast %parallel_loop3A_476 : i32 to vector<16xi32>
        %parallel_loop3A_478 = arith.shrsi %parallel_loop3A_475, %parallel_loop3A_477 : vector<16xi32>
        %parallel_loop3A_479 = arith.constant 127 : i32
        %parallel_loop3A_480 = vector.broadcast %parallel_loop3A_479 : i32 to vector<16xi32>
        %parallel_loop3A_481 = arith.andi %parallel_loop3A_475, %parallel_loop3A_480 : vector<16xi32>
        %parallel_loop3A_482 = arith.constant 5.65685415 : f32
        %parallel_loop3A_483 = vector.broadcast %parallel_loop3A_482 : f32 to vector<16xf32>
        %parallel_loop3A_484 = arith.mulf %parallel_loop3A_471, %parallel_loop3A_483 : vector<16xf32>
        %parallel_loop3A_485 = arith.constant 0 : i32
        %parallel_loop3A_486 = arith.constant 0 : i32
        %parallel_loop3A_487 = tpu.memref_slice %arg8[%rem3A_318, %parallel_loop3A_485, %parallel_loop3A_486] : memref<2x128x128xf32, #tpu.memory_space<vmem>> -> memref<1x128x128xf32, #tpu.memory_space<vmem>>
        %parallel_loop3A_488 = tpu.memref_squeeze %parallel_loop3A_487 : memref<1x128x128xf32, #tpu.memory_space<vmem>> -> memref<128x128xf32, #tpu.memory_space<vmem>>
        tpu.vector_store_idx %parallel_loop3A_488[%parallel_loop3A_478, %parallel_loop3A_481], %parallel_loop3A_484 : memref<128x128xf32, #tpu.memory_space<vmem>>[vector<16xi32>, vector<16xi32>], vector<16xf32>,
        %parallel_loop3A_489 = vector.broadcast %parallel_loop3A_386 : i32 to vector<16xi32>
        %parallel_loop3A_490 = arith.addi %parallel_loop3A_489, %and3A_29 : vector<16xi32>
        %parallel_loop3A_491 = arith.constant 0 : i32
        %parallel_loop3A_492 = arith.constant 0 : i32
        %parallel_loop3A_493 = tpu.memref_slice %arg7[%rem3A_318, %parallel_loop3A_491, %parallel_loop3A_492] : memref<2x32x512xf32, #tpu.memory_space<vmem>> -> memref<1x32x512xf32, #tpu.memory_space<vmem>>
        %parallel_loop3A_494 = tpu.memref_squeeze %parallel_loop3A_493 : memref<1x32x512xf32, #tpu.memory_space<vmem>> -> memref<32x512xf32, #tpu.memory_space<vmem>>
        %parallel_loop3A_495 = tpu.vector_load_idx %parallel_loop3A_494[%parallel_loop3A_392, %parallel_loop3A_490] : memref<32x512xf32, #tpu.memory_space<vmem>>[vector<16xi32>, vector<16xi32>], vector<16xf32>,
        %parallel_loop3A_496 = arith.constant 5 : i32
        %parallel_loop3A_497 = vector.broadcast %parallel_loop3A_496 : i32 to vector<16xi32>
        %parallel_loop3A_498 = arith.shli %parallel_loop3A_490, %parallel_loop3A_497 : vector<16xi32>
        %parallel_loop3A_499 = arith.ori %parallel_loop3A_498, %parallel_loop3A_392 : vector<16xi32>
        %parallel_loop3A_500 = arith.constant 7 : i32
        %parallel_loop3A_501 = vector.broadcast %parallel_loop3A_500 : i32 to vector<16xi32>
        %parallel_loop3A_502 = arith.shrsi %parallel_loop3A_499, %parallel_loop3A_501 : vector<16xi32>
        %parallel_loop3A_503 = arith.constant 127 : i32
        %parallel_loop3A_504 = vector.broadcast %parallel_loop3A_503 : i32 to vector<16xi32>
        %parallel_loop3A_505 = arith.andi %parallel_loop3A_499, %parallel_loop3A_504 : vector<16xi32>
        %parallel_loop3A_506 = arith.constant 5.65685415 : f32
        %parallel_loop3A_507 = vector.broadcast %parallel_loop3A_506 : f32 to vector<16xf32>
        %parallel_loop3A_508 = arith.mulf %parallel_loop3A_495, %parallel_loop3A_507 : vector<16xf32>
        %parallel_loop3A_509 = arith.constant 0 : i32
        %parallel_loop3A_510 = arith.constant 0 : i32
        %parallel_loop3A_511 = tpu.memref_slice %arg8[%rem3A_318, %parallel_loop3A_509, %parallel_loop3A_510] : memref<2x128x128xf32, #tpu.memory_space<vmem>> -> memref<1x128x128xf32, #tpu.memory_space<vmem>>
        %parallel_loop3A_512 = tpu.memref_squeeze %parallel_loop3A_511 : memref<1x128x128xf32, #tpu.memory_space<vmem>> -> memref<128x128xf32, #tpu.memory_space<vmem>>
        tpu.vector_store_idx %parallel_loop3A_512[%parallel_loop3A_502, %parallel_loop3A_505], %parallel_loop3A_508 : memref<128x128xf32, #tpu.memory_space<vmem>>[vector<16xi32>, vector<16xi32>], vector<16xf32>,
        %parallel_loop3A_513 = vector.broadcast %parallel_loop3A_386 : i32 to vector<16xi32>
        %parallel_loop3A_514 = arith.addi %parallel_loop3A_513, %and3A_35 : vector<16xi32>
        %parallel_loop3A_515 = arith.constant 0 : i32
        %parallel_loop3A_516 = arith.constant 0 : i32
        %parallel_loop3A_517 = tpu.memref_slice %arg7[%rem3A_318, %parallel_loop3A_515, %parallel_loop3A_516] : memref<2x32x512xf32, #tpu.memory_space<vmem>> -> memref<1x32x512xf32, #tpu.memory_space<vmem>>
        %parallel_loop3A_518 = tpu.memref_squeeze %parallel_loop3A_517 : memref<1x32x512xf32, #tpu.memory_space<vmem>> -> memref<32x512xf32, #tpu.memory_space<vmem>>
        %parallel_loop3A_519 = tpu.vector_load_idx %parallel_loop3A_518[%parallel_loop3A_392, %parallel_loop3A_514] : memref<32x512xf32, #tpu.memory_space<vmem>>[vector<16xi32>, vector<16xi32>], vector<16xf32>,
        %parallel_loop3A_520 = arith.constant 5 : i32
        %parallel_loop3A_521 = vector.broadcast %parallel_loop3A_520 : i32 to vector<16xi32>
        %parallel_loop3A_522 = arith.shli %parallel_loop3A_514, %parallel_loop3A_521 : vector<16xi32>
        %parallel_loop3A_523 = arith.ori %parallel_loop3A_522, %parallel_loop3A_392 : vector<16xi32>
        %parallel_loop3A_524 = arith.constant 7 : i32
        %parallel_loop3A_525 = vector.broadcast %parallel_loop3A_524 : i32 to vector<16xi32>
        %parallel_loop3A_526 = arith.shrsi %parallel_loop3A_523, %parallel_loop3A_525 : vector<16xi32>
        %parallel_loop3A_527 = arith.constant 127 : i32
        %parallel_loop3A_528 = vector.broadcast %parallel_loop3A_527 : i32 to vector<16xi32>
        %parallel_loop3A_529 = arith.andi %parallel_loop3A_523, %parallel_loop3A_528 : vector<16xi32>
        %parallel_loop3A_530 = arith.constant 5.65685415 : f32
        %parallel_loop3A_531 = vector.broadcast %parallel_loop3A_530 : f32 to vector<16xf32>
        %parallel_loop3A_532 = arith.mulf %parallel_loop3A_519, %parallel_loop3A_531 : vector<16xf32>
        %parallel_loop3A_533 = arith.constant 0 : i32
        %parallel_loop3A_534 = arith.constant 0 : i32
        %parallel_loop3A_535 = tpu.memref_slice %arg8[%rem3A_318, %parallel_loop3A_533, %parallel_loop3A_534] : memref<2x128x128xf32, #tpu.memory_space<vmem>> -> memref<1x128x128xf32, #tpu.memory_space<vmem>>
        %parallel_loop3A_536 = tpu.memref_squeeze %parallel_loop3A_535 : memref<1x128x128xf32, #tpu.memory_space<vmem>> -> memref<128x128xf32, #tpu.memory_space<vmem>>
        tpu.vector_store_idx %parallel_loop3A_536[%parallel_loop3A_526, %parallel_loop3A_529], %parallel_loop3A_532 : memref<128x128xf32, #tpu.memory_space<vmem>>[vector<16xi32>, vector<16xi32>], vector<16xf32>,
        %parallel_loop3A_537 = vector.broadcast %parallel_loop3A_386 : i32 to vector<16xi32>
        %parallel_loop3A_538 = arith.addi %parallel_loop3A_537, %and3A_41 : vector<16xi32>
        %parallel_loop3A_539 = arith.constant 0 : i32
        %parallel_loop3A_540 = arith.constant 0 : i32
        %parallel_loop3A_541 = tpu.memref_slice %arg7[%rem3A_318, %parallel_loop3A_539, %parallel_loop3A_540] : memref<2x32x512xf32, #tpu.memory_space<vmem>> -> memref<1x32x512xf32, #tpu.memory_space<vmem>>
        %parallel_loop3A_542 = tpu.memref_squeeze %parallel_loop3A_541 : memref<1x32x512xf32, #tpu.memory_space<vmem>> -> memref<32x512xf32, #tpu.memory_space<vmem>>
        %parallel_loop3A_543 = tpu.vector_load_idx %parallel_loop3A_542[%parallel_loop3A_392, %parallel_loop3A_538] : memref<32x512xf32, #tpu.memory_space<vmem>>[vector<16xi32>, vector<16xi32>], vector<16xf32>,
        %parallel_loop3A_544 = arith.constant 5 : i32
        %parallel_loop3A_545 = vector.broadcast %parallel_loop3A_544 : i32 to vector<16xi32>
        %parallel_loop3A_546 = arith.shli %parallel_loop3A_538, %parallel_loop3A_545 : vector<16xi32>
        %parallel_loop3A_547 = arith.ori %parallel_loop3A_546, %parallel_loop3A_392 : vector<16xi32>
        %parallel_loop3A_548 = arith.constant 7 : i32
        %parallel_loop3A_549 = vector.broadcast %parallel_loop3A_548 : i32 to vector<16xi32>
        %parallel_loop3A_550 = arith.shrsi %parallel_loop3A_547, %parallel_loop3A_549 : vector<16xi32>
        %parallel_loop3A_551 = arith.constant 127 : i32
        %parallel_loop3A_552 = vector.broadcast %parallel_loop3A_551 : i32 to vector<16xi32>
        %parallel_loop3A_553 = arith.andi %parallel_loop3A_547, %parallel_loop3A_552 : vector<16xi32>
        %parallel_loop3A_554 = arith.constant 5.65685415 : f32
        %parallel_loop3A_555 = vector.broadcast %parallel_loop3A_554 : f32 to vector<16xf32>
        %parallel_loop3A_556 = arith.mulf %parallel_loop3A_543, %parallel_loop3A_555 : vector<16xf32>
        %parallel_loop3A_557 = arith.constant 0 : i32
        %parallel_loop3A_558 = arith.constant 0 : i32
        %parallel_loop3A_559 = tpu.memref_slice %arg8[%rem3A_318, %parallel_loop3A_557, %parallel_loop3A_558] : memref<2x128x128xf32, #tpu.memory_space<vmem>> -> memref<1x128x128xf32, #tpu.memory_space<vmem>>
        %parallel_loop3A_560 = tpu.memref_squeeze %parallel_loop3A_559 : memref<1x128x128xf32, #tpu.memory_space<vmem>> -> memref<128x128xf32, #tpu.memory_space<vmem>>
        tpu.vector_store_idx %parallel_loop3A_560[%parallel_loop3A_550, %parallel_loop3A_553], %parallel_loop3A_556 : memref<128x128xf32, #tpu.memory_space<vmem>>[vector<16xi32>, vector<16xi32>], vector<16xf32>,
        %parallel_loop3A_561 = vector.broadcast %parallel_loop3A_386 : i32 to vector<16xi32>
        %parallel_loop3A_562 = arith.addi %parallel_loop3A_561, %and3A_47 : vector<16xi32>
        %parallel_loop3A_563 = arith.constant 0 : i32
        %parallel_loop3A_564 = arith.constant 0 : i32
        %parallel_loop3A_565 = tpu.memref_slice %arg7[%rem3A_318, %parallel_loop3A_563, %parallel_loop3A_564] : memref<2x32x512xf32, #tpu.memory_space<vmem>> -> memref<1x32x512xf32, #tpu.memory_space<vmem>>
        %parallel_loop3A_566 = tpu.memref_squeeze %parallel_loop3A_565 : memref<1x32x512xf32, #tpu.memory_space<vmem>> -> memref<32x512xf32, #tpu.memory_space<vmem>>
        %parallel_loop3A_567 = tpu.vector_load_idx %parallel_loop3A_566[%parallel_loop3A_392, %parallel_loop3A_562] : memref<32x512xf32, #tpu.memory_space<vmem>>[vector<16xi32>, vector<16xi32>], vector<16xf32>,
        %parallel_loop3A_568 = arith.constant 5 : i32
        %parallel_loop3A_569 = vector.broadcast %parallel_loop3A_568 : i32 to vector<16xi32>
        %parallel_loop3A_570 = arith.shli %parallel_loop3A_562, %parallel_loop3A_569 : vector<16xi32>
        %parallel_loop3A_571 = arith.ori %parallel_loop3A_570, %parallel_loop3A_392 : vector<16xi32>
        %parallel_loop3A_572 = arith.constant 7 : i32
        %parallel_loop3A_573 = vector.broadcast %parallel_loop3A_572 : i32 to vector<16xi32>
        %parallel_loop3A_574 = arith.shrsi %parallel_loop3A_571, %parallel_loop3A_573 : vector<16xi32>
        %parallel_loop3A_575 = arith.constant 127 : i32
        %parallel_loop3A_576 = vector.broadcast %parallel_loop3A_575 : i32 to vector<16xi32>
        %parallel_loop3A_577 = arith.andi %parallel_loop3A_571, %parallel_loop3A_576 : vector<16xi32>
        %parallel_loop3A_578 = arith.constant 5.65685415 : f32
        %parallel_loop3A_579 = vector.broadcast %parallel_loop3A_578 : f32 to vector<16xf32>
        %parallel_loop3A_580 = arith.mulf %parallel_loop3A_567, %parallel_loop3A_579 : vector<16xf32>
        %parallel_loop3A_581 = arith.constant 0 : i32
        %parallel_loop3A_582 = arith.constant 0 : i32
        %parallel_loop3A_583 = tpu.memref_slice %arg8[%rem3A_318, %parallel_loop3A_581, %parallel_loop3A_582] : memref<2x128x128xf32, #tpu.memory_space<vmem>> -> memref<1x128x128xf32, #tpu.memory_space<vmem>>
        %parallel_loop3A_584 = tpu.memref_squeeze %parallel_loop3A_583 : memref<1x128x128xf32, #tpu.memory_space<vmem>> -> memref<128x128xf32, #tpu.memory_space<vmem>>
        tpu.vector_store_idx %parallel_loop3A_584[%parallel_loop3A_574, %parallel_loop3A_577], %parallel_loop3A_580 : memref<128x128xf32, #tpu.memory_space<vmem>>[vector<16xi32>, vector<16xi32>], vector<16xf32>,
        %parallel_loop3A_585 = vector.broadcast %parallel_loop3A_386 : i32 to vector<16xi32>
        %parallel_loop3A_586 = arith.addi %parallel_loop3A_585, %and3A_53 : vector<16xi32>
        %parallel_loop3A_587 = arith.constant 0 : i32
        %parallel_loop3A_588 = arith.constant 0 : i32
        %parallel_loop3A_589 = tpu.memref_slice %arg7[%rem3A_318, %parallel_loop3A_587, %parallel_loop3A_588] : memref<2x32x512xf32, #tpu.memory_space<vmem>> -> memref<1x32x512xf32, #tpu.memory_space<vmem>>
        %parallel_loop3A_590 = tpu.memref_squeeze %parallel_loop3A_589 : memref<1x32x512xf32, #tpu.memory_space<vmem>> -> memref<32x512xf32, #tpu.memory_space<vmem>>
        %parallel_loop3A_591 = tpu.vector_load_idx %parallel_loop3A_590[%parallel_loop3A_392, %parallel_loop3A_586] : memref<32x512xf32, #tpu.memory_space<vmem>>[vector<16xi32>, vector<16xi32>], vector<16xf32>,
        %parallel_loop3A_592 = arith.constant 5 : i32
        %parallel_loop3A_593 = vector.broadcast %parallel_loop3A_592 : i32 to vector<16xi32>
        %parallel_loop3A_594 = arith.shli %parallel_loop3A_586, %parallel_loop3A_593 : vector<16xi32>
        %parallel_loop3A_595 = arith.ori %parallel_loop3A_594, %parallel_loop3A_392 : vector<16xi32>
        %parallel_loop3A_596 = arith.constant 7 : i32
        %parallel_loop3A_597 = vector.broadcast %parallel_loop3A_596 : i32 to vector<16xi32>
        %parallel_loop3A_598 = arith.shrsi %parallel_loop3A_595, %parallel_loop3A_597 : vector<16xi32>
        %parallel_loop3A_599 = arith.constant 127 : i32
        %parallel_loop3A_600 = vector.broadcast %parallel_loop3A_599 : i32 to vector<16xi32>
        %parallel_loop3A_601 = arith.andi %parallel_loop3A_595, %parallel_loop3A_600 : vector<16xi32>
        %parallel_loop3A_602 = arith.constant 5.65685415 : f32
        %parallel_loop3A_603 = vector.broadcast %parallel_loop3A_602 : f32 to vector<16xf32>
        %parallel_loop3A_604 = arith.mulf %parallel_loop3A_591, %parallel_loop3A_603 : vector<16xf32>
        %parallel_loop3A_605 = arith.constant 0 : i32
        %parallel_loop3A_606 = arith.constant 0 : i32
        %parallel_loop3A_607 = tpu.memref_slice %arg8[%rem3A_318, %parallel_loop3A_605, %parallel_loop3A_606] : memref<2x128x128xf32, #tpu.memory_space<vmem>> -> memref<1x128x128xf32, #tpu.memory_space<vmem>>
        %parallel_loop3A_608 = tpu.memref_squeeze %parallel_loop3A_607 : memref<1x128x128xf32, #tpu.memory_space<vmem>> -> memref<128x128xf32, #tpu.memory_space<vmem>>
        tpu.vector_store_idx %parallel_loop3A_608[%parallel_loop3A_598, %parallel_loop3A_601], %parallel_loop3A_604 : memref<128x128xf32, #tpu.memory_space<vmem>>[vector<16xi32>, vector<16xi32>], vector<16xf32>,
        %parallel_loop3A_609 = vector.broadcast %parallel_loop3A_386 : i32 to vector<16xi32>
        %parallel_loop3A_610 = arith.addi %parallel_loop3A_609, %and3A_59 : vector<16xi32>
        %parallel_loop3A_611 = arith.constant 0 : i32
        %parallel_loop3A_612 = arith.constant 0 : i32
        %parallel_loop3A_613 = tpu.memref_slice %arg7[%rem3A_318, %parallel_loop3A_611, %parallel_loop3A_612] : memref<2x32x512xf32, #tpu.memory_space<vmem>> -> memref<1x32x512xf32, #tpu.memory_space<vmem>>
        %parallel_loop3A_614 = tpu.memref_squeeze %parallel_loop3A_613 : memref<1x32x512xf32, #tpu.memory_space<vmem>> -> memref<32x512xf32, #tpu.memory_space<vmem>>
        %parallel_loop3A_615 = tpu.vector_load_idx %parallel_loop3A_614[%parallel_loop3A_392, %parallel_loop3A_610] : memref<32x512xf32, #tpu.memory_space<vmem>>[vector<16xi32>, vector<16xi32>], vector<16xf32>,
        %parallel_loop3A_616 = arith.constant 5 : i32
        %parallel_loop3A_617 = vector.broadcast %parallel_loop3A_616 : i32 to vector<16xi32>
        %parallel_loop3A_618 = arith.shli %parallel_loop3A_610, %parallel_loop3A_617 : vector<16xi32>
        %parallel_loop3A_619 = arith.ori %parallel_loop3A_618, %parallel_loop3A_392 : vector<16xi32>
        %parallel_loop3A_620 = arith.constant 7 : i32
        %parallel_loop3A_621 = vector.broadcast %parallel_loop3A_620 : i32 to vector<16xi32>
        %parallel_loop3A_622 = arith.shrsi %parallel_loop3A_619, %parallel_loop3A_621 : vector<16xi32>
        %parallel_loop3A_623 = arith.constant 127 : i32
        %parallel_loop3A_624 = vector.broadcast %parallel_loop3A_623 : i32 to vector<16xi32>
        %parallel_loop3A_625 = arith.andi %parallel_loop3A_619, %parallel_loop3A_624 : vector<16xi32>
        %parallel_loop3A_626 = arith.constant 5.65685415 : f32
        %parallel_loop3A_627 = vector.broadcast %parallel_loop3A_626 : f32 to vector<16xf32>
        %parallel_loop3A_628 = arith.mulf %parallel_loop3A_615, %parallel_loop3A_627 : vector<16xf32>
        %parallel_loop3A_629 = arith.constant 0 : i32
        %parallel_loop3A_630 = arith.constant 0 : i32
        %parallel_loop3A_631 = tpu.memref_slice %arg8[%rem3A_318, %parallel_loop3A_629, %parallel_loop3A_630] : memref<2x128x128xf32, #tpu.memory_space<vmem>> -> memref<1x128x128xf32, #tpu.memory_space<vmem>>
        %parallel_loop3A_632 = tpu.memref_squeeze %parallel_loop3A_631 : memref<1x128x128xf32, #tpu.memory_space<vmem>> -> memref<128x128xf32, #tpu.memory_space<vmem>>
        tpu.vector_store_idx %parallel_loop3A_632[%parallel_loop3A_622, %parallel_loop3A_625], %parallel_loop3A_628 : memref<128x128xf32, #tpu.memory_space<vmem>>[vector<16xi32>, vector<16xi32>], vector<16xf32>,
        %parallel_loop3A_633 = vector.broadcast %parallel_loop3A_386 : i32 to vector<16xi32>
        %parallel_loop3A_634 = arith.addi %parallel_loop3A_633, %and3A_65 : vector<16xi32>
        %parallel_loop3A_635 = arith.constant 0 : i32
        %parallel_loop3A_636 = arith.constant 0 : i32
        %parallel_loop3A_637 = tpu.memref_slice %arg7[%rem3A_318, %parallel_loop3A_635, %parallel_loop3A_636] : memref<2x32x512xf32, #tpu.memory_space<vmem>> -> memref<1x32x512xf32, #tpu.memory_space<vmem>>
        %parallel_loop3A_638 = tpu.memref_squeeze %parallel_loop3A_637 : memref<1x32x512xf32, #tpu.memory_space<vmem>> -> memref<32x512xf32, #tpu.memory_space<vmem>>
        %parallel_loop3A_639 = tpu.vector_load_idx %parallel_loop3A_638[%parallel_loop3A_392, %parallel_loop3A_634] : memref<32x512xf32, #tpu.memory_space<vmem>>[vector<16xi32>, vector<16xi32>], vector<16xf32>,
        %parallel_loop3A_640 = arith.constant 5 : i32
        %parallel_loop3A_641 = vector.broadcast %parallel_loop3A_640 : i32 to vector<16xi32>
        %parallel_loop3A_642 = arith.shli %parallel_loop3A_634, %parallel_loop3A_641 : vector<16xi32>
        %parallel_loop3A_643 = arith.ori %parallel_loop3A_642, %parallel_loop3A_392 : vector<16xi32>
        %parallel_loop3A_644 = arith.constant 7 : i32
        %parallel_loop3A_645 = vector.broadcast %parallel_loop3A_644 : i32 to vector<16xi32>
        %parallel_loop3A_646 = arith.shrsi %parallel_loop3A_643, %parallel_loop3A_645 : vector<16xi32>
        %parallel_loop3A_647 = arith.constant 127 : i32
        %parallel_loop3A_648 = vector.broadcast %parallel_loop3A_647 : i32 to vector<16xi32>
        %parallel_loop3A_649 = arith.andi %parallel_loop3A_643, %parallel_loop3A_648 : vector<16xi32>
        %parallel_loop3A_650 = arith.constant 5.65685415 : f32
        %parallel_loop3A_651 = vector.broadcast %parallel_loop3A_650 : f32 to vector<16xf32>
        %parallel_loop3A_652 = arith.mulf %parallel_loop3A_639, %parallel_loop3A_651 : vector<16xf32>
        %parallel_loop3A_653 = arith.constant 0 : i32
        %parallel_loop3A_654 = arith.constant 0 : i32
        %parallel_loop3A_655 = tpu.memref_slice %arg8[%rem3A_318, %parallel_loop3A_653, %parallel_loop3A_654] : memref<2x128x128xf32, #tpu.memory_space<vmem>> -> memref<1x128x128xf32, #tpu.memory_space<vmem>>
        %parallel_loop3A_656 = tpu.memref_squeeze %parallel_loop3A_655 : memref<1x128x128xf32, #tpu.memory_space<vmem>> -> memref<128x128xf32, #tpu.memory_space<vmem>>
        tpu.vector_store_idx %parallel_loop3A_656[%parallel_loop3A_646, %parallel_loop3A_649], %parallel_loop3A_652 : memref<128x128xf32, #tpu.memory_space<vmem>>[vector<16xi32>, vector<16xi32>], vector<16xf32>,
        %parallel_loop3A_657 = vector.broadcast %parallel_loop3A_386 : i32 to vector<16xi32>
        %parallel_loop3A_658 = arith.addi %parallel_loop3A_657, %and3A_71 : vector<16xi32>
        %parallel_loop3A_659 = arith.constant 0 : i32
        %parallel_loop3A_660 = arith.constant 0 : i32
        %parallel_loop3A_661 = tpu.memref_slice %arg7[%rem3A_318, %parallel_loop3A_659, %parallel_loop3A_660] : memref<2x32x512xf32, #tpu.memory_space<vmem>> -> memref<1x32x512xf32, #tpu.memory_space<vmem>>
        %parallel_loop3A_662 = tpu.memref_squeeze %parallel_loop3A_661 : memref<1x32x512xf32, #tpu.memory_space<vmem>> -> memref<32x512xf32, #tpu.memory_space<vmem>>
        %parallel_loop3A_663 = tpu.vector_load_idx %parallel_loop3A_662[%parallel_loop3A_392, %parallel_loop3A_658] : memref<32x512xf32, #tpu.memory_space<vmem>>[vector<16xi32>, vector<16xi32>], vector<16xf32>,
        %parallel_loop3A_664 = arith.constant 5 : i32
        %parallel_loop3A_665 = vector.broadcast %parallel_loop3A_664 : i32 to vector<16xi32>
        %parallel_loop3A_666 = arith.shli %parallel_loop3A_658, %parallel_loop3A_665 : vector<16xi32>
        %parallel_loop3A_667 = arith.ori %parallel_loop3A_666, %parallel_loop3A_392 : vector<16xi32>
        %parallel_loop3A_668 = arith.constant 7 : i32
        %parallel_loop3A_669 = vector.broadcast %parallel_loop3A_668 : i32 to vector<16xi32>
        %parallel_loop3A_670 = arith.shrsi %parallel_loop3A_667, %parallel_loop3A_669 : vector<16xi32>
        %parallel_loop3A_671 = arith.constant 127 : i32
        %parallel_loop3A_672 = vector.broadcast %parallel_loop3A_671 : i32 to vector<16xi32>
        %parallel_loop3A_673 = arith.andi %parallel_loop3A_667, %parallel_loop3A_672 : vector<16xi32>
        %parallel_loop3A_674 = arith.constant 5.65685415 : f32
        %parallel_loop3A_675 = vector.broadcast %parallel_loop3A_674 : f32 to vector<16xf32>
        %parallel_loop3A_676 = arith.mulf %parallel_loop3A_663, %parallel_loop3A_675 : vector<16xf32>
        %parallel_loop3A_677 = arith.constant 0 : i32
        %parallel_loop3A_678 = arith.constant 0 : i32
        %parallel_loop3A_679 = tpu.memref_slice %arg8[%rem3A_318, %parallel_loop3A_677, %parallel_loop3A_678] : memref<2x128x128xf32, #tpu.memory_space<vmem>> -> memref<1x128x128xf32, #tpu.memory_space<vmem>>
        %parallel_loop3A_680 = tpu.memref_squeeze %parallel_loop3A_679 : memref<1x128x128xf32, #tpu.memory_space<vmem>> -> memref<128x128xf32, #tpu.memory_space<vmem>>
        tpu.vector_store_idx %parallel_loop3A_680[%parallel_loop3A_670, %parallel_loop3A_673], %parallel_loop3A_676 : memref<128x128xf32, #tpu.memory_space<vmem>>[vector<16xi32>, vector<16xi32>], vector<16xf32>,
        %parallel_loop3A_681 = vector.broadcast %parallel_loop3A_386 : i32 to vector<16xi32>
        %parallel_loop3A_682 = arith.addi %parallel_loop3A_681, %and3A_77 : vector<16xi32>
        %parallel_loop3A_683 = arith.constant 0 : i32
        %parallel_loop3A_684 = arith.constant 0 : i32
        %parallel_loop3A_685 = tpu.memref_slice %arg7[%rem3A_318, %parallel_loop3A_683, %parallel_loop3A_684] : memref<2x32x512xf32, #tpu.memory_space<vmem>> -> memref<1x32x512xf32, #tpu.memory_space<vmem>>
        %parallel_loop3A_686 = tpu.memref_squeeze %parallel_loop3A_685 : memref<1x32x512xf32, #tpu.memory_space<vmem>> -> memref<32x512xf32, #tpu.memory_space<vmem>>
        %parallel_loop3A_687 = tpu.vector_load_idx %parallel_loop3A_686[%parallel_loop3A_392, %parallel_loop3A_682] : memref<32x512xf32, #tpu.memory_space<vmem>>[vector<16xi32>, vector<16xi32>], vector<16xf32>,
        %parallel_loop3A_688 = arith.constant 5 : i32
        %parallel_loop3A_689 = vector.broadcast %parallel_loop3A_688 : i32 to vector<16xi32>
        %parallel_loop3A_690 = arith.shli %parallel_loop3A_682, %parallel_loop3A_689 : vector<16xi32>
        %parallel_loop3A_691 = arith.ori %parallel_loop3A_690, %parallel_loop3A_392 : vector<16xi32>
        %parallel_loop3A_692 = arith.constant 7 : i32
        %parallel_loop3A_693 = vector.broadcast %parallel_loop3A_692 : i32 to vector<16xi32>
        %parallel_loop3A_694 = arith.shrsi %parallel_loop3A_691, %parallel_loop3A_693 : vector<16xi32>
        %parallel_loop3A_695 = arith.constant 127 : i32
        %parallel_loop3A_696 = vector.broadcast %parallel_loop3A_695 : i32 to vector<16xi32>
        %parallel_loop3A_697 = arith.andi %parallel_loop3A_691, %parallel_loop3A_696 : vector<16xi32>
        %parallel_loop3A_698 = arith.constant 5.65685415 : f32
        %parallel_loop3A_699 = vector.broadcast %parallel_loop3A_698 : f32 to vector<16xf32>
        %parallel_loop3A_700 = arith.mulf %parallel_loop3A_687, %parallel_loop3A_699 : vector<16xf32>
        %parallel_loop3A_701 = arith.constant 0 : i32
        %parallel_loop3A_702 = arith.constant 0 : i32
        %parallel_loop3A_703 = tpu.memref_slice %arg8[%rem3A_318, %parallel_loop3A_701, %parallel_loop3A_702] : memref<2x128x128xf32, #tpu.memory_space<vmem>> -> memref<1x128x128xf32, #tpu.memory_space<vmem>>
        %parallel_loop3A_704 = tpu.memref_squeeze %parallel_loop3A_703 : memref<1x128x128xf32, #tpu.memory_space<vmem>> -> memref<128x128xf32, #tpu.memory_space<vmem>>
        tpu.vector_store_idx %parallel_loop3A_704[%parallel_loop3A_694, %parallel_loop3A_697], %parallel_loop3A_700 : memref<128x128xf32, #tpu.memory_space<vmem>>[vector<16xi32>, vector<16xi32>], vector<16xf32>,
        %parallel_loop3A_705 = vector.broadcast %parallel_loop3A_386 : i32 to vector<16xi32>
        %parallel_loop3A_706 = arith.addi %parallel_loop3A_705, %and3A_83 : vector<16xi32>
        %parallel_loop3A_707 = arith.constant 0 : i32
        %parallel_loop3A_708 = arith.constant 0 : i32
        %parallel_loop3A_709 = tpu.memref_slice %arg7[%rem3A_318, %parallel_loop3A_707, %parallel_loop3A_708] : memref<2x32x512xf32, #tpu.memory_space<vmem>> -> memref<1x32x512xf32, #tpu.memory_space<vmem>>
        %parallel_loop3A_710 = tpu.memref_squeeze %parallel_loop3A_709 : memref<1x32x512xf32, #tpu.memory_space<vmem>> -> memref<32x512xf32, #tpu.memory_space<vmem>>
        %parallel_loop3A_711 = tpu.vector_load_idx %parallel_loop3A_710[%parallel_loop3A_392, %parallel_loop3A_706] : memref<32x512xf32, #tpu.memory_space<vmem>>[vector<16xi32>, vector<16xi32>], vector<16xf32>,
        %parallel_loop3A_712 = arith.constant 5 : i32
        %parallel_loop3A_713 = vector.broadcast %parallel_loop3A_712 : i32 to vector<16xi32>
        %parallel_loop3A_714 = arith.shli %parallel_loop3A_706, %parallel_loop3A_713 : vector<16xi32>
        %parallel_loop3A_715 = arith.ori %parallel_loop3A_714, %parallel_loop3A_392 : vector<16xi32>
        %parallel_loop3A_716 = arith.constant 7 : i32
        %parallel_loop3A_717 = vector.broadcast %parallel_loop3A_716 : i32 to vector<16xi32>
        %parallel_loop3A_718 = arith.shrsi %parallel_loop3A_715, %parallel_loop3A_717 : vector<16xi32>
        %parallel_loop3A_719 = arith.constant 127 : i32
        %parallel_loop3A_720 = vector.broadcast %parallel_loop3A_719 : i32 to vector<16xi32>
        %parallel_loop3A_721 = arith.andi %parallel_loop3A_715, %parallel_loop3A_720 : vector<16xi32>
        %parallel_loop3A_722 = arith.constant 5.65685415 : f32
        %parallel_loop3A_723 = vector.broadcast %parallel_loop3A_722 : f32 to vector<16xf32>
        %parallel_loop3A_724 = arith.mulf %parallel_loop3A_711, %parallel_loop3A_723 : vector<16xf32>
        %parallel_loop3A_725 = arith.constant 0 : i32
        %parallel_loop3A_726 = arith.constant 0 : i32
        %parallel_loop3A_727 = tpu.memref_slice %arg8[%rem3A_318, %parallel_loop3A_725, %parallel_loop3A_726] : memref<2x128x128xf32, #tpu.memory_space<vmem>> -> memref<1x128x128xf32, #tpu.memory_space<vmem>>
        %parallel_loop3A_728 = tpu.memref_squeeze %parallel_loop3A_727 : memref<1x128x128xf32, #tpu.memory_space<vmem>> -> memref<128x128xf32, #tpu.memory_space<vmem>>
        tpu.vector_store_idx %parallel_loop3A_728[%parallel_loop3A_718, %parallel_loop3A_721], %parallel_loop3A_724 : memref<128x128xf32, #tpu.memory_space<vmem>>[vector<16xi32>, vector<16xi32>], vector<16xf32>,
        %parallel_loop3A_729 = vector.broadcast %parallel_loop3A_386 : i32 to vector<16xi32>
        %parallel_loop3A_730 = arith.addi %parallel_loop3A_729, %and3A_89 : vector<16xi32>
        %parallel_loop3A_731 = arith.constant 0 : i32
        %parallel_loop3A_732 = arith.constant 0 : i32
        %parallel_loop3A_733 = tpu.memref_slice %arg7[%rem3A_318, %parallel_loop3A_731, %parallel_loop3A_732] : memref<2x32x512xf32, #tpu.memory_space<vmem>> -> memref<1x32x512xf32, #tpu.memory_space<vmem>>
        %parallel_loop3A_734 = tpu.memref_squeeze %parallel_loop3A_733 : memref<1x32x512xf32, #tpu.memory_space<vmem>> -> memref<32x512xf32, #tpu.memory_space<vmem>>
        %parallel_loop3A_735 = tpu.vector_load_idx %parallel_loop3A_734[%parallel_loop3A_392, %parallel_loop3A_730] : memref<32x512xf32, #tpu.memory_space<vmem>>[vector<16xi32>, vector<16xi32>], vector<16xf32>,
        %parallel_loop3A_736 = arith.constant 5 : i32
        %parallel_loop3A_737 = vector.broadcast %parallel_loop3A_736 : i32 to vector<16xi32>
        %parallel_loop3A_738 = arith.shli %parallel_loop3A_730, %parallel_loop3A_737 : vector<16xi32>
        %parallel_loop3A_739 = arith.ori %parallel_loop3A_738, %parallel_loop3A_392 : vector<16xi32>
        %parallel_loop3A_740 = arith.constant 7 : i32
        %parallel_loop3A_741 = vector.broadcast %parallel_loop3A_740 : i32 to vector<16xi32>
        %parallel_loop3A_742 = arith.shrsi %parallel_loop3A_739, %parallel_loop3A_741 : vector<16xi32>
        %parallel_loop3A_743 = arith.constant 127 : i32
        %parallel_loop3A_744 = vector.broadcast %parallel_loop3A_743 : i32 to vector<16xi32>
        %parallel_loop3A_745 = arith.andi %parallel_loop3A_739, %parallel_loop3A_744 : vector<16xi32>
        %parallel_loop3A_746 = arith.constant 5.65685415 : f32
        %parallel_loop3A_747 = vector.broadcast %parallel_loop3A_746 : f32 to vector<16xf32>
        %parallel_loop3A_748 = arith.mulf %parallel_loop3A_735, %parallel_loop3A_747 : vector<16xf32>
        %parallel_loop3A_749 = arith.constant 0 : i32
        %parallel_loop3A_750 = arith.constant 0 : i32
        %parallel_loop3A_751 = tpu.memref_slice %arg8[%rem3A_318, %parallel_loop3A_749, %parallel_loop3A_750] : memref<2x128x128xf32, #tpu.memory_space<vmem>> -> memref<1x128x128xf32, #tpu.memory_space<vmem>>
        %parallel_loop3A_752 = tpu.memref_squeeze %parallel_loop3A_751 : memref<1x128x128xf32, #tpu.memory_space<vmem>> -> memref<128x128xf32, #tpu.memory_space<vmem>>
        tpu.vector_store_idx %parallel_loop3A_752[%parallel_loop3A_742, %parallel_loop3A_745], %parallel_loop3A_748 : memref<128x128xf32, #tpu.memory_space<vmem>>[vector<16xi32>, vector<16xi32>], vector<16xf32>,
        %parallel_loop3A_753 = vector.broadcast %parallel_loop3A_386 : i32 to vector<16xi32>
        %parallel_loop3A_754 = arith.addi %parallel_loop3A_753, %and3A_95 : vector<16xi32>
        %parallel_loop3A_755 = arith.constant 0 : i32
        %parallel_loop3A_756 = arith.constant 0 : i32
        %parallel_loop3A_757 = tpu.memref_slice %arg7[%rem3A_318, %parallel_loop3A_755, %parallel_loop3A_756] : memref<2x32x512xf32, #tpu.memory_space<vmem>> -> memref<1x32x512xf32, #tpu.memory_space<vmem>>
        %parallel_loop3A_758 = tpu.memref_squeeze %parallel_loop3A_757 : memref<1x32x512xf32, #tpu.memory_space<vmem>> -> memref<32x512xf32, #tpu.memory_space<vmem>>
        %parallel_loop3A_759 = tpu.vector_load_idx %parallel_loop3A_758[%parallel_loop3A_392, %parallel_loop3A_754] : memref<32x512xf32, #tpu.memory_space<vmem>>[vector<16xi32>, vector<16xi32>], vector<16xf32>,
        %parallel_loop3A_760 = arith.constant 5 : i32
        %parallel_loop3A_761 = vector.broadcast %parallel_loop3A_760 : i32 to vector<16xi32>
        %parallel_loop3A_762 = arith.shli %parallel_loop3A_754, %parallel_loop3A_761 : vector<16xi32>
        %parallel_loop3A_763 = arith.ori %parallel_loop3A_762, %parallel_loop3A_392 : vector<16xi32>
        %parallel_loop3A_764 = arith.constant 7 : i32
        %parallel_loop3A_765 = vector.broadcast %parallel_loop3A_764 : i32 to vector<16xi32>
        %parallel_loop3A_766 = arith.shrsi %parallel_loop3A_763, %parallel_loop3A_765 : vector<16xi32>
        %parallel_loop3A_767 = arith.constant 127 : i32
        %parallel_loop3A_768 = vector.broadcast %parallel_loop3A_767 : i32 to vector<16xi32>
        %parallel_loop3A_769 = arith.andi %parallel_loop3A_763, %parallel_loop3A_768 : vector<16xi32>
        %parallel_loop3A_770 = arith.constant 5.65685415 : f32
        %parallel_loop3A_771 = vector.broadcast %parallel_loop3A_770 : f32 to vector<16xf32>
        %parallel_loop3A_772 = arith.mulf %parallel_loop3A_759, %parallel_loop3A_771 : vector<16xf32>
        %parallel_loop3A_773 = arith.constant 0 : i32
        %parallel_loop3A_774 = arith.constant 0 : i32
        %parallel_loop3A_775 = tpu.memref_slice %arg8[%rem3A_318, %parallel_loop3A_773, %parallel_loop3A_774] : memref<2x128x128xf32, #tpu.memory_space<vmem>> -> memref<1x128x128xf32, #tpu.memory_space<vmem>>
        %parallel_loop3A_776 = tpu.memref_squeeze %parallel_loop3A_775 : memref<1x128x128xf32, #tpu.memory_space<vmem>> -> memref<128x128xf32, #tpu.memory_space<vmem>>
        tpu.vector_store_idx %parallel_loop3A_776[%parallel_loop3A_766, %parallel_loop3A_769], %parallel_loop3A_772 : memref<128x128xf32, #tpu.memory_space<vmem>>[vector<16xi32>, vector<16xi32>], vector<16xf32>,
      } {sc.loop_unroll_factor = 2 : i64, sc.parallel_access}
      %add3A_351 = arith.constant 2 : i32
      %add3A_352 = arith.addi %scan3A_317, %add3A_351 : i32
      %lt3A = arith.constant 62 : i32
      %lt3A_353 = arith.cmpi slt, %add3A_352, %lt3A : i32
      %convert_element_type3A_354 = arith.extui %lt3A_353 : i1 to i32
      %cond3A_355 = arith.constant 0 : i32
      %cond3A_356 = arith.cmpi ne, %convert_element_type3A_354, %cond3A_355 : i32
      scf.if %cond3A_356 {
        %add3A_382 = arith.constant 2 : i32
        %add3A_383 = arith.addi %scan3A_317, %add3A_382 : i32
        %mul3A_384 = arith.constant 32 : i32
        %mul3A_385 = arith.muli %add3A_383, %mul3A_384 : i32
        %add3A_386 = arith.addi %add3A, %mul3A_385 : i32
        %min3A_387 = arith.constant 1952 : i32
        %min3A_388 = arith.minsi %add3A_386, %min3A_387 : i32
        %mul3A_389 = arith.constant 512 : i32
        %mul3A_390 = arith.muli %min3A_388, %mul3A_389 : i32
        %multiple_of3A_391 = tpu.assume_multiple %mul3A_390, 128 : i32
        %mul3A_392 = arith.constant 128 : i32
        %mul3A_393 = arith.muli %min3A_388, %mul3A_392 : i32
        %multiple_of3A_394 = tpu.assume_multiple %mul3A_393, 32 : i32
        %dma_start3A_395 = arith.constant 0 : i32
        %dma_start3A_396 = arith.constant 0 : i32
        %dma_start3A_397 = tpu.memref_slice %arg7[%rem3A_318, %dma_start3A_395, %dma_start3A_396] : memref<2x32x512xf32, #tpu.memory_space<vmem>> -> memref<1x32x512xf32, #tpu.memory_space<vmem>>
        %dma_start3A_398 = tpu.memref_squeeze %dma_start3A_397 : memref<1x32x512xf32, #tpu.memory_space<vmem>> -> memref<32x512xf32, #tpu.memory_space<vmem>>
        %dma_start3A_399 = arith.constant 0 : i32
        %dma_start3A_400 = tpu.memref_slice %arg3[%dma_start3A_399, %multiple_of3A_391] : memref<32x1000000xf32, #tpu.memory_space<hbm>> -> memref<32x512xf32, #tpu.memory_space<hbm>>
        %dma_start3A_401 = tpu.memref_slice %arg14[%rem3A_318] : memref<2x!tpu.dma_semaphore, #tpu.memory_space<semaphore_mem>> -> memref<1x!tpu.dma_semaphore, #tpu.memory_space<semaphore_mem>>
        %dma_start3A_402 = tpu.memref_squeeze %dma_start3A_401 : memref<1x!tpu.dma_semaphore, #tpu.memory_space<semaphore_mem>> -> memref<!tpu.dma_semaphore, #tpu.memory_space<semaphore_mem>>
        %dma_start3A_403 = arith.constant 0 : i32
        %dma_start3A_404 = arith.constant 0 : i32
        %dma_start3A_405 = tpu.memref_slice %arg7[%rem3A_318, %dma_start3A_403, %dma_start3A_404] : memref<2x32x512xf32, #tpu.memory_space<vmem>> -> memref<1x32x512xf32, #tpu.memory_space<vmem>>
        %dma_start3A_406 = tpu.memref_squeeze %dma_start3A_405 : memref<1x32x512xf32, #tpu.memory_space<vmem>> -> memref<32x512xf32, #tpu.memory_space<vmem>>
        %dma_start3A_407 = arith.constant 0 : i32
        %dma_start3A_408 = tpu.memref_slice %arg3[%dma_start3A_407, %multiple_of3A_391] : memref<32x1000000xf32, #tpu.memory_space<hbm>> -> memref<32x512xf32, #tpu.memory_space<hbm>>
        tpu.enqueue_dma source(%dma_start3A_408 : memref<32x512xf32, #tpu.memory_space<hbm>>) target(%dma_start3A_406 : memref<32x512xf32, #tpu.memory_space<vmem>>) target_semaphore(%dma_start3A_402 : memref<!tpu.dma_semaphore, #tpu.memory_space<semaphore_mem>>)
      } else {
      }
      %mul3A_357 = arith.constant 32 : i32
      %mul3A_358 = arith.muli %scan3A_317, %mul3A_357 : i32
      %add3A_359 = arith.addi %add3A, %mul3A_358 : i32
      %min3A_360 = arith.constant 1952 : i32
      %min3A_361 = arith.minsi %add3A_359, %min3A_360 : i32
      %mul3A_362 = arith.constant 512 : i32
      %mul3A_363 = arith.muli %min3A_361, %mul3A_362 : i32
      %multiple_of3A_364 = tpu.assume_multiple %mul3A_363, 128 : i32
      %mul3A_365 = arith.constant 128 : i32
      %mul3A_366 = arith.muli %min3A_361, %mul3A_365 : i32
      %multiple_of3A_367 = tpu.assume_multiple %mul3A_366, 32 : i32
      %dma_start3A_368 = arith.constant 0 : i32
      %dma_start3A_369 = arith.constant 0 : i32
      %dma_start3A_370 = tpu.memref_slice %arg8[%rem3A_318, %dma_start3A_368, %dma_start3A_369] : memref<2x128x128xf32, #tpu.memory_space<vmem>> -> memref<1x128x128xf32, #tpu.memory_space<vmem>>
      %dma_start3A_371 = tpu.memref_squeeze %dma_start3A_370 : memref<1x128x128xf32, #tpu.memory_space<vmem>> -> memref<128x128xf32, #tpu.memory_space<vmem>>
      %dma_start3A_372 = arith.constant 0 : i32
      %dma_start3A_373 = tpu.memref_slice %arg6[%multiple_of3A_367, %dma_start3A_372] : memref<250000x128xf32, #tpu.memory_space<hbm>> -> memref<128x128xf32, #tpu.memory_space<hbm>>
      %dma_start3A_374 = tpu.memref_slice %arg15[%rem3A_318] : memref<2x!tpu.dma_semaphore, #tpu.memory_space<semaphore_mem>> -> memref<1x!tpu.dma_semaphore, #tpu.memory_space<semaphore_mem>>
      %dma_start3A_375 = tpu.memref_squeeze %dma_start3A_374 : memref<1x!tpu.dma_semaphore, #tpu.memory_space<semaphore_mem>> -> memref<!tpu.dma_semaphore, #tpu.memory_space<semaphore_mem>>
      %dma_start3A_376 = arith.constant 0 : i32
      %dma_start3A_377 = tpu.memref_slice %arg6[%multiple_of3A_367, %dma_start3A_376] : memref<250000x128xf32, #tpu.memory_space<hbm>> -> memref<128x128xf32, #tpu.memory_space<hbm>>
      %dma_start3A_378 = arith.constant 0 : i32
      %dma_start3A_379 = arith.constant 0 : i32
      %dma_start3A_380 = tpu.memref_slice %arg8[%rem3A_318, %dma_start3A_378, %dma_start3A_379] : memref<2x128x128xf32, #tpu.memory_space<vmem>> -> memref<1x128x128xf32, #tpu.memory_space<vmem>>
      %dma_start3A_381 = tpu.memref_squeeze %dma_start3A_380 : memref<1x128x128xf32, #tpu.memory_space<vmem>> -> memref<128x128xf32, #tpu.memory_space<vmem>>
      tpu.enqueue_dma source(%dma_start3A_381 : memref<128x128xf32, #tpu.memory_space<vmem>>) target(%dma_start3A_377 : memref<128x128xf32, #tpu.memory_space<hbm>>) target_semaphore(%dma_start3A_375 : memref<!tpu.dma_semaphore, #tpu.memory_space<semaphore_mem>>)
    }
    %scan3A_149 = arith.constant 62 : i32
    %add3A_150 = arith.constant 1920 : i32
    %add3A_151 = arith.addi %add3A, %add3A_150 : i32
    %min3A_152 = arith.constant 1952 : i32
    %min3A_153 = arith.minsi %add3A_151, %min3A_152 : i32
    %mul3A_154 = arith.constant 512 : i32
    %mul3A_155 = arith.muli %min3A_153, %mul3A_154 : i32
    %multiple_of3A_156 = tpu.assume_multiple %mul3A_155, 128 : i32
    %mul3A_157 = arith.constant 128 : i32
    %mul3A_158 = arith.muli %min3A_153, %mul3A_157 : i32
    %multiple_of3A_159 = tpu.assume_multiple %mul3A_158, 32 : i32
    %dma_wait3A = arith.constant 0 : i32
    %dma_wait3A_160 = arith.constant 0 : i32
    %dma_wait3A_161 = arith.constant 0 : i32
    %dma_wait3A_162 = arith.constant 0 : i32
    %dma_wait3A_163 = tpu.memref_slice %arg8[%dma_wait3A, %dma_wait3A_161, %dma_wait3A_162] : memref<2x128x128xf32, #tpu.memory_space<vmem>> -> memref<1x128x128xf32, #tpu.memory_space<vmem>>
    %dma_wait3A_164 = tpu.memref_squeeze %dma_wait3A_163 : memref<1x128x128xf32, #tpu.memory_space<vmem>> -> memref<128x128xf32, #tpu.memory_space<vmem>>
    %dma_wait3A_165 = arith.constant 0 : i32
    %dma_wait3A_166 = tpu.memref_slice %arg6[%multiple_of3A_159, %dma_wait3A_165] : memref<250000x128xf32, #tpu.memory_space<hbm>> -> memref<128x128xf32, #tpu.memory_space<hbm>>
    %dma_wait3A_167 = tpu.memref_slice %arg15[%dma_wait3A_160] : memref<2x!tpu.dma_semaphore, #tpu.memory_space<semaphore_mem>> -> memref<1x!tpu.dma_semaphore, #tpu.memory_space<semaphore_mem>>
    %dma_wait3A_168 = tpu.memref_squeeze %dma_wait3A_167 : memref<1x!tpu.dma_semaphore, #tpu.memory_space<semaphore_mem>> -> memref<!tpu.dma_semaphore, #tpu.memory_space<semaphore_mem>>
    %dma_wait3A_169 = arith.constant 0 : i32
    %dma_wait3A_170 = tpu.memref_slice %arg6[%multiple_of3A_159, %dma_wait3A_169] : memref<250000x128xf32, #tpu.memory_space<hbm>> -> memref<128x128xf32, #tpu.memory_space<hbm>>
    %dma_wait3A_171 = arith.constant 0 : i32
    %dma_wait3A_172 = arith.constant 0 : i32
    %dma_wait3A_173 = tpu.memref_slice %arg8[%dma_wait3A, %dma_wait3A_171, %dma_wait3A_172] : memref<2x128x128xf32, #tpu.memory_space<vmem>> -> memref<1x128x128xf32, #tpu.memory_space<vmem>>
    %dma_wait3A_174 = tpu.memref_squeeze %dma_wait3A_173 : memref<1x128x128xf32, #tpu.memory_space<vmem>> -> memref<128x128xf32, #tpu.memory_space<vmem>>
    tpu.wait_dma2 semaphore(%dma_wait3A_168 : memref<!tpu.dma_semaphore, #tpu.memory_space<semaphore_mem>>) src(%dma_wait3A_174 : memref<128x128xf32, #tpu.memory_space<vmem>>) dst(%dma_wait3A_170 : memref<128x128xf32, #tpu.memory_space<hbm>>)
    %add3A_175 = arith.constant 1952 : i32
    %add3A_176 = arith.addi %add3A, %add3A_175 : i32
    %min3A_177 = arith.constant 1952 : i32
    %min3A_178 = arith.minsi %add3A_176, %min3A_177 : i32
    %mul3A_179 = arith.constant 512 : i32
    %mul3A_180 = arith.muli %min3A_178, %mul3A_179 : i32
    %multiple_of3A_181 = tpu.assume_multiple %mul3A_180, 128 : i32
    %mul3A_182 = arith.constant 128 : i32
    %mul3A_183 = arith.muli %min3A_178, %mul3A_182 : i32
    %multiple_of3A_184 = tpu.assume_multiple %mul3A_183, 32 : i32
    %dma_wait3A_185 = arith.constant 1 : i32
    %dma_wait3A_186 = arith.constant 1 : i32
    %dma_wait3A_187 = arith.constant 0 : i32
    %dma_wait3A_188 = arith.constant 0 : i32
    %dma_wait3A_189 = tpu.memref_slice %arg8[%dma_wait3A_185, %dma_wait3A_187, %dma_wait3A_188] : memref<2x128x128xf32, #tpu.memory_space<vmem>> -> memref<1x128x128xf32, #tpu.memory_space<vmem>>
    %dma_wait3A_190 = tpu.memref_squeeze %dma_wait3A_189 : memref<1x128x128xf32, #tpu.memory_space<vmem>> -> memref<128x128xf32, #tpu.memory_space<vmem>>
    %dma_wait3A_191 = arith.constant 0 : i32
    %dma_wait3A_192 = tpu.memref_slice %arg6[%multiple_of3A_184, %dma_wait3A_191] : memref<250000x128xf32, #tpu.memory_space<hbm>> -> memref<128x128xf32, #tpu.memory_space<hbm>>
    %dma_wait3A_193 = tpu.memref_slice %arg15[%dma_wait3A_186] : memref<2x!tpu.dma_semaphore, #tpu.memory_space<semaphore_mem>> -> memref<1x!tpu.dma_semaphore, #tpu.memory_space<semaphore_mem>>
    %dma_wait3A_194 = tpu.memref_squeeze %dma_wait3A_193 : memref<1x!tpu.dma_semaphore, #tpu.memory_space<semaphore_mem>> -> memref<!tpu.dma_semaphore, #tpu.memory_space<semaphore_mem>>
    %dma_wait3A_195 = arith.constant 0 : i32
    %dma_wait3A_196 = tpu.memref_slice %arg6[%multiple_of3A_184, %dma_wait3A_195] : memref<250000x128xf32, #tpu.memory_space<hbm>> -> memref<128x128xf32, #tpu.memory_space<hbm>>
    %dma_wait3A_197 = arith.constant 0 : i32
    %dma_wait3A_198 = arith.constant 0 : i32
    %dma_wait3A_199 = tpu.memref_slice %arg8[%dma_wait3A_185, %dma_wait3A_197, %dma_wait3A_198] : memref<2x128x128xf32, #tpu.memory_space<vmem>> -> memref<1x128x128xf32, #tpu.memory_space<vmem>>
    %dma_wait3A_200 = tpu.memref_squeeze %dma_wait3A_199 : memref<1x128x128xf32, #tpu.memory_space<vmem>> -> memref<128x128xf32, #tpu.memory_space<vmem>>
    tpu.wait_dma2 semaphore(%dma_wait3A_194 : memref<!tpu.dma_semaphore, #tpu.memory_space<semaphore_mem>>) src(%dma_wait3A_200 : memref<128x128xf32, #tpu.memory_space<vmem>>) dst(%dma_wait3A_196 : memref<128x128xf32, #tpu.memory_space<hbm>>)
    %eq3A = arith.constant 15 : i32
    %eq3A_201 = arith.cmpi eq, %arg1, %eq3A : i32
    %eq3A_202 = arith.constant 0 : i32
    %eq3A_203 = arith.cmpi eq, %arg0, %eq3A_202 : i32
    %and3A_204 = arith.andi %eq3A_201, %eq3A_203 : i1
    %convert_element_type3A = arith.extui %and3A_204 : i1 to i32
    %cond3A = arith.constant 0 : i32
    %cond3A_205 = arith.cmpi ne, %convert_element_type3A, %cond3A : i32
    scf.if %cond3A_205 {
      %run_scoped3A = arith.constant 0 : i32
      "tpu.region"() ({
        %run_scoped3A_318 = tpu.sem_alloc : memref<!tpu.dma_semaphore, #tpu.memory_space<semaphore_mem>>
        %dma_start3A_319 = arith.constant 0 : i32
        %dma_start3A_320 = arith.constant 0 : i32
        %dma_start3A_321 = tpu.memref_slice %arg8[%run_scoped3A, %dma_start3A_319, %dma_start3A_320] : memref<2x128x128xf32, #tpu.memory_space<vmem>> -> memref<1x16x128xf32, #tpu.memory_space<vmem>>
        %dma_start3A_322 = tpu.memref_squeeze %dma_start3A_321 : memref<1x16x128xf32, #tpu.memory_space<vmem>> -> memref<16x128xf32, #tpu.memory_space<vmem>>
        %dma_start3A_323 = arith.constant 0 : i32
        %dma_start3A_324 = arith.constant 0 : i32
        %dma_start3A_325 = tpu.memref_slice %arg8[%run_scoped3A, %dma_start3A_323, %dma_start3A_324] : memref<2x128x128xf32, #tpu.memory_space<vmem>> -> memref<1x16x128xf32, #tpu.memory_space<vmem>>
        %dma_start3A_326 = tpu.memref_squeeze %dma_start3A_325 : memref<1x16x128xf32, #tpu.memory_space<vmem>> -> memref<16x128xf32, #tpu.memory_space<vmem>>
        tpu.enqueue_dma source(%arg4 : memref<16x128xf32, #tpu.memory_space<hbm>>) target(%dma_start3A_326 : memref<16x128xf32, #tpu.memory_space<vmem>>) target_semaphore(%run_scoped3A_318 : memref<!tpu.dma_semaphore, #tpu.memory_space<semaphore_mem>>)
        %dma_wait3A_327 = arith.constant 0 : i32
        %dma_wait3A_328 = arith.constant 0 : i32
        %dma_wait3A_329 = tpu.memref_slice %arg8[%run_scoped3A, %dma_wait3A_327, %dma_wait3A_328] : memref<2x128x128xf32, #tpu.memory_space<vmem>> -> memref<1x16x128xf32, #tpu.memory_space<vmem>>
        %dma_wait3A_330 = tpu.memref_squeeze %dma_wait3A_329 : memref<1x16x128xf32, #tpu.memory_space<vmem>> -> memref<16x128xf32, #tpu.memory_space<vmem>>
        %dma_wait3A_331 = arith.constant 0 : i32
        %dma_wait3A_332 = arith.constant 0 : i32
        %dma_wait3A_333 = tpu.memref_slice %arg8[%run_scoped3A, %dma_wait3A_331, %dma_wait3A_332] : memref<2x128x128xf32, #tpu.memory_space<vmem>> -> memref<1x16x128xf32, #tpu.memory_space<vmem>>
        %dma_wait3A_334 = tpu.memref_squeeze %dma_wait3A_333 : memref<1x16x128xf32, #tpu.memory_space<vmem>> -> memref<16x128xf32, #tpu.memory_space<vmem>>
        tpu.wait_dma2 semaphore(%run_scoped3A_318 : memref<!tpu.dma_semaphore, #tpu.memory_space<semaphore_mem>>) src(%arg4 : memref<16x128xf32, #tpu.memory_space<hbm>>) dst(%dma_wait3A_334 : memref<16x128xf32, #tpu.memory_space<vmem>>)
        tpu.yield
      }) : () -> ()
      %run_scoped3A_317 = arith.constant 0 : i32
      "tpu.region"() ({
        %run_scoped3A_318 = tpu.sem_alloc : memref<!tpu.dma_semaphore, #tpu.memory_space<semaphore_mem>>
        %dma_start3A_319 = arith.constant 0 : i32
        %dma_start3A_320 = arith.constant 0 : i32
        %dma_start3A_321 = tpu.memref_slice %arg8[%run_scoped3A_317, %dma_start3A_319, %dma_start3A_320] : memref<2x128x128xf32, #tpu.memory_space<vmem>> -> memref<1x16x128xf32, #tpu.memory_space<vmem>>
        %dma_start3A_322 = tpu.memref_squeeze %dma_start3A_321 : memref<1x16x128xf32, #tpu.memory_space<vmem>> -> memref<16x128xf32, #tpu.memory_space<vmem>>
        %dma_start3A_323 = arith.constant 249984 : i32
        %dma_start3A_324 = arith.constant 0 : i32
        %dma_start3A_325 = tpu.memref_slice %arg6[%dma_start3A_323, %dma_start3A_324] : memref<250000x128xf32, #tpu.memory_space<hbm>> -> memref<16x128xf32, #tpu.memory_space<hbm>>
        %dma_start3A_326 = arith.constant 249984 : i32
        %dma_start3A_327 = arith.constant 0 : i32
        %dma_start3A_328 = tpu.memref_slice %arg6[%dma_start3A_326, %dma_start3A_327] : memref<250000x128xf32, #tpu.memory_space<hbm>> -> memref<16x128xf32, #tpu.memory_space<hbm>>
        %dma_start3A_329 = arith.constant 0 : i32
        %dma_start3A_330 = arith.constant 0 : i32
        %dma_start3A_331 = tpu.memref_slice %arg8[%run_scoped3A_317, %dma_start3A_329, %dma_start3A_330] : memref<2x128x128xf32, #tpu.memory_space<vmem>> -> memref<1x16x128xf32, #tpu.memory_space<vmem>>
        %dma_start3A_332 = tpu.memref_squeeze %dma_start3A_331 : memref<1x16x128xf32, #tpu.memory_space<vmem>> -> memref<16x128xf32, #tpu.memory_space<vmem>>
        tpu.enqueue_dma source(%dma_start3A_332 : memref<16x128xf32, #tpu.memory_space<vmem>>) target(%dma_start3A_328 : memref<16x128xf32, #tpu.memory_space<hbm>>) target_semaphore(%run_scoped3A_318 : memref<!tpu.dma_semaphore, #tpu.memory_space<semaphore_mem>>)
        %dma_wait3A_333 = arith.constant 0 : i32
        %dma_wait3A_334 = arith.constant 0 : i32
        %dma_wait3A_335 = tpu.memref_slice %arg8[%run_scoped3A_317, %dma_wait3A_333, %dma_wait3A_334] : memref<2x128x128xf32, #tpu.memory_space<vmem>> -> memref<1x16x128xf32, #tpu.memory_space<vmem>>
        %dma_wait3A_336 = tpu.memref_squeeze %dma_wait3A_335 : memref<1x16x128xf32, #tpu.memory_space<vmem>> -> memref<16x128xf32, #tpu.memory_space<vmem>>
        %dma_wait3A_337 = arith.constant 249984 : i32
        %dma_wait3A_338 = arith.constant 0 : i32
        %dma_wait3A_339 = tpu.memref_slice %arg6[%dma_wait3A_337, %dma_wait3A_338] : memref<250000x128xf32, #tpu.memory_space<hbm>> -> memref<16x128xf32, #tpu.memory_space<hbm>>
        %dma_wait3A_340 = arith.constant 249984 : i32
        %dma_wait3A_341 = arith.constant 0 : i32
        %dma_wait3A_342 = tpu.memref_slice %arg6[%dma_wait3A_340, %dma_wait3A_341] : memref<250000x128xf32, #tpu.memory_space<hbm>> -> memref<16x128xf32, #tpu.memory_space<hbm>>
        %dma_wait3A_343 = arith.constant 0 : i32
        %dma_wait3A_344 = arith.constant 0 : i32
        %dma_wait3A_345 = tpu.memref_slice %arg8[%run_scoped3A_317, %dma_wait3A_343, %dma_wait3A_344] : memref<2x128x128xf32, #tpu.memory_space<vmem>> -> memref<1x16x128xf32, #tpu.memory_space<vmem>>
        %dma_wait3A_346 = tpu.memref_squeeze %dma_wait3A_345 : memref<1x16x128xf32, #tpu.memory_space<vmem>> -> memref<16x128xf32, #tpu.memory_space<vmem>>
        tpu.wait_dma2 semaphore(%run_scoped3A_318 : memref<!tpu.dma_semaphore, #tpu.memory_space<semaphore_mem>>) src(%dma_wait3A_346 : memref<16x128xf32, #tpu.memory_space<vmem>>) dst(%dma_wait3A_342 : memref<16x128xf32, #tpu.memory_space<hbm>>)
        tpu.yield
      }) : () -> ()
    } else {
    }
    %barrier3A = arith.constant 0 : index
    tpu.barrier barrier_id(%barrier3A)
    %sub3A = arith.constant 1 : i32
    %sub3A_206 = arith.subi %sub3A, %arg0 : i32
    %semaphore_signal3A = arith.constant 1 : i32
    tpu.sem_signal %arg19, %semaphore_signal3A : memref<!tpu.semaphore, #tpu.memory_space<semaphore_mem>>
    %semaphore_wait3A = arith.constant 1 : i32
    %semaphore_wait3A_207 = arith.constant true
    tpu.sem_wait %arg19, %semaphore_wait3A : memref<!tpu.semaphore, #tpu.memory_space<semaphore_mem>>
    %mul3A_208 = arith.constant 128 : i32
    %mul3A_209 = arith.muli %add3A, %mul3A_208 : i32
    %multiple_of3A_210 = tpu.assume_multiple %mul3A_209, 128 : i32
    %dma_start3A_211 = arith.constant 0 : i32
    %dma_start3A_212 = arith.constant 0 : i32
    %dma_start3A_213 = arith.constant 0 : i32
    %dma_start3A_214 = arith.constant 0 : i32
    %dma_start3A_215 = tpu.memref_slice %arg9[%dma_start3A_212, %dma_start3A_214] : memref<2x128xi32, #tpu.memory_space<vmem>> -> memref<1x128xi32, #tpu.memory_space<vmem>>
    %dma_start3A_216 = tpu.memref_squeeze %dma_start3A_215 : memref<1x128xi32, #tpu.memory_space<vmem>> -> memref<128xi32, #tpu.memory_space<vmem>>
    %dma_start3A_217 = tpu.memref_slice %arg2[%dma_start3A_211, %multiple_of3A_210] : memref<200x4096xi32, #tpu.memory_space<hbm>> -> memref<1x128xi32, #tpu.memory_space<hbm>>
    %dma_start3A_218 = tpu.memref_squeeze %dma_start3A_217 : memref<1x128xi32, #tpu.memory_space<hbm>> -> memref<128xi32, #tpu.memory_space<hbm>>
    %dma_start3A_219 = tpu.memref_slice %arg16[%dma_start3A_213] : memref<2x!tpu.dma_semaphore, #tpu.memory_space<semaphore_mem>> -> memref<1x!tpu.dma_semaphore, #tpu.memory_space<semaphore_mem>>
    %dma_start3A_220 = tpu.memref_squeeze %dma_start3A_219 : memref<1x!tpu.dma_semaphore, #tpu.memory_space<semaphore_mem>> -> memref<!tpu.dma_semaphore, #tpu.memory_space<semaphore_mem>>
    %dma_start3A_221 = arith.constant 0 : i32
    %dma_start3A_222 = tpu.memref_slice %arg9[%dma_start3A_212, %dma_start3A_221] : memref<2x128xi32, #tpu.memory_space<vmem>> -> memref<1x128xi32, #tpu.memory_space<vmem>>
    %dma_start3A_223 = tpu.memref_squeeze %dma_start3A_222 : memref<1x128xi32, #tpu.memory_space<vmem>> -> memref<128xi32, #tpu.memory_space<vmem>>
    %dma_start3A_224 = tpu.memref_slice %arg2[%dma_start3A_211, %multiple_of3A_210] : memref<200x4096xi32, #tpu.memory_space<hbm>> -> memref<1x128xi32, #tpu.memory_space<hbm>>
    %dma_start3A_225 = tpu.memref_squeeze %dma_start3A_224 : memref<1x128xi32, #tpu.memory_space<hbm>> -> memref<128xi32, #tpu.memory_space<hbm>>
    tpu.enqueue_dma source(%dma_start3A_225 : memref<128xi32, #tpu.memory_space<hbm>>) target(%dma_start3A_223 : memref<128xi32, #tpu.memory_space<vmem>>) target_semaphore(%dma_start3A_220 : memref<!tpu.dma_semaphore, #tpu.memory_space<semaphore_mem>>)
    %dma_start3A_226 = arith.constant 1 : i32
    %dma_start3A_227 = arith.constant 1 : i32
    %dma_start3A_228 = arith.constant 1 : i32
    %dma_start3A_229 = arith.constant 0 : i32
    %dma_start3A_230 = tpu.memref_slice %arg9[%dma_start3A_227, %dma_start3A_229] : memref<2x128xi32, #tpu.memory_space<vmem>> -> memref<1x128xi32, #tpu.memory_space<vmem>>
    %dma_start3A_231 = tpu.memref_squeeze %dma_start3A_230 : memref<1x128xi32, #tpu.memory_space<vmem>> -> memref<128xi32, #tpu.memory_space<vmem>>
    %dma_start3A_232 = tpu.memref_slice %arg2[%dma_start3A_226, %multiple_of3A_210] : memref<200x4096xi32, #tpu.memory_space<hbm>> -> memref<1x128xi32, #tpu.memory_space<hbm>>
    %dma_start3A_233 = tpu.memref_squeeze %dma_start3A_232 : memref<1x128xi32, #tpu.memory_space<hbm>> -> memref<128xi32, #tpu.memory_space<hbm>>
    %dma_start3A_234 = tpu.memref_slice %arg16[%dma_start3A_228] : memref<2x!tpu.dma_semaphore, #tpu.memory_space<semaphore_mem>> -> memref<1x!tpu.dma_semaphore, #tpu.memory_space<semaphore_mem>>
    %dma_start3A_235 = tpu.memref_squeeze %dma_start3A_234 : memref<1x!tpu.dma_semaphore, #tpu.memory_space<semaphore_mem>> -> memref<!tpu.dma_semaphore, #tpu.memory_space<semaphore_mem>>
    %dma_start3A_236 = arith.constant 0 : i32
    %dma_start3A_237 = tpu.memref_slice %arg9[%dma_start3A_227, %dma_start3A_236] : memref<2x128xi32, #tpu.memory_space<vmem>> -> memref<1x128xi32, #tpu.memory_space<vmem>>
    %dma_start3A_238 = tpu.memref_squeeze %dma_start3A_237 : memref<1x128xi32, #tpu.memory_space<vmem>> -> memref<128xi32, #tpu.memory_space<vmem>>
    %dma_start3A_239 = tpu.memref_slice %arg2[%dma_start3A_226, %multiple_of3A_210] : memref<200x4096xi32, #tpu.memory_space<hbm>> -> memref<1x128xi32, #tpu.memory_space<hbm>>
    %dma_start3A_240 = tpu.memref_squeeze %dma_start3A_239 : memref<1x128xi32, #tpu.memory_space<hbm>> -> memref<128xi32, #tpu.memory_space<hbm>>
    tpu.enqueue_dma source(%dma_start3A_240 : memref<128xi32, #tpu.memory_space<hbm>>) target(%dma_start3A_238 : memref<128xi32, #tpu.memory_space<vmem>>) target_semaphore(%dma_start3A_235 : memref<!tpu.dma_semaphore, #tpu.memory_space<semaphore_mem>>)
    %dma_wait3A_241 = arith.constant 0 : i32
    %dma_wait3A_242 = arith.constant 0 : i32
    %dma_wait3A_243 = arith.constant 0 : i32
    %dma_wait3A_244 = arith.constant 0 : i32
    %dma_wait3A_245 = tpu.memref_slice %arg9[%dma_wait3A_242, %dma_wait3A_244] : memref<2x128xi32, #tpu.memory_space<vmem>> -> memref<1x128xi32, #tpu.memory_space<vmem>>
    %dma_wait3A_246 = tpu.memref_squeeze %dma_wait3A_245 : memref<1x128xi32, #tpu.memory_space<vmem>> -> memref<128xi32, #tpu.memory_space<vmem>>
    %dma_wait3A_247 = tpu.memref_slice %arg2[%dma_wait3A_241, %multiple_of3A_210] : memref<200x4096xi32, #tpu.memory_space<hbm>> -> memref<1x128xi32, #tpu.memory_space<hbm>>
    %dma_wait3A_248 = tpu.memref_squeeze %dma_wait3A_247 : memref<1x128xi32, #tpu.memory_space<hbm>> -> memref<128xi32, #tpu.memory_space<hbm>>
    %dma_wait3A_249 = tpu.memref_slice %arg16[%dma_wait3A_243] : memref<2x!tpu.dma_semaphore, #tpu.memory_space<semaphore_mem>> -> memref<1x!tpu.dma_semaphore, #tpu.memory_space<semaphore_mem>>
    %dma_wait3A_250 = tpu.memref_squeeze %dma_wait3A_249 : memref<1x!tpu.dma_semaphore, #tpu.memory_space<semaphore_mem>> -> memref<!tpu.dma_semaphore, #tpu.memory_space<semaphore_mem>>
    %dma_wait3A_251 = arith.constant 0 : i32
    %dma_wait3A_252 = tpu.memref_slice %arg9[%dma_wait3A_242, %dma_wait3A_251] : memref<2x128xi32, #tpu.memory_space<vmem>> -> memref<1x128xi32, #tpu.memory_space<vmem>>
    %dma_wait3A_253 = tpu.memref_squeeze %dma_wait3A_252 : memref<1x128xi32, #tpu.memory_space<vmem>> -> memref<128xi32, #tpu.memory_space<vmem>>
    %dma_wait3A_254 = tpu.memref_slice %arg2[%dma_wait3A_241, %multiple_of3A_210] : memref<200x4096xi32, #tpu.memory_space<hbm>> -> memref<1x128xi32, #tpu.memory_space<hbm>>
    %dma_wait3A_255 = tpu.memref_squeeze %dma_wait3A_254 : memref<1x128xi32, #tpu.memory_space<hbm>> -> memref<128xi32, #tpu.memory_space<hbm>>
    tpu.wait_dma2 semaphore(%dma_wait3A_250 : memref<!tpu.dma_semaphore, #tpu.memory_space<semaphore_mem>>) src(%dma_wait3A_255 : memref<128xi32, #tpu.memory_space<hbm>>) dst(%dma_wait3A_253 : memref<128xi32, #tpu.memory_space<vmem>>)
    %parallel_loop3A = arith.constant 0 : i32
    %parallel_loop3A_256 = arith.constant 8 : i32
    %parallel_loop3A_257 = arith.constant 1 : i32
    scf.for %parallel_loop3A_317 = %parallel_loop3A to %parallel_loop3A_256 step %parallel_loop3A_257  : i32 {
      %parallel_loop3A_318 = arith.constant 4 : i32
      %parallel_loop3A_319 = arith.shli %parallel_loop3A_317, %parallel_loop3A_318 : i32
      %parallel_loop3A_320 = arith.constant 0 : i32
      %parallel_loop3A_321 = arith.index_cast %parallel_loop3A_320 : i32 to index
      %parallel_loop3A_322 = arith.index_cast %parallel_loop3A_319 : i32 to index
      %parallel_loop3A_323 = tpu.vector_load %arg9[%parallel_loop3A_321, %parallel_loop3A_322] {strides = array<i32>} : memref<2x128xi32, #tpu.memory_space<vmem>>, vector<16xi32>,
      %parallel_loop3A_324 = arith.constant 2 : i32
      %parallel_loop3A_325 = vector.broadcast %parallel_loop3A_324 : i32 to vector<16xi32>
      %parallel_loop3A_326 = arith.shrsi %parallel_loop3A_323, %parallel_loop3A_325 : vector<16xi32>
      %parallel_loop3A_327 = arith.constant 4 : i32
      %parallel_loop3A_328 = arith.shli %parallel_loop3A_317, %parallel_loop3A_327 : i32
      %parallel_loop3A_329 = arith.constant 0 : i32
      %parallel_loop3A_330 = arith.index_cast %parallel_loop3A_329 : i32 to index
      %parallel_loop3A_331 = arith.index_cast %parallel_loop3A_328 : i32 to index
      %parallel_loop3A_332 = tpu.vector_load %arg10[%parallel_loop3A_330, %parallel_loop3A_331] {strides = array<i32>} : memref<2x128xi32, #tpu.memory_space<vmem>>, vector<16xi32>,
      tpu.vector_store %arg10[%parallel_loop3A_330, %parallel_loop3A_331], %parallel_loop3A_326 {strides = array<i32>} : memref<2x128xi32, #tpu.memory_space<vmem>>, vector<16xi32>,
      %parallel_loop3A_333 = arith.constant 3 : i32
      %parallel_loop3A_334 = vector.broadcast %parallel_loop3A_333 : i32 to vector<16xi32>
      %parallel_loop3A_335 = arith.andi %parallel_loop3A_323, %parallel_loop3A_334 : vector<16xi32>
      %parallel_loop3A_336 = arith.constant 5 : i32
      %parallel_loop3A_337 = vector.broadcast %parallel_loop3A_336 : i32 to vector<16xi32>
      %parallel_loop3A_338 = arith.shli %parallel_loop3A_335, %parallel_loop3A_337 : vector<16xi32>
      %parallel_loop3A_339 = arith.constant 4 : i32
      %parallel_loop3A_340 = arith.shli %parallel_loop3A_317, %parallel_loop3A_339 : i32
      %parallel_loop3A_341 = arith.constant 0 : i32
      %parallel_loop3A_342 = arith.index_cast %parallel_loop3A_341 : i32 to index
      %parallel_loop3A_343 = arith.index_cast %parallel_loop3A_340 : i32 to index
      %parallel_loop3A_344 = tpu.vector_load %arg11[%parallel_loop3A_342, %parallel_loop3A_343] {strides = array<i32>} : memref<2x128xi32, #tpu.memory_space<vmem>>, vector<16xi32>,
      tpu.vector_store %arg11[%parallel_loop3A_342, %parallel_loop3A_343], %parallel_loop3A_338 {strides = array<i32>} : memref<2x128xi32, #tpu.memory_space<vmem>>, vector<16xi32>,
    } {sc.loop_unroll_factor = 1 : i64, sc.parallel_access}
    %dma_start3A_258 = arith.constant 0 : i32
    %dma_start3A_259 = arith.constant 0 : i32
    %dma_start3A_260 = arith.constant 0 : i32
    %dma_start3A_261 = arith.constant 0 : i32
    %dma_start3A_262 = arith.constant 0 : i32
    %dma_start3A_263 = tpu.memref_slice %arg12[%dma_start3A_259, %dma_start3A_261, %dma_start3A_262] : memref<2x128x128xf32, #tpu.memory_space<vmem>> -> memref<1x128x128xf32, #tpu.memory_space<vmem>>
    %dma_start3A_264 = tpu.memref_squeeze %dma_start3A_263 : memref<1x128x128xf32, #tpu.memory_space<vmem>> -> memref<128x128xf32, #tpu.memory_space<vmem>>
    %dma_start3A_265 = arith.constant 0 : i32
    %dma_start3A_266 = tpu.memref_slice %arg10[%dma_start3A_258, %dma_start3A_265] : memref<2x128xi32, #tpu.memory_space<vmem>> -> memref<1x128xi32, #tpu.memory_space<vmem>>
    %dma_start3A_267 = tpu.memref_squeeze %dma_start3A_266 : memref<1x128xi32, #tpu.memory_space<vmem>> -> memref<128xi32, #tpu.memory_space<vmem>>
    %dma_start3A_268 = arith.constant 0 : i32
    %dma_start3A_269 = arith.constant 0 : i32
    %dma_start3A_270 = tpu.memref_slice %arg6[%dma_start3A_268, %dma_start3A_269] : memref<250000x128xf32, #tpu.memory_space<hbm>> -> memref<250000x128xf32, #tpu.memory_space<hbm>>
    %dma_start3A_271 = tpu.memref_slice %arg17[%dma_start3A_260] : memref<2x!tpu.dma_semaphore, #tpu.memory_space<semaphore_mem>> -> memref<1x!tpu.dma_semaphore, #tpu.memory_space<semaphore_mem>>
    %dma_start3A_272 = tpu.memref_squeeze %dma_start3A_271 : memref<1x!tpu.dma_semaphore, #tpu.memory_space<semaphore_mem>> -> memref<!tpu.dma_semaphore, #tpu.memory_space<semaphore_mem>>
    tpu.enqueue_indirect_dma source(%dma_start3A_270 : memref<250000x128xf32, #tpu.memory_space<hbm>>) target(%dma_start3A_264 : memref<128x128xf32, #tpu.memory_space<vmem>>) offsets(%dma_start3A_267 : memref<128xi32, #tpu.memory_space<vmem>>) semaphore(%dma_start3A_272 : memref<!tpu.dma_semaphore, #tpu.memory_space<semaphore_mem>>)
    %scan3A_273 = arith.constant 0 : i32
    %scan3A_274 = arith.constant 0 : i32
    %scan3A_275 = arith.constant 200 : i32
    %scan3A_276 = arith.addi %scan3A_274, %scan3A_275 : i32
    %scan3A_277 = arith.constant 1 : i32
    scf.for %scan3A_317 = %scan3A_274 to %scan3A_276 step %scan3A_277  : i32 {
      %rem3A = arith.constant 2 : i32
      %rem3A_318 = arith.remsi %scan3A_317, %rem3A : i32
      %sub3A_319 = arith.constant 1 : i32
      %sub3A_320 = arith.subi %sub3A_319, %rem3A_318 : i32
      %dma_wait3A_321 = arith.constant 0 : i32
      %dma_wait3A_322 = arith.constant 0 : i32
      %dma_wait3A_323 = tpu.memref_slice %arg12[%rem3A_318, %dma_wait3A_321, %dma_wait3A_322] : memref<2x128x128xf32, #tpu.memory_space<vmem>> -> memref<1x128x128xf32, #tpu.memory_space<vmem>>
      %dma_wait3A_324 = tpu.memref_squeeze %dma_wait3A_323 : memref<1x128x128xf32, #tpu.memory_space<vmem>> -> memref<128x128xf32, #tpu.memory_space<vmem>>
      %dma_wait3A_325 = arith.constant 0 : i32
      %dma_wait3A_326 = tpu.memref_slice %arg10[%rem3A_318, %dma_wait3A_325] : memref<2x128xi32, #tpu.memory_space<vmem>> -> memref<1x128xi32, #tpu.memory_space<vmem>>
      %dma_wait3A_327 = tpu.memref_squeeze %dma_wait3A_326 : memref<1x128xi32, #tpu.memory_space<vmem>> -> memref<128xi32, #tpu.memory_space<vmem>>
      %dma_wait3A_328 = arith.constant 0 : i32
      %dma_wait3A_329 = arith.constant 0 : i32
      %dma_wait3A_330 = tpu.memref_slice %arg6[%dma_wait3A_328, %dma_wait3A_329] : memref<250000x128xf32, #tpu.memory_space<hbm>> -> memref<250000x128xf32, #tpu.memory_space<hbm>>
      %dma_wait3A_331 = tpu.memref_slice %arg17[%rem3A_318] : memref<2x!tpu.dma_semaphore, #tpu.memory_space<semaphore_mem>> -> memref<1x!tpu.dma_semaphore, #tpu.memory_space<semaphore_mem>>
      %dma_wait3A_332 = tpu.memref_squeeze %dma_wait3A_331 : memref<1x!tpu.dma_semaphore, #tpu.memory_space<semaphore_mem>> -> memref<!tpu.dma_semaphore, #tpu.memory_space<semaphore_mem>>
      tpu.wait_indirect_dma semaphore(%dma_wait3A_332 : memref<!tpu.dma_semaphore, #tpu.memory_space<semaphore_mem>>) src(%dma_wait3A_330 : memref<250000x128xf32, #tpu.memory_space<hbm>>) dst(%dma_wait3A_324 : memref<128x128xf32, #tpu.memory_space<vmem>>)
      %add3A_333 = arith.constant 2 : i32
      %add3A_334 = arith.addi %scan3A_317, %add3A_333 : i32
      %lt3A = arith.constant 200 : i32
      %lt3A_335 = arith.cmpi slt, %add3A_334, %lt3A : i32
      %convert_element_type3A_336 = arith.extui %lt3A_335 : i1 to i32
      %cond3A_337 = arith.constant 0 : i32
      %cond3A_338 = arith.cmpi ne, %convert_element_type3A_336, %cond3A_337 : i32
      scf.if %cond3A_338 {
        %add3A_369 = arith.constant 2 : i32
        %add3A_370 = arith.addi %scan3A_317, %add3A_369 : i32
        %dma_start3A_371 = arith.constant 0 : i32
        %dma_start3A_372 = tpu.memref_slice %arg9[%rem3A_318, %dma_start3A_371] : memref<2x128xi32, #tpu.memory_space<vmem>> -> memref<1x128xi32, #tpu.memory_space<vmem>>
        %dma_start3A_373 = tpu.memref_squeeze %dma_start3A_372 : memref<1x128xi32, #tpu.memory_space<vmem>> -> memref<128xi32, #tpu.memory_space<vmem>>
        %dma_start3A_374 = tpu.memref_slice %arg2[%add3A_370, %multiple_of3A_210] : memref<200x4096xi32, #tpu.memory_space<hbm>> -> memref<1x128xi32, #tpu.memory_space<hbm>>
        %dma_start3A_375 = tpu.memref_squeeze %dma_start3A_374 : memref<1x128xi32, #tpu.memory_space<hbm>> -> memref<128xi32, #tpu.memory_space<hbm>>
        %dma_start3A_376 = tpu.memref_slice %arg16[%rem3A_318] : memref<2x!tpu.dma_semaphore, #tpu.memory_space<semaphore_mem>> -> memref<1x!tpu.dma_semaphore, #tpu.memory_space<semaphore_mem>>
        %dma_start3A_377 = tpu.memref_squeeze %dma_start3A_376 : memref<1x!tpu.dma_semaphore, #tpu.memory_space<semaphore_mem>> -> memref<!tpu.dma_semaphore, #tpu.memory_space<semaphore_mem>>
        %dma_start3A_378 = arith.constant 0 : i32
        %dma_start3A_379 = tpu.memref_slice %arg9[%rem3A_318, %dma_start3A_378] : memref<2x128xi32, #tpu.memory_space<vmem>> -> memref<1x128xi32, #tpu.memory_space<vmem>>
        %dma_start3A_380 = tpu.memref_squeeze %dma_start3A_379 : memref<1x128xi32, #tpu.memory_space<vmem>> -> memref<128xi32, #tpu.memory_space<vmem>>
        %dma_start3A_381 = tpu.memref_slice %arg2[%add3A_370, %multiple_of3A_210] : memref<200x4096xi32, #tpu.memory_space<hbm>> -> memref<1x128xi32, #tpu.memory_space<hbm>>
        %dma_start3A_382 = tpu.memref_squeeze %dma_start3A_381 : memref<1x128xi32, #tpu.memory_space<hbm>> -> memref<128xi32, #tpu.memory_space<hbm>>
        tpu.enqueue_dma source(%dma_start3A_382 : memref<128xi32, #tpu.memory_space<hbm>>) target(%dma_start3A_380 : memref<128xi32, #tpu.memory_space<vmem>>) target_semaphore(%dma_start3A_377 : memref<!tpu.dma_semaphore, #tpu.memory_space<semaphore_mem>>)
      } else {
      }
      %add3A_339 = arith.constant 1 : i32
      %add3A_340 = arith.addi %scan3A_317, %add3A_339 : i32
      %lt3A_341 = arith.constant 200 : i32
      %lt3A_342 = arith.cmpi slt, %add3A_340, %lt3A_341 : i32
      %convert_element_type3A_343 = arith.extui %lt3A_342 : i1 to i32
      %cond3A_344 = arith.constant 0 : i32
      %cond3A_345 = arith.cmpi ne, %convert_element_type3A_343, %cond3A_344 : i32
      scf.if %cond3A_345 {
        %add3A_369 = arith.constant 1 : i32
        %add3A_370 = arith.addi %scan3A_317, %add3A_369 : i32
        %dma_wait3A_371 = arith.constant 0 : i32
        %dma_wait3A_372 = tpu.memref_slice %arg9[%sub3A_320, %dma_wait3A_371] : memref<2x128xi32, #tpu.memory_space<vmem>> -> memref<1x128xi32, #tpu.memory_space<vmem>>
        %dma_wait3A_373 = tpu.memref_squeeze %dma_wait3A_372 : memref<1x128xi32, #tpu.memory_space<vmem>> -> memref<128xi32, #tpu.memory_space<vmem>>
        %dma_wait3A_374 = tpu.memref_slice %arg2[%add3A_370, %multiple_of3A_210] : memref<200x4096xi32, #tpu.memory_space<hbm>> -> memref<1x128xi32, #tpu.memory_space<hbm>>
        %dma_wait3A_375 = tpu.memref_squeeze %dma_wait3A_374 : memref<1x128xi32, #tpu.memory_space<hbm>> -> memref<128xi32, #tpu.memory_space<hbm>>
        %dma_wait3A_376 = tpu.memref_slice %arg16[%sub3A_320] : memref<2x!tpu.dma_semaphore, #tpu.memory_space<semaphore_mem>> -> memref<1x!tpu.dma_semaphore, #tpu.memory_space<semaphore_mem>>
        %dma_wait3A_377 = tpu.memref_squeeze %dma_wait3A_376 : memref<1x!tpu.dma_semaphore, #tpu.memory_space<semaphore_mem>> -> memref<!tpu.dma_semaphore, #tpu.memory_space<semaphore_mem>>
        %dma_wait3A_378 = arith.constant 0 : i32
        %dma_wait3A_379 = tpu.memref_slice %arg9[%sub3A_320, %dma_wait3A_378] : memref<2x128xi32, #tpu.memory_space<vmem>> -> memref<1x128xi32, #tpu.memory_space<vmem>>
        %dma_wait3A_380 = tpu.memref_squeeze %dma_wait3A_379 : memref<1x128xi32, #tpu.memory_space<vmem>> -> memref<128xi32, #tpu.memory_space<vmem>>
        %dma_wait3A_381 = tpu.memref_slice %arg2[%add3A_370, %multiple_of3A_210] : memref<200x4096xi32, #tpu.memory_space<hbm>> -> memref<1x128xi32, #tpu.memory_space<hbm>>
        %dma_wait3A_382 = tpu.memref_squeeze %dma_wait3A_381 : memref<1x128xi32, #tpu.memory_space<hbm>> -> memref<128xi32, #tpu.memory_space<hbm>>
        tpu.wait_dma2 semaphore(%dma_wait3A_377 : memref<!tpu.dma_semaphore, #tpu.memory_space<semaphore_mem>>) src(%dma_wait3A_382 : memref<128xi32, #tpu.memory_space<hbm>>) dst(%dma_wait3A_380 : memref<128xi32, #tpu.memory_space<vmem>>)
        %parallel_loop3A_383 = arith.constant 0 : i32
        %parallel_loop3A_384 = arith.constant 8 : i32
        %parallel_loop3A_385 = arith.constant 1 : i32
        scf.for %parallel_loop3A_398 = %parallel_loop3A_383 to %parallel_loop3A_384 step %parallel_loop3A_385  : i32 {
          %parallel_loop3A_399 = arith.constant 4 : i32
          %parallel_loop3A_400 = arith.shli %parallel_loop3A_398, %parallel_loop3A_399 : i32
          %parallel_loop3A_401 = arith.index_cast %sub3A_320 : i32 to index
          %parallel_loop3A_402 = arith.index_cast %parallel_loop3A_400 : i32 to index
          %parallel_loop3A_403 = tpu.vector_load %arg9[%parallel_loop3A_401, %parallel_loop3A_402] {strides = array<i32>} : memref<2x128xi32, #tpu.memory_space<vmem>>, vector<16xi32>,
          %parallel_loop3A_404 = arith.constant 2 : i32
          %parallel_loop3A_405 = vector.broadcast %parallel_loop3A_404 : i32 to vector<16xi32>
          %parallel_loop3A_406 = arith.shrsi %parallel_loop3A_403, %parallel_loop3A_405 : vector<16xi32>
          %parallel_loop3A_407 = arith.constant 4 : i32
          %parallel_loop3A_408 = arith.shli %parallel_loop3A_398, %parallel_loop3A_407 : i32
          %parallel_loop3A_409 = arith.index_cast %sub3A_320 : i32 to index
          %parallel_loop3A_410 = arith.index_cast %parallel_loop3A_408 : i32 to index
          %parallel_loop3A_411 = tpu.vector_load %arg10[%parallel_loop3A_409, %parallel_loop3A_410] {strides = array<i32>} : memref<2x128xi32, #tpu.memory_space<vmem>>, vector<16xi32>,
          tpu.vector_store %arg10[%parallel_loop3A_409, %parallel_loop3A_410], %parallel_loop3A_406 {strides = array<i32>} : memref<2x128xi32, #tpu.memory_space<vmem>>, vector<16xi32>,
          %parallel_loop3A_412 = arith.constant 3 : i32
          %parallel_loop3A_413 = vector.broadcast %parallel_loop3A_412 : i32 to vector<16xi32>
          %parallel_loop3A_414 = arith.andi %parallel_loop3A_403, %parallel_loop3A_413 : vector<16xi32>
          %parallel_loop3A_415 = arith.constant 5 : i32
          %parallel_loop3A_416 = vector.broadcast %parallel_loop3A_415 : i32 to vector<16xi32>
          %parallel_loop3A_417 = arith.shli %parallel_loop3A_414, %parallel_loop3A_416 : vector<16xi32>
          %parallel_loop3A_418 = arith.constant 4 : i32
          %parallel_loop3A_419 = arith.shli %parallel_loop3A_398, %parallel_loop3A_418 : i32
          %parallel_loop3A_420 = arith.index_cast %sub3A_320 : i32 to index
          %parallel_loop3A_421 = arith.index_cast %parallel_loop3A_419 : i32 to index
          %parallel_loop3A_422 = tpu.vector_load %arg11[%parallel_loop3A_420, %parallel_loop3A_421] {strides = array<i32>} : memref<2x128xi32, #tpu.memory_space<vmem>>, vector<16xi32>,
          tpu.vector_store %arg11[%parallel_loop3A_420, %parallel_loop3A_421], %parallel_loop3A_417 {strides = array<i32>} : memref<2x128xi32, #tpu.memory_space<vmem>>, vector<16xi32>,
        } {sc.loop_unroll_factor = 1 : i64, sc.parallel_access}
        %dma_start3A_386 = arith.constant 0 : i32
        %dma_start3A_387 = arith.constant 0 : i32
        %dma_start3A_388 = tpu.memref_slice %arg12[%sub3A_320, %dma_start3A_386, %dma_start3A_387] : memref<2x128x128xf32, #tpu.memory_space<vmem>> -> memref<1x128x128xf32, #tpu.memory_space<vmem>>
        %dma_start3A_389 = tpu.memref_squeeze %dma_start3A_388 : memref<1x128x128xf32, #tpu.memory_space<vmem>> -> memref<128x128xf32, #tpu.memory_space<vmem>>
        %dma_start3A_390 = arith.constant 0 : i32
        %dma_start3A_391 = tpu.memref_slice %arg10[%sub3A_320, %dma_start3A_390] : memref<2x128xi32, #tpu.memory_space<vmem>> -> memref<1x128xi32, #tpu.memory_space<vmem>>
        %dma_start3A_392 = tpu.memref_squeeze %dma_start3A_391 : memref<1x128xi32, #tpu.memory_space<vmem>> -> memref<128xi32, #tpu.memory_space<vmem>>
        %dma_start3A_393 = arith.constant 0 : i32
        %dma_start3A_394 = arith.constant 0 : i32
        %dma_start3A_395 = tpu.memref_slice %arg6[%dma_start3A_393, %dma_start3A_394] : memref<250000x128xf32, #tpu.memory_space<hbm>> -> memref<250000x128xf32, #tpu.memory_space<hbm>>
        %dma_start3A_396 = tpu.memref_slice %arg17[%sub3A_320] : memref<2x!tpu.dma_semaphore, #tpu.memory_space<semaphore_mem>> -> memref<1x!tpu.dma_semaphore, #tpu.memory_space<semaphore_mem>>
        %dma_start3A_397 = tpu.memref_squeeze %dma_start3A_396 : memref<1x!tpu.dma_semaphore, #tpu.memory_space<semaphore_mem>> -> memref<!tpu.dma_semaphore, #tpu.memory_space<semaphore_mem>>
        tpu.enqueue_indirect_dma source(%dma_start3A_395 : memref<250000x128xf32, #tpu.memory_space<hbm>>) target(%dma_start3A_389 : memref<128x128xf32, #tpu.memory_space<vmem>>) offsets(%dma_start3A_392 : memref<128xi32, #tpu.memory_space<vmem>>) semaphore(%dma_start3A_397 : memref<!tpu.dma_semaphore, #tpu.memory_space<semaphore_mem>>)
      } else {
      }
      %ge3A = arith.constant 2 : i32
      %ge3A_346 = arith.cmpi sge, %scan3A_317, %ge3A : i32
      %convert_element_type3A_347 = arith.extui %ge3A_346 : i1 to i32
      %cond3A_348 = arith.constant 0 : i32
      %cond3A_349 = arith.cmpi ne, %convert_element_type3A_347, %cond3A_348 : i32
      scf.if %cond3A_349 {
        %sub3A_369 = arith.constant 2 : i32
        %sub3A_370 = arith.subi %scan3A_317, %sub3A_369 : i32
        %dma_wait3A_371 = arith.constant 0 : i32
        %dma_wait3A_372 = arith.constant 0 : i32
        %dma_wait3A_373 = tpu.memref_slice %arg13[%rem3A_318, %dma_wait3A_371, %dma_wait3A_372] : memref<2x32x128xf32, #tpu.memory_space<vmem>> -> memref<1x32x128xf32, #tpu.memory_space<vmem>>
        %dma_wait3A_374 = tpu.memref_squeeze %dma_wait3A_373 : memref<1x32x128xf32, #tpu.memory_space<vmem>> -> memref<32x128xf32, #tpu.memory_space<vmem>>
        %dma_wait3A_375 = arith.constant 0 : i32
        %dma_wait3A_376 = tpu.memref_slice %arg5[%sub3A_370, %dma_wait3A_375, %multiple_of3A_210] : memref<200x32x4096xf32, #tpu.memory_space<hbm>> -> memref<1x32x128xf32, #tpu.memory_space<hbm>>
        %dma_wait3A_377 = tpu.memref_squeeze %dma_wait3A_376 : memref<1x32x128xf32, #tpu.memory_space<hbm>> -> memref<32x128xf32, #tpu.memory_space<hbm>>
        %dma_wait3A_378 = tpu.memref_slice %arg18[%rem3A_318] : memref<2x!tpu.dma_semaphore, #tpu.memory_space<semaphore_mem>> -> memref<1x!tpu.dma_semaphore, #tpu.memory_space<semaphore_mem>>
        %dma_wait3A_379 = tpu.memref_squeeze %dma_wait3A_378 : memref<1x!tpu.dma_semaphore, #tpu.memory_space<semaphore_mem>> -> memref<!tpu.dma_semaphore, #tpu.memory_space<semaphore_mem>>
        %dma_wait3A_380 = arith.constant 0 : i32
        %dma_wait3A_381 = tpu.memref_slice %arg5[%sub3A_370, %dma_wait3A_380, %multiple_of3A_210] : memref<200x32x4096xf32, #tpu.memory_space<hbm>> -> memref<1x32x128xf32, #tpu.memory_space<hbm>>
        %dma_wait3A_382 = tpu.memref_squeeze %dma_wait3A_381 : memref<1x32x128xf32, #tpu.memory_space<hbm>> -> memref<32x128xf32, #tpu.memory_space<hbm>>
        %dma_wait3A_383 = arith.constant 0 : i32
        %dma_wait3A_384 = arith.constant 0 : i32
        %dma_wait3A_385 = tpu.memref_slice %arg13[%rem3A_318, %dma_wait3A_383, %dma_wait3A_384] : memref<2x32x128xf32, #tpu.memory_space<vmem>> -> memref<1x32x128xf32, #tpu.memory_space<vmem>>
        %dma_wait3A_386 = tpu.memref_squeeze %dma_wait3A_385 : memref<1x32x128xf32, #tpu.memory_space<vmem>> -> memref<32x128xf32, #tpu.memory_space<vmem>>
        tpu.wait_dma2 semaphore(%dma_wait3A_379 : memref<!tpu.dma_semaphore, #tpu.memory_space<semaphore_mem>>) src(%dma_wait3A_386 : memref<32x128xf32, #tpu.memory_space<vmem>>) dst(%dma_wait3A_382 : memref<32x128xf32, #tpu.memory_space<hbm>>)
      } else {
      }
      %parallel_loop3A_350 = arith.constant 0 : i32
      %parallel_loop3A_351 = arith.constant 16 : i32
      %parallel_loop3A_352 = arith.constant 1 : i32
      scf.for %parallel_loop3A_369 = %parallel_loop3A_350 to %parallel_loop3A_351 step %parallel_loop3A_352  : i32 {
        %parallel_loop3A_370 = arith.constant 1 : i32
        %parallel_loop3A_371 = arith.shrsi %parallel_loop3A_369, %parallel_loop3A_370 : i32
        %parallel_loop3A_372 = arith.constant 4 : i32
        %parallel_loop3A_373 = arith.shli %parallel_loop3A_371, %parallel_loop3A_372 : i32
        %parallel_loop3A_374 = arith.constant 1 : i32
        %parallel_loop3A_375 = arith.andi %parallel_loop3A_369, %parallel_loop3A_374 : i32
        %parallel_loop3A_376 = arith.constant 4 : i32
        %parallel_loop3A_377 = arith.shli %parallel_loop3A_375, %parallel_loop3A_376 : i32
        %parallel_loop3A_378 = vector.broadcast %parallel_loop3A_373 : i32 to vector<16xi32>
        %parallel_loop3A_379 = arith.addi %iota3A, %parallel_loop3A_378 : vector<16xi32>
        %parallel_loop3A_380 = arith.index_cast %rem3A_318 : i32 to index
        %parallel_loop3A_381 = arith.index_cast %parallel_loop3A_373 : i32 to index
        %parallel_loop3A_382 = tpu.vector_load %arg11[%parallel_loop3A_380, %parallel_loop3A_381] {strides = array<i32>} : memref<2x128xi32, #tpu.memory_space<vmem>>, vector<16xi32>,
        %parallel_loop3A_383 = vector.broadcast %parallel_loop3A_377 : i32 to vector<16xi32>
        %parallel_loop3A_384 = arith.addi %parallel_loop3A_383, %and3A_5 : vector<16xi32>
        %parallel_loop3A_385 = arith.addi %parallel_loop3A_382, %parallel_loop3A_384 : vector<16xi32>
        %parallel_loop3A_386 = arith.constant 0 : i32
        %parallel_loop3A_387 = arith.constant 0 : i32
        %parallel_loop3A_388 = tpu.memref_slice %arg12[%rem3A_318, %parallel_loop3A_386, %parallel_loop3A_387] : memref<2x128x128xf32, #tpu.memory_space<vmem>> -> memref<1x128x128xf32, #tpu.memory_space<vmem>>
        %parallel_loop3A_389 = tpu.memref_squeeze %parallel_loop3A_388 : memref<1x128x128xf32, #tpu.memory_space<vmem>> -> memref<128x128xf32, #tpu.memory_space<vmem>>
        %parallel_loop3A_390 = tpu.vector_load_idx %parallel_loop3A_389[%parallel_loop3A_379, %parallel_loop3A_385] : memref<128x128xf32, #tpu.memory_space<vmem>>[vector<16xi32>, vector<16xi32>], vector<16xf32>,
        %parallel_loop3A_391 = arith.constant 0 : i32
        %parallel_loop3A_392 = arith.constant 0 : i32
        %parallel_loop3A_393 = tpu.memref_slice %arg13[%rem3A_318, %parallel_loop3A_391, %parallel_loop3A_392] : memref<2x32x128xf32, #tpu.memory_space<vmem>> -> memref<1x32x128xf32, #tpu.memory_space<vmem>>
        %parallel_loop3A_394 = tpu.memref_squeeze %parallel_loop3A_393 : memref<1x32x128xf32, #tpu.memory_space<vmem>> -> memref<32x128xf32, #tpu.memory_space<vmem>>
        tpu.vector_store_idx %parallel_loop3A_394[%parallel_loop3A_384, %parallel_loop3A_379], %parallel_loop3A_390 : memref<32x128xf32, #tpu.memory_space<vmem>>[vector<16xi32>, vector<16xi32>], vector<16xf32>,
        %parallel_loop3A_395 = vector.broadcast %parallel_loop3A_377 : i32 to vector<16xi32>
        %parallel_loop3A_396 = arith.addi %parallel_loop3A_395, %and3A_11 : vector<16xi32>
        %parallel_loop3A_397 = arith.addi %parallel_loop3A_382, %parallel_loop3A_396 : vector<16xi32>
        %parallel_loop3A_398 = arith.constant 0 : i32
        %parallel_loop3A_399 = arith.constant 0 : i32
        %parallel_loop3A_400 = tpu.memref_slice %arg12[%rem3A_318, %parallel_loop3A_398, %parallel_loop3A_399] : memref<2x128x128xf32, #tpu.memory_space<vmem>> -> memref<1x128x128xf32, #tpu.memory_space<vmem>>
        %parallel_loop3A_401 = tpu.memref_squeeze %parallel_loop3A_400 : memref<1x128x128xf32, #tpu.memory_space<vmem>> -> memref<128x128xf32, #tpu.memory_space<vmem>>
        %parallel_loop3A_402 = tpu.vector_load_idx %parallel_loop3A_401[%parallel_loop3A_379, %parallel_loop3A_397] : memref<128x128xf32, #tpu.memory_space<vmem>>[vector<16xi32>, vector<16xi32>], vector<16xf32>,
        %parallel_loop3A_403 = arith.constant 0 : i32
        %parallel_loop3A_404 = arith.constant 0 : i32
        %parallel_loop3A_405 = tpu.memref_slice %arg13[%rem3A_318, %parallel_loop3A_403, %parallel_loop3A_404] : memref<2x32x128xf32, #tpu.memory_space<vmem>> -> memref<1x32x128xf32, #tpu.memory_space<vmem>>
        %parallel_loop3A_406 = tpu.memref_squeeze %parallel_loop3A_405 : memref<1x32x128xf32, #tpu.memory_space<vmem>> -> memref<32x128xf32, #tpu.memory_space<vmem>>
        tpu.vector_store_idx %parallel_loop3A_406[%parallel_loop3A_396, %parallel_loop3A_379], %parallel_loop3A_402 : memref<32x128xf32, #tpu.memory_space<vmem>>[vector<16xi32>, vector<16xi32>], vector<16xf32>,
        %parallel_loop3A_407 = vector.broadcast %parallel_loop3A_377 : i32 to vector<16xi32>
        %parallel_loop3A_408 = arith.addi %parallel_loop3A_407, %and3A_17 : vector<16xi32>
        %parallel_loop3A_409 = arith.addi %parallel_loop3A_382, %parallel_loop3A_408 : vector<16xi32>
        %parallel_loop3A_410 = arith.constant 0 : i32
        %parallel_loop3A_411 = arith.constant 0 : i32
        %parallel_loop3A_412 = tpu.memref_slice %arg12[%rem3A_318, %parallel_loop3A_410, %parallel_loop3A_411] : memref<2x128x128xf32, #tpu.memory_space<vmem>> -> memref<1x128x128xf32, #tpu.memory_space<vmem>>
        %parallel_loop3A_413 = tpu.memref_squeeze %parallel_loop3A_412 : memref<1x128x128xf32, #tpu.memory_space<vmem>> -> memref<128x128xf32, #tpu.memory_space<vmem>>
        %parallel_loop3A_414 = tpu.vector_load_idx %parallel_loop3A_413[%parallel_loop3A_379, %parallel_loop3A_409] : memref<128x128xf32, #tpu.memory_space<vmem>>[vector<16xi32>, vector<16xi32>], vector<16xf32>,
        %parallel_loop3A_415 = arith.constant 0 : i32
        %parallel_loop3A_416 = arith.constant 0 : i32
        %parallel_loop3A_417 = tpu.memref_slice %arg13[%rem3A_318, %parallel_loop3A_415, %parallel_loop3A_416] : memref<2x32x128xf32, #tpu.memory_space<vmem>> -> memref<1x32x128xf32, #tpu.memory_space<vmem>>
        %parallel_loop3A_418 = tpu.memref_squeeze %parallel_loop3A_417 : memref<1x32x128xf32, #tpu.memory_space<vmem>> -> memref<32x128xf32, #tpu.memory_space<vmem>>
        tpu.vector_store_idx %parallel_loop3A_418[%parallel_loop3A_408, %parallel_loop3A_379], %parallel_loop3A_414 : memref<32x128xf32, #tpu.memory_space<vmem>>[vector<16xi32>, vector<16xi32>], vector<16xf32>,
        %parallel_loop3A_419 = vector.broadcast %parallel_loop3A_377 : i32 to vector<16xi32>
        %parallel_loop3A_420 = arith.addi %parallel_loop3A_419, %and3A_23 : vector<16xi32>
        %parallel_loop3A_421 = arith.addi %parallel_loop3A_382, %parallel_loop3A_420 : vector<16xi32>
        %parallel_loop3A_422 = arith.constant 0 : i32
        %parallel_loop3A_423 = arith.constant 0 : i32
        %parallel_loop3A_424 = tpu.memref_slice %arg12[%rem3A_318, %parallel_loop3A_422, %parallel_loop3A_423] : memref<2x128x128xf32, #tpu.memory_space<vmem>> -> memref<1x128x128xf32, #tpu.memory_space<vmem>>
        %parallel_loop3A_425 = tpu.memref_squeeze %parallel_loop3A_424 : memref<1x128x128xf32, #tpu.memory_space<vmem>> -> memref<128x128xf32, #tpu.memory_space<vmem>>
        %parallel_loop3A_426 = tpu.vector_load_idx %parallel_loop3A_425[%parallel_loop3A_379, %parallel_loop3A_421] : memref<128x128xf32, #tpu.memory_space<vmem>>[vector<16xi32>, vector<16xi32>], vector<16xf32>,
        %parallel_loop3A_427 = arith.constant 0 : i32
        %parallel_loop3A_428 = arith.constant 0 : i32
        %parallel_loop3A_429 = tpu.memref_slice %arg13[%rem3A_318, %parallel_loop3A_427, %parallel_loop3A_428] : memref<2x32x128xf32, #tpu.memory_space<vmem>> -> memref<1x32x128xf32, #tpu.memory_space<vmem>>
        %parallel_loop3A_430 = tpu.memref_squeeze %parallel_loop3A_429 : memref<1x32x128xf32, #tpu.memory_space<vmem>> -> memref<32x128xf32, #tpu.memory_space<vmem>>
        tpu.vector_store_idx %parallel_loop3A_430[%parallel_loop3A_420, %parallel_loop3A_379], %parallel_loop3A_426 : memref<32x128xf32, #tpu.memory_space<vmem>>[vector<16xi32>, vector<16xi32>], vector<16xf32>,
        %parallel_loop3A_431 = vector.broadcast %parallel_loop3A_377 : i32 to vector<16xi32>
        %parallel_loop3A_432 = arith.addi %parallel_loop3A_431, %and3A_29 : vector<16xi32>
        %parallel_loop3A_433 = arith.addi %parallel_loop3A_382, %parallel_loop3A_432 : vector<16xi32>
        %parallel_loop3A_434 = arith.constant 0 : i32
        %parallel_loop3A_435 = arith.constant 0 : i32
        %parallel_loop3A_436 = tpu.memref_slice %arg12[%rem3A_318, %parallel_loop3A_434, %parallel_loop3A_435] : memref<2x128x128xf32, #tpu.memory_space<vmem>> -> memref<1x128x128xf32, #tpu.memory_space<vmem>>
        %parallel_loop3A_437 = tpu.memref_squeeze %parallel_loop3A_436 : memref<1x128x128xf32, #tpu.memory_space<vmem>> -> memref<128x128xf32, #tpu.memory_space<vmem>>
        %parallel_loop3A_438 = tpu.vector_load_idx %parallel_loop3A_437[%parallel_loop3A_379, %parallel_loop3A_433] : memref<128x128xf32, #tpu.memory_space<vmem>>[vector<16xi32>, vector<16xi32>], vector<16xf32>,
        %parallel_loop3A_439 = arith.constant 0 : i32
        %parallel_loop3A_440 = arith.constant 0 : i32
        %parallel_loop3A_441 = tpu.memref_slice %arg13[%rem3A_318, %parallel_loop3A_439, %parallel_loop3A_440] : memref<2x32x128xf32, #tpu.memory_space<vmem>> -> memref<1x32x128xf32, #tpu.memory_space<vmem>>
        %parallel_loop3A_442 = tpu.memref_squeeze %parallel_loop3A_441 : memref<1x32x128xf32, #tpu.memory_space<vmem>> -> memref<32x128xf32, #tpu.memory_space<vmem>>
        tpu.vector_store_idx %parallel_loop3A_442[%parallel_loop3A_432, %parallel_loop3A_379], %parallel_loop3A_438 : memref<32x128xf32, #tpu.memory_space<vmem>>[vector<16xi32>, vector<16xi32>], vector<16xf32>,
        %parallel_loop3A_443 = vector.broadcast %parallel_loop3A_377 : i32 to vector<16xi32>
        %parallel_loop3A_444 = arith.addi %parallel_loop3A_443, %and3A_35 : vector<16xi32>
        %parallel_loop3A_445 = arith.addi %parallel_loop3A_382, %parallel_loop3A_444 : vector<16xi32>
        %parallel_loop3A_446 = arith.constant 0 : i32
        %parallel_loop3A_447 = arith.constant 0 : i32
        %parallel_loop3A_448 = tpu.memref_slice %arg12[%rem3A_318, %parallel_loop3A_446, %parallel_loop3A_447] : memref<2x128x128xf32, #tpu.memory_space<vmem>> -> memref<1x128x128xf32, #tpu.memory_space<vmem>>
        %parallel_loop3A_449 = tpu.memref_squeeze %parallel_loop3A_448 : memref<1x128x128xf32, #tpu.memory_space<vmem>> -> memref<128x128xf32, #tpu.memory_space<vmem>>
        %parallel_loop3A_450 = tpu.vector_load_idx %parallel_loop3A_449[%parallel_loop3A_379, %parallel_loop3A_445] : memref<128x128xf32, #tpu.memory_space<vmem>>[vector<16xi32>, vector<16xi32>], vector<16xf32>,
        %parallel_loop3A_451 = arith.constant 0 : i32
        %parallel_loop3A_452 = arith.constant 0 : i32
        %parallel_loop3A_453 = tpu.memref_slice %arg13[%rem3A_318, %parallel_loop3A_451, %parallel_loop3A_452] : memref<2x32x128xf32, #tpu.memory_space<vmem>> -> memref<1x32x128xf32, #tpu.memory_space<vmem>>
        %parallel_loop3A_454 = tpu.memref_squeeze %parallel_loop3A_453 : memref<1x32x128xf32, #tpu.memory_space<vmem>> -> memref<32x128xf32, #tpu.memory_space<vmem>>
        tpu.vector_store_idx %parallel_loop3A_454[%parallel_loop3A_444, %parallel_loop3A_379], %parallel_loop3A_450 : memref<32x128xf32, #tpu.memory_space<vmem>>[vector<16xi32>, vector<16xi32>], vector<16xf32>,
        %parallel_loop3A_455 = vector.broadcast %parallel_loop3A_377 : i32 to vector<16xi32>
        %parallel_loop3A_456 = arith.addi %parallel_loop3A_455, %and3A_41 : vector<16xi32>
        %parallel_loop3A_457 = arith.addi %parallel_loop3A_382, %parallel_loop3A_456 : vector<16xi32>
        %parallel_loop3A_458 = arith.constant 0 : i32
        %parallel_loop3A_459 = arith.constant 0 : i32
        %parallel_loop3A_460 = tpu.memref_slice %arg12[%rem3A_318, %parallel_loop3A_458, %parallel_loop3A_459] : memref<2x128x128xf32, #tpu.memory_space<vmem>> -> memref<1x128x128xf32, #tpu.memory_space<vmem>>
        %parallel_loop3A_461 = tpu.memref_squeeze %parallel_loop3A_460 : memref<1x128x128xf32, #tpu.memory_space<vmem>> -> memref<128x128xf32, #tpu.memory_space<vmem>>
        %parallel_loop3A_462 = tpu.vector_load_idx %parallel_loop3A_461[%parallel_loop3A_379, %parallel_loop3A_457] : memref<128x128xf32, #tpu.memory_space<vmem>>[vector<16xi32>, vector<16xi32>], vector<16xf32>,
        %parallel_loop3A_463 = arith.constant 0 : i32
        %parallel_loop3A_464 = arith.constant 0 : i32
        %parallel_loop3A_465 = tpu.memref_slice %arg13[%rem3A_318, %parallel_loop3A_463, %parallel_loop3A_464] : memref<2x32x128xf32, #tpu.memory_space<vmem>> -> memref<1x32x128xf32, #tpu.memory_space<vmem>>
        %parallel_loop3A_466 = tpu.memref_squeeze %parallel_loop3A_465 : memref<1x32x128xf32, #tpu.memory_space<vmem>> -> memref<32x128xf32, #tpu.memory_space<vmem>>
        tpu.vector_store_idx %parallel_loop3A_466[%parallel_loop3A_456, %parallel_loop3A_379], %parallel_loop3A_462 : memref<32x128xf32, #tpu.memory_space<vmem>>[vector<16xi32>, vector<16xi32>], vector<16xf32>,
        %parallel_loop3A_467 = vector.broadcast %parallel_loop3A_377 : i32 to vector<16xi32>
        %parallel_loop3A_468 = arith.addi %parallel_loop3A_467, %and3A_47 : vector<16xi32>
        %parallel_loop3A_469 = arith.addi %parallel_loop3A_382, %parallel_loop3A_468 : vector<16xi32>
        %parallel_loop3A_470 = arith.constant 0 : i32
        %parallel_loop3A_471 = arith.constant 0 : i32
        %parallel_loop3A_472 = tpu.memref_slice %arg12[%rem3A_318, %parallel_loop3A_470, %parallel_loop3A_471] : memref<2x128x128xf32, #tpu.memory_space<vmem>> -> memref<1x128x128xf32, #tpu.memory_space<vmem>>
        %parallel_loop3A_473 = tpu.memref_squeeze %parallel_loop3A_472 : memref<1x128x128xf32, #tpu.memory_space<vmem>> -> memref<128x128xf32, #tpu.memory_space<vmem>>
        %parallel_loop3A_474 = tpu.vector_load_idx %parallel_loop3A_473[%parallel_loop3A_379, %parallel_loop3A_469] : memref<128x128xf32, #tpu.memory_space<vmem>>[vector<16xi32>, vector<16xi32>], vector<16xf32>,
        %parallel_loop3A_475 = arith.constant 0 : i32
        %parallel_loop3A_476 = arith.constant 0 : i32
        %parallel_loop3A_477 = tpu.memref_slice %arg13[%rem3A_318, %parallel_loop3A_475, %parallel_loop3A_476] : memref<2x32x128xf32, #tpu.memory_space<vmem>> -> memref<1x32x128xf32, #tpu.memory_space<vmem>>
        %parallel_loop3A_478 = tpu.memref_squeeze %parallel_loop3A_477 : memref<1x32x128xf32, #tpu.memory_space<vmem>> -> memref<32x128xf32, #tpu.memory_space<vmem>>
        tpu.vector_store_idx %parallel_loop3A_478[%parallel_loop3A_468, %parallel_loop3A_379], %parallel_loop3A_474 : memref<32x128xf32, #tpu.memory_space<vmem>>[vector<16xi32>, vector<16xi32>], vector<16xf32>,
        %parallel_loop3A_479 = vector.broadcast %parallel_loop3A_377 : i32 to vector<16xi32>
        %parallel_loop3A_480 = arith.addi %parallel_loop3A_479, %and3A_53 : vector<16xi32>
        %parallel_loop3A_481 = arith.addi %parallel_loop3A_382, %parallel_loop3A_480 : vector<16xi32>
        %parallel_loop3A_482 = arith.constant 0 : i32
        %parallel_loop3A_483 = arith.constant 0 : i32
        %parallel_loop3A_484 = tpu.memref_slice %arg12[%rem3A_318, %parallel_loop3A_482, %parallel_loop3A_483] : memref<2x128x128xf32, #tpu.memory_space<vmem>> -> memref<1x128x128xf32, #tpu.memory_space<vmem>>
        %parallel_loop3A_485 = tpu.memref_squeeze %parallel_loop3A_484 : memref<1x128x128xf32, #tpu.memory_space<vmem>> -> memref<128x128xf32, #tpu.memory_space<vmem>>
        %parallel_loop3A_486 = tpu.vector_load_idx %parallel_loop3A_485[%parallel_loop3A_379, %parallel_loop3A_481] : memref<128x128xf32, #tpu.memory_space<vmem>>[vector<16xi32>, vector<16xi32>], vector<16xf32>,
        %parallel_loop3A_487 = arith.constant 0 : i32
        %parallel_loop3A_488 = arith.constant 0 : i32
        %parallel_loop3A_489 = tpu.memref_slice %arg13[%rem3A_318, %parallel_loop3A_487, %parallel_loop3A_488] : memref<2x32x128xf32, #tpu.memory_space<vmem>> -> memref<1x32x128xf32, #tpu.memory_space<vmem>>
        %parallel_loop3A_490 = tpu.memref_squeeze %parallel_loop3A_489 : memref<1x32x128xf32, #tpu.memory_space<vmem>> -> memref<32x128xf32, #tpu.memory_space<vmem>>
        tpu.vector_store_idx %parallel_loop3A_490[%parallel_loop3A_480, %parallel_loop3A_379], %parallel_loop3A_486 : memref<32x128xf32, #tpu.memory_space<vmem>>[vector<16xi32>, vector<16xi32>], vector<16xf32>,
        %parallel_loop3A_491 = vector.broadcast %parallel_loop3A_377 : i32 to vector<16xi32>
        %parallel_loop3A_492 = arith.addi %parallel_loop3A_491, %and3A_59 : vector<16xi32>
        %parallel_loop3A_493 = arith.addi %parallel_loop3A_382, %parallel_loop3A_492 : vector<16xi32>
        %parallel_loop3A_494 = arith.constant 0 : i32
        %parallel_loop3A_495 = arith.constant 0 : i32
        %parallel_loop3A_496 = tpu.memref_slice %arg12[%rem3A_318, %parallel_loop3A_494, %parallel_loop3A_495] : memref<2x128x128xf32, #tpu.memory_space<vmem>> -> memref<1x128x128xf32, #tpu.memory_space<vmem>>
        %parallel_loop3A_497 = tpu.memref_squeeze %parallel_loop3A_496 : memref<1x128x128xf32, #tpu.memory_space<vmem>> -> memref<128x128xf32, #tpu.memory_space<vmem>>
        %parallel_loop3A_498 = tpu.vector_load_idx %parallel_loop3A_497[%parallel_loop3A_379, %parallel_loop3A_493] : memref<128x128xf32, #tpu.memory_space<vmem>>[vector<16xi32>, vector<16xi32>], vector<16xf32>,
        %parallel_loop3A_499 = arith.constant 0 : i32
        %parallel_loop3A_500 = arith.constant 0 : i32
        %parallel_loop3A_501 = tpu.memref_slice %arg13[%rem3A_318, %parallel_loop3A_499, %parallel_loop3A_500] : memref<2x32x128xf32, #tpu.memory_space<vmem>> -> memref<1x32x128xf32, #tpu.memory_space<vmem>>
        %parallel_loop3A_502 = tpu.memref_squeeze %parallel_loop3A_501 : memref<1x32x128xf32, #tpu.memory_space<vmem>> -> memref<32x128xf32, #tpu.memory_space<vmem>>
        tpu.vector_store_idx %parallel_loop3A_502[%parallel_loop3A_492, %parallel_loop3A_379], %parallel_loop3A_498 : memref<32x128xf32, #tpu.memory_space<vmem>>[vector<16xi32>, vector<16xi32>], vector<16xf32>,
        %parallel_loop3A_503 = vector.broadcast %parallel_loop3A_377 : i32 to vector<16xi32>
        %parallel_loop3A_504 = arith.addi %parallel_loop3A_503, %and3A_65 : vector<16xi32>
        %parallel_loop3A_505 = arith.addi %parallel_loop3A_382, %parallel_loop3A_504 : vector<16xi32>
        %parallel_loop3A_506 = arith.constant 0 : i32
        %parallel_loop3A_507 = arith.constant 0 : i32
        %parallel_loop3A_508 = tpu.memref_slice %arg12[%rem3A_318, %parallel_loop3A_506, %parallel_loop3A_507] : memref<2x128x128xf32, #tpu.memory_space<vmem>> -> memref<1x128x128xf32, #tpu.memory_space<vmem>>
        %parallel_loop3A_509 = tpu.memref_squeeze %parallel_loop3A_508 : memref<1x128x128xf32, #tpu.memory_space<vmem>> -> memref<128x128xf32, #tpu.memory_space<vmem>>
        %parallel_loop3A_510 = tpu.vector_load_idx %parallel_loop3A_509[%parallel_loop3A_379, %parallel_loop3A_505] : memref<128x128xf32, #tpu.memory_space<vmem>>[vector<16xi32>, vector<16xi32>], vector<16xf32>,
        %parallel_loop3A_511 = arith.constant 0 : i32
        %parallel_loop3A_512 = arith.constant 0 : i32
        %parallel_loop3A_513 = tpu.memref_slice %arg13[%rem3A_318, %parallel_loop3A_511, %parallel_loop3A_512] : memref<2x32x128xf32, #tpu.memory_space<vmem>> -> memref<1x32x128xf32, #tpu.memory_space<vmem>>
        %parallel_loop3A_514 = tpu.memref_squeeze %parallel_loop3A_513 : memref<1x32x128xf32, #tpu.memory_space<vmem>> -> memref<32x128xf32, #tpu.memory_space<vmem>>
        tpu.vector_store_idx %parallel_loop3A_514[%parallel_loop3A_504, %parallel_loop3A_379], %parallel_loop3A_510 : memref<32x128xf32, #tpu.memory_space<vmem>>[vector<16xi32>, vector<16xi32>], vector<16xf32>,
        %parallel_loop3A_515 = vector.broadcast %parallel_loop3A_377 : i32 to vector<16xi32>
        %parallel_loop3A_516 = arith.addi %parallel_loop3A_515, %and3A_71 : vector<16xi32>
        %parallel_loop3A_517 = arith.addi %parallel_loop3A_382, %parallel_loop3A_516 : vector<16xi32>
        %parallel_loop3A_518 = arith.constant 0 : i32
        %parallel_loop3A_519 = arith.constant 0 : i32
        %parallel_loop3A_520 = tpu.memref_slice %arg12[%rem3A_318, %parallel_loop3A_518, %parallel_loop3A_519] : memref<2x128x128xf32, #tpu.memory_space<vmem>> -> memref<1x128x128xf32, #tpu.memory_space<vmem>>
        %parallel_loop3A_521 = tpu.memref_squeeze %parallel_loop3A_520 : memref<1x128x128xf32, #tpu.memory_space<vmem>> -> memref<128x128xf32, #tpu.memory_space<vmem>>
        %parallel_loop3A_522 = tpu.vector_load_idx %parallel_loop3A_521[%parallel_loop3A_379, %parallel_loop3A_517] : memref<128x128xf32, #tpu.memory_space<vmem>>[vector<16xi32>, vector<16xi32>], vector<16xf32>,
        %parallel_loop3A_523 = arith.constant 0 : i32
        %parallel_loop3A_524 = arith.constant 0 : i32
        %parallel_loop3A_525 = tpu.memref_slice %arg13[%rem3A_318, %parallel_loop3A_523, %parallel_loop3A_524] : memref<2x32x128xf32, #tpu.memory_space<vmem>> -> memref<1x32x128xf32, #tpu.memory_space<vmem>>
        %parallel_loop3A_526 = tpu.memref_squeeze %parallel_loop3A_525 : memref<1x32x128xf32, #tpu.memory_space<vmem>> -> memref<32x128xf32, #tpu.memory_space<vmem>>
        tpu.vector_store_idx %parallel_loop3A_526[%parallel_loop3A_516, %parallel_loop3A_379], %parallel_loop3A_522 : memref<32x128xf32, #tpu.memory_space<vmem>>[vector<16xi32>, vector<16xi32>], vector<16xf32>,
        %parallel_loop3A_527 = vector.broadcast %parallel_loop3A_377 : i32 to vector<16xi32>
        %parallel_loop3A_528 = arith.addi %parallel_loop3A_527, %and3A_77 : vector<16xi32>
        %parallel_loop3A_529 = arith.addi %parallel_loop3A_382, %parallel_loop3A_528 : vector<16xi32>
        %parallel_loop3A_530 = arith.constant 0 : i32
        %parallel_loop3A_531 = arith.constant 0 : i32
        %parallel_loop3A_532 = tpu.memref_slice %arg12[%rem3A_318, %parallel_loop3A_530, %parallel_loop3A_531] : memref<2x128x128xf32, #tpu.memory_space<vmem>> -> memref<1x128x128xf32, #tpu.memory_space<vmem>>
        %parallel_loop3A_533 = tpu.memref_squeeze %parallel_loop3A_532 : memref<1x128x128xf32, #tpu.memory_space<vmem>> -> memref<128x128xf32, #tpu.memory_space<vmem>>
        %parallel_loop3A_534 = tpu.vector_load_idx %parallel_loop3A_533[%parallel_loop3A_379, %parallel_loop3A_529] : memref<128x128xf32, #tpu.memory_space<vmem>>[vector<16xi32>, vector<16xi32>], vector<16xf32>,
        %parallel_loop3A_535 = arith.constant 0 : i32
        %parallel_loop3A_536 = arith.constant 0 : i32
        %parallel_loop3A_537 = tpu.memref_slice %arg13[%rem3A_318, %parallel_loop3A_535, %parallel_loop3A_536] : memref<2x32x128xf32, #tpu.memory_space<vmem>> -> memref<1x32x128xf32, #tpu.memory_space<vmem>>
        %parallel_loop3A_538 = tpu.memref_squeeze %parallel_loop3A_537 : memref<1x32x128xf32, #tpu.memory_space<vmem>> -> memref<32x128xf32, #tpu.memory_space<vmem>>
        tpu.vector_store_idx %parallel_loop3A_538[%parallel_loop3A_528, %parallel_loop3A_379], %parallel_loop3A_534 : memref<32x128xf32, #tpu.memory_space<vmem>>[vector<16xi32>, vector<16xi32>], vector<16xf32>,
        %parallel_loop3A_539 = vector.broadcast %parallel_loop3A_377 : i32 to vector<16xi32>
        %parallel_loop3A_540 = arith.addi %parallel_loop3A_539, %and3A_83 : vector<16xi32>
        %parallel_loop3A_541 = arith.addi %parallel_loop3A_382, %parallel_loop3A_540 : vector<16xi32>
        %parallel_loop3A_542 = arith.constant 0 : i32
        %parallel_loop3A_543 = arith.constant 0 : i32
        %parallel_loop3A_544 = tpu.memref_slice %arg12[%rem3A_318, %parallel_loop3A_542, %parallel_loop3A_543] : memref<2x128x128xf32, #tpu.memory_space<vmem>> -> memref<1x128x128xf32, #tpu.memory_space<vmem>>
        %parallel_loop3A_545 = tpu.memref_squeeze %parallel_loop3A_544 : memref<1x128x128xf32, #tpu.memory_space<vmem>> -> memref<128x128xf32, #tpu.memory_space<vmem>>
        %parallel_loop3A_546 = tpu.vector_load_idx %parallel_loop3A_545[%parallel_loop3A_379, %parallel_loop3A_541] : memref<128x128xf32, #tpu.memory_space<vmem>>[vector<16xi32>, vector<16xi32>], vector<16xf32>,
        %parallel_loop3A_547 = arith.constant 0 : i32
        %parallel_loop3A_548 = arith.constant 0 : i32
        %parallel_loop3A_549 = tpu.memref_slice %arg13[%rem3A_318, %parallel_loop3A_547, %parallel_loop3A_548] : memref<2x32x128xf32, #tpu.memory_space<vmem>> -> memref<1x32x128xf32, #tpu.memory_space<vmem>>
        %parallel_loop3A_550 = tpu.memref_squeeze %parallel_loop3A_549 : memref<1x32x128xf32, #tpu.memory_space<vmem>> -> memref<32x128xf32, #tpu.memory_space<vmem>>
        tpu.vector_store_idx %parallel_loop3A_550[%parallel_loop3A_540, %parallel_loop3A_379], %parallel_loop3A_546 : memref<32x128xf32, #tpu.memory_space<vmem>>[vector<16xi32>, vector<16xi32>], vector<16xf32>,
        %parallel_loop3A_551 = vector.broadcast %parallel_loop3A_377 : i32 to vector<16xi32>
        %parallel_loop3A_552 = arith.addi %parallel_loop3A_551, %and3A_89 : vector<16xi32>
        %parallel_loop3A_553 = arith.addi %parallel_loop3A_382, %parallel_loop3A_552 : vector<16xi32>
        %parallel_loop3A_554 = arith.constant 0 : i32
        %parallel_loop3A_555 = arith.constant 0 : i32
        %parallel_loop3A_556 = tpu.memref_slice %arg12[%rem3A_318, %parallel_loop3A_554, %parallel_loop3A_555] : memref<2x128x128xf32, #tpu.memory_space<vmem>> -> memref<1x128x128xf32, #tpu.memory_space<vmem>>
        %parallel_loop3A_557 = tpu.memref_squeeze %parallel_loop3A_556 : memref<1x128x128xf32, #tpu.memory_space<vmem>> -> memref<128x128xf32, #tpu.memory_space<vmem>>
        %parallel_loop3A_558 = tpu.vector_load_idx %parallel_loop3A_557[%parallel_loop3A_379, %parallel_loop3A_553] : memref<128x128xf32, #tpu.memory_space<vmem>>[vector<16xi32>, vector<16xi32>], vector<16xf32>,
        %parallel_loop3A_559 = arith.constant 0 : i32
        %parallel_loop3A_560 = arith.constant 0 : i32
        %parallel_loop3A_561 = tpu.memref_slice %arg13[%rem3A_318, %parallel_loop3A_559, %parallel_loop3A_560] : memref<2x32x128xf32, #tpu.memory_space<vmem>> -> memref<1x32x128xf32, #tpu.memory_space<vmem>>
        %parallel_loop3A_562 = tpu.memref_squeeze %parallel_loop3A_561 : memref<1x32x128xf32, #tpu.memory_space<vmem>> -> memref<32x128xf32, #tpu.memory_space<vmem>>
        tpu.vector_store_idx %parallel_loop3A_562[%parallel_loop3A_552, %parallel_loop3A_379], %parallel_loop3A_558 : memref<32x128xf32, #tpu.memory_space<vmem>>[vector<16xi32>, vector<16xi32>], vector<16xf32>,
        %parallel_loop3A_563 = vector.broadcast %parallel_loop3A_377 : i32 to vector<16xi32>
        %parallel_loop3A_564 = arith.addi %parallel_loop3A_563, %and3A_95 : vector<16xi32>
        %parallel_loop3A_565 = arith.addi %parallel_loop3A_382, %parallel_loop3A_564 : vector<16xi32>
        %parallel_loop3A_566 = arith.constant 0 : i32
        %parallel_loop3A_567 = arith.constant 0 : i32
        %parallel_loop3A_568 = tpu.memref_slice %arg12[%rem3A_318, %parallel_loop3A_566, %parallel_loop3A_567] : memref<2x128x128xf32, #tpu.memory_space<vmem>> -> memref<1x128x128xf32, #tpu.memory_space<vmem>>
        %parallel_loop3A_569 = tpu.memref_squeeze %parallel_loop3A_568 : memref<1x128x128xf32, #tpu.memory_space<vmem>> -> memref<128x128xf32, #tpu.memory_space<vmem>>
        %parallel_loop3A_570 = tpu.vector_load_idx %parallel_loop3A_569[%parallel_loop3A_379, %parallel_loop3A_565] : memref<128x128xf32, #tpu.memory_space<vmem>>[vector<16xi32>, vector<16xi32>], vector<16xf32>,
        %parallel_loop3A_571 = arith.constant 0 : i32
        %parallel_loop3A_572 = arith.constant 0 : i32
        %parallel_loop3A_573 = tpu.memref_slice %arg13[%rem3A_318, %parallel_loop3A_571, %parallel_loop3A_572] : memref<2x32x128xf32, #tpu.memory_space<vmem>> -> memref<1x32x128xf32, #tpu.memory_space<vmem>>
        %parallel_loop3A_574 = tpu.memref_squeeze %parallel_loop3A_573 : memref<1x32x128xf32, #tpu.memory_space<vmem>> -> memref<32x128xf32, #tpu.memory_space<vmem>>
        tpu.vector_store_idx %parallel_loop3A_574[%parallel_loop3A_564, %parallel_loop3A_379], %parallel_loop3A_570 : memref<32x128xf32, #tpu.memory_space<vmem>>[vector<16xi32>, vector<16xi32>], vector<16xf32>,
      } {sc.loop_unroll_factor = 2 : i64, sc.parallel_access}
      %dma_start3A_353 = arith.constant 0 : i32
      %dma_start3A_354 = arith.constant 0 : i32
      %dma_start3A_355 = tpu.memref_slice %arg13[%rem3A_318, %dma_start3A_353, %dma_start3A_354] : memref<2x32x128xf32, #tpu.memory_space<vmem>> -> memref<1x32x128xf32, #tpu.memory_space<vmem>>
      %dma_start3A_356 = tpu.memref_squeeze %dma_start3A_355 : memref<1x32x128xf32, #tpu.memory_space<vmem>> -> memref<32x128xf32, #tpu.memory_space<vmem>>
      %dma_start3A_357 = arith.constant 0 : i32
      %dma_start3A_358 = tpu.memref_slice %arg5[%scan3A_317, %dma_start3A_357, %multiple_of3A_210] : memref<200x32x4096xf32, #tpu.memory_space<hbm>> -> memref<1x32x128xf32, #tpu.memory_space<hbm>>
      %dma_start3A_359 = tpu.memref_squeeze %dma_start3A_358 : memref<1x32x128xf32, #tpu.memory_space<hbm>> -> memref<32x128xf32, #tpu.memory_space<hbm>>
      %dma_start3A_360 = tpu.memref_slice %arg18[%rem3A_318] : memref<2x!tpu.dma_semaphore, #tpu.memory_space<semaphore_mem>> -> memref<1x!tpu.dma_semaphore, #tpu.memory_space<semaphore_mem>>
      %dma_start3A_361 = tpu.memref_squeeze %dma_start3A_360 : memref<1x!tpu.dma_semaphore, #tpu.memory_space<semaphore_mem>> -> memref<!tpu.dma_semaphore, #tpu.memory_space<semaphore_mem>>
      %dma_start3A_362 = arith.constant 0 : i32
      %dma_start3A_363 = tpu.memref_slice %arg5[%scan3A_317, %dma_start3A_362, %multiple_of3A_210] : memref<200x32x4096xf32, #tpu.memory_space<hbm>> -> memref<1x32x128xf32, #tpu.memory_space<hbm>>
      %dma_start3A_364 = tpu.memref_squeeze %dma_start3A_363 : memref<1x32x128xf32, #tpu.memory_space<hbm>> -> memref<32x128xf32, #tpu.memory_space<hbm>>
      %dma_start3A_365 = arith.constant 0 : i32
      %dma_start3A_366 = arith.constant 0 : i32
      %dma_start3A_367 = tpu.memref_slice %arg13[%rem3A_318, %dma_start3A_365, %dma_start3A_366] : memref<2x32x128xf32, #tpu.memory_space<vmem>> -> memref<1x32x128xf32, #tpu.memory_space<vmem>>
      %dma_start3A_368 = tpu.memref_squeeze %dma_start3A_367 : memref<1x32x128xf32, #tpu.memory_space<vmem>> -> memref<32x128xf32, #tpu.memory_space<vmem>>
      tpu.enqueue_dma source(%dma_start3A_368 : memref<32x128xf32, #tpu.memory_space<vmem>>) target(%dma_start3A_364 : memref<32x128xf32, #tpu.memory_space<hbm>>) target_semaphore(%dma_start3A_361 : memref<!tpu.dma_semaphore, #tpu.memory_space<semaphore_mem>>)
    }
    %scan3A_278 = arith.constant 200 : i32
    %dma_wait3A_279 = arith.constant 0 : i32
    %dma_wait3A_280 = arith.constant 198 : i32
    %dma_wait3A_281 = arith.constant 0 : i32
    %dma_wait3A_282 = arith.constant 0 : i32
    %dma_wait3A_283 = arith.constant 0 : i32
    %dma_wait3A_284 = tpu.memref_slice %arg13[%dma_wait3A_279, %dma_wait3A_282, %dma_wait3A_283] : memref<2x32x128xf32, #tpu.memory_space<vmem>> -> memref<1x32x128xf32, #tpu.memory_space<vmem>>
    %dma_wait3A_285 = tpu.memref_squeeze %dma_wait3A_284 : memref<1x32x128xf32, #tpu.memory_space<vmem>> -> memref<32x128xf32, #tpu.memory_space<vmem>>
    %dma_wait3A_286 = arith.constant 0 : i32
    %dma_wait3A_287 = tpu.memref_slice %arg5[%dma_wait3A_280, %dma_wait3A_286, %multiple_of3A_210] : memref<200x32x4096xf32, #tpu.memory_space<hbm>> -> memref<1x32x128xf32, #tpu.memory_space<hbm>>
    %dma_wait3A_288 = tpu.memref_squeeze %dma_wait3A_287 : memref<1x32x128xf32, #tpu.memory_space<hbm>> -> memref<32x128xf32, #tpu.memory_space<hbm>>
    %dma_wait3A_289 = tpu.memref_slice %arg18[%dma_wait3A_281] : memref<2x!tpu.dma_semaphore, #tpu.memory_space<semaphore_mem>> -> memref<1x!tpu.dma_semaphore, #tpu.memory_space<semaphore_mem>>
    %dma_wait3A_290 = tpu.memref_squeeze %dma_wait3A_289 : memref<1x!tpu.dma_semaphore, #tpu.memory_space<semaphore_mem>> -> memref<!tpu.dma_semaphore, #tpu.memory_space<semaphore_mem>>
    %dma_wait3A_291 = arith.constant 0 : i32
    %dma_wait3A_292 = tpu.memref_slice %arg5[%dma_wait3A_280, %dma_wait3A_291, %multiple_of3A_210] : memref<200x32x4096xf32, #tpu.memory_space<hbm>> -> memref<1x32x128xf32, #tpu.memory_space<hbm>>
    %dma_wait3A_293 = tpu.memref_squeeze %dma_wait3A_292 : memref<1x32x128xf32, #tpu.memory_space<hbm>> -> memref<32x128xf32, #tpu.memory_space<hbm>>
    %dma_wait3A_294 = arith.constant 0 : i32
    %dma_wait3A_295 = arith.constant 0 : i32
    %dma_wait3A_296 = tpu.memref_slice %arg13[%dma_wait3A_279, %dma_wait3A_294, %dma_wait3A_295] : memref<2x32x128xf32, #tpu.memory_space<vmem>> -> memref<1x32x128xf32, #tpu.memory_space<vmem>>
    %dma_wait3A_297 = tpu.memref_squeeze %dma_wait3A_296 : memref<1x32x128xf32, #tpu.memory_space<vmem>> -> memref<32x128xf32, #tpu.memory_space<vmem>>
    tpu.wait_dma2 semaphore(%dma_wait3A_290 : memref<!tpu.dma_semaphore, #tpu.memory_space<semaphore_mem>>) src(%dma_wait3A_297 : memref<32x128xf32, #tpu.memory_space<vmem>>) dst(%dma_wait3A_293 : memref<32x128xf32, #tpu.memory_space<hbm>>)
    %dma_wait3A_298 = arith.constant 1 : i32
    %dma_wait3A_299 = arith.constant 199 : i32
    %dma_wait3A_300 = arith.constant 1 : i32
    %dma_wait3A_301 = arith.constant 0 : i32
    %dma_wait3A_302 = arith.constant 0 : i32
    %dma_wait3A_303 = tpu.memref_slice %arg13[%dma_wait3A_298, %dma_wait3A_301, %dma_wait3A_302] : memref<2x32x128xf32, #tpu.memory_space<vmem>> -> memref<1x32x128xf32, #tpu.memory_space<vmem>>
    %dma_wait3A_304 = tpu.memref_squeeze %dma_wait3A_303 : memref<1x32x128xf32, #tpu.memory_space<vmem>> -> memref<32x128xf32, #tpu.memory_space<vmem>>
    %dma_wait3A_305 = arith.constant 0 : i32
    %dma_wait3A_306 = tpu.memref_slice %arg5[%dma_wait3A_299, %dma_wait3A_305, %multiple_of3A_210] : memref<200x32x4096xf32, #tpu.memory_space<hbm>> -> memref<1x32x128xf32, #tpu.memory_space<hbm>>
    %dma_wait3A_307 = tpu.memref_squeeze %dma_wait3A_306 : memref<1x32x128xf32, #tpu.memory_space<hbm>> -> memref<32x128xf32, #tpu.memory_space<hbm>>
    %dma_wait3A_308 = tpu.memref_slice %arg18[%dma_wait3A_300] : memref<2x!tpu.dma_semaphore, #tpu.memory_space<semaphore_mem>> -> memref<1x!tpu.dma_semaphore, #tpu.memory_space<semaphore_mem>>
    %dma_wait3A_309 = tpu.memref_squeeze %dma_wait3A_308 : memref<1x!tpu.dma_semaphore, #tpu.memory_space<semaphore_mem>> -> memref<!tpu.dma_semaphore, #tpu.memory_space<semaphore_mem>>
    %dma_wait3A_310 = arith.constant 0 : i32
    %dma_wait3A_311 = tpu.memref_slice %arg5[%dma_wait3A_299, %dma_wait3A_310, %multiple_of3A_210] : memref<200x32x4096xf32, #tpu.memory_space<hbm>> -> memref<1x32x128xf32, #tpu.memory_space<hbm>>
    %dma_wait3A_312 = tpu.memref_squeeze %dma_wait3A_311 : memref<1x32x128xf32, #tpu.memory_space<hbm>> -> memref<32x128xf32, #tpu.memory_space<hbm>>
    %dma_wait3A_313 = arith.constant 0 : i32
    %dma_wait3A_314 = arith.constant 0 : i32
    %dma_wait3A_315 = tpu.memref_slice %arg13[%dma_wait3A_298, %dma_wait3A_313, %dma_wait3A_314] : memref<2x32x128xf32, #tpu.memory_space<vmem>> -> memref<1x32x128xf32, #tpu.memory_space<vmem>>
    %dma_wait3A_316 = tpu.memref_squeeze %dma_wait3A_315 : memref<1x32x128xf32, #tpu.memory_space<vmem>> -> memref<32x128xf32, #tpu.memory_space<vmem>>
    tpu.wait_dma2 semaphore(%dma_wait3A_309 : memref<!tpu.dma_semaphore, #tpu.memory_space<semaphore_mem>>) src(%dma_wait3A_316 : memref<32x128xf32, #tpu.memory_space<vmem>>) dst(%dma_wait3A_312 : memref<32x128xf32, #tpu.memory_space<hbm>>)
    return
  }
}

</mosaic_0001>

<sc_bundles>
// kernel: kernel.3.cloned.1.call-start
scs
__scs_entry_jumppad:
0x0: {  	(pc) =	sbr.rel $0x88, $3  }
0x1: {  	(tag) =	ssettag $0x0;
	lr =	simm.s32 $0x1  }
0x2: {  	[smem:$0x3F9F] =	sst lr;
	_ =	strace $0xD0000000  }
0x3: {  	_ = 	snop  }
0x4: {  	_ = 	snop  }
0x5: {  	_ = 	snop  }
0x6: {  	_ = 	snop  }
0x7: {  	_ = 	snop  }
__scs_overlays_trampoline_lowered:
0x8: {  	[smem:$0x3FAE] =	sst s0  }
0x9: {  	[smem:$0x3FAF] =	sst s1  }
0xa: {  	[smem:$0x3FB0] =	sst s2  }
0xb: {  	[smem:$0x3FB1] =	sst s3  }
0xc: {  	[smem:$0x3FB2] =	sst s4  }
0xd: {  	[smem:$0x3FB3] =	sst s5  }
0xe: {  	[smem:$0x3FB4] =	sst s6  }
0xf: {  	[smem:$0x3FB5] =	sst s7  }
0x10: {  	[smem:$0x3FB6] =	sst s8  }
0x11: {  	[smem:$0x3FB7] =	sst s9;
	s0 =	simm.s32 @!p0 $0x0  }
0x12: {  	s1 =	sld [smem:$0x3F9D];
	s0 =	simm.s32 @p0 $0x1  }
0x13: {  	[smem:$0x3FB8] =	sst s0;
	s0 =	simm.s32 @!p1 $0x0  }
0x14: {  	s2 =	sld [smem:$0x3F9C];
	s0 =	simm.s32 @p1 $0x1  }
0x15: {  	[smem:$0x3FB9] =	sst s0;
	s0 =	simm.s32 @!p2 $0x0  }
0x16: {  	s3 =	sld [smem:$0x3FDB];
	s0 =	simm.s32 @p2 $0x1  }
0x17: {  	s4 =	simm.s32 $0x1BF5;
	[smem:$0x3FBB] =	sst s0  }
0x18: {  	s0 =	sld [smem:$0x3F9E];
	_ =	swait.ge [sflag:s4], $0x0  }
0x19: {  	s7 =	sld [smem:$0x3F9F]  }
0x1a: {  	s8 =	sadd.s32 $0xFFFFE003, lr  }
0x1b: {  	s9 =	sadd.s32 $0xFFFFFEF7, lr;
	s5 =	simm.s32 $0xFFFFFFFF;
	p2 =	slt.u32 s8, $0xFFFFF086  }
0x1c: {  	p1 =	slt.u32 s9, $0xF7A;
	s5 =	simm.s32 @!p2 $0x0  }
0x1d: {  	s5 =	simm.s32 @p1 $0x1;
	p0 =	seq.s32 s7, s2  }
0x1e: {  	s7 =	smul.u32 @!p0 $0xF7A, s2;
	p2 =	seq.s32 @!p0 s5, $0x0  }
0x1f: {  	s9 =	smul.u32 $0xF7A, s1;
	s8 =	simm.s32 @!p0 $0x1BF5;
	p2 =	por !p2, p0  }
0x20: {  	[sflag:s8] =	ssyncset.s32 @!p0 $0xFFFFF086;
	s6 =	sadd.s32 @!p0 s3, s7;
	s7 =	simm.s32 @!p0 $0x108  }
0x21: {  	s3 =	sadd.s32 s3, s9;
	s6 =	sadd.s32 @!p0 $0x88, s6;
	s7 =	simm.s32 @p2 $0x1082  }
0x22: {  	[simem:s7], [sflag:s8] =	dma.local @!p0 [hbm:s6], $0xF7A  }
0x23: {  	s9 =	sor.u32 $0xD0000000, s2;
	s6 =	simm.s32 $0x108;
	_ =	swait.ge @!p0 [sflag:s8], $0x0  }
0x24: {  	s3 =	sadd.s32 $0x88, s3;
	s6 =	simm.s32 @!p1 $0x1082;
	[sflag:s4] =	ssyncset.s32 $0xFFFFF086  }
0x25: {  	[simem:s6], [sflag:s4] =	dma.local [hbm:s3], $0xF7A  }
0x26: {  	[smem:$0x3F9F] =	sst s1;
	(tag) =	ssettag s2;
	_ =	strace s9  }
0x27: {  	s1 =	sld [smem:$0x3FAF]  }
0x28: {  	s2 =	sld [smem:$0x3FB0]  }
0x29: {  	s4 =	sld [smem:$0x3FB2]  }
0x2a: {  	p0 =	seq.s32 s5, $0x0;
	s5 =	sld [smem:$0x3FB3]  }
0x2b: {  	s6 =	sld [smem:$0x3FB4]  }
0x2c: {  	s7 =	sld [smem:$0x3FB5]  }
0x2d: {  	s3 =	simm.s32 $0x108;
	s8 =	sld [smem:$0x3FB6]  }
0x2e: {  	s3 =	simm.s32 @!p0 $0x1082;
	s9 =	sld [smem:$0x3FB7]  }
0x2f: {  	lr =	sadd.s32 s0, s3;
	s0 =	sld [smem:$0x3FAE]  }
0x30: {  	s3 =	sld [smem:$0x3FB1]  }
0x31: {  	[smem:$0x3FBA] =	sst s10  }
0x32: {  	s10 =	sld [smem:$0x3FB8];
	_ =	sdelay $0x3  }
0x33: {  	p0 =	seq.s32 s10, $0x1;
	s10 =	sld [smem:$0x3FBA];
	_ =	sdelay $0x3  }
0x34: {  	[smem:$0x3FBA] =	sst s10  }
0x35: {  	s10 =	sld [smem:$0x3FB9];
	_ =	sdelay $0x3  }
0x36: {  	p1 =	seq.s32 s10, $0x1;
	s10 =	sld [smem:$0x3FBA];
	_ =	sdelay $0x3  }
0x37: {  	[smem:$0x3FBA] =	sst s10  }
0x38: {  	s10 =	sld [smem:$0x3FBB]  }
0x39: {  	_ = 	snop;
	(pc) =	sbr.ind lr, $3  }
0x3a: {  	_ = 	snop  }
0x3b: {  	_ = 	snop  }
0x3c: {  	p2 =	seq.s32 s10, $0x1;
	s10 =	sld [smem:$0x3FBA]  }
0x3d: {  	_ =	shalt  }
0x3e: {  	_ =	shalt  }
0x3f: {  	_ =	shalt  }
0x40: {  	_ =	shalt  }
0x41: {  	_ =	shalt  }
0x42: {  	_ =	shalt  }
0x43: {  	_ =	shalt  }
0x44: {  	_ =	shalt  }
0x45: {  	_ =	shalt  }
0x46: {  	_ =	shalt  }
0x47: {  	_ =	shalt  }
0x48: {  	_ =	shalt  }
0x49: {  	_ =	shalt  }
0x4a: {  	_ =	shalt  }
0x4b: {  	_ =	shalt  }
0x4c: {  	_ =	shalt  }
0x4d: {  	_ =	shalt  }
0x4e: {  	_ =	shalt  }
0x4f: {  	_ =	shalt  }
0x50: {  	_ =	shalt  }
0x51: {  	_ =	shalt  }
0x52: {  	_ =	shalt  }
0x53: {  	_ =	shalt  }
0x54: {  	_ =	shalt  }
0x55: {  	_ =	shalt  }
0x56: {  	_ =	shalt  }
0x57: {  	_ =	shalt  }
0x58: {  	_ =	shalt  }
0x59: {  	_ =	shalt  }
0x5a: {  	_ =	shalt  }
0x5b: {  	_ =	shalt  }
0x5c: {  	_ =	shalt  }
0x5d: {  	_ =	shalt  }
0x5e: {  	_ =	shalt  }
0x5f: {  	_ =	shalt  }
0x60: {  	_ =	shalt  }
0x61: {  	_ =	shalt  }
0x62: {  	_ =	shalt  }
0x63: {  	_ =	shalt  }
0x64: {  	_ =	shalt  }
0x65: {  	_ =	shalt  }
0x66: {  	_ =	shalt  }
0x67: {  	_ =	shalt  }
0x68: {  	_ =	shalt  }
0x69: {  	_ =	shalt  }
0x6a: {  	_ =	shalt  }
0x6b: {  	_ =	shalt  }
0x6c: {  	_ =	shalt  }
0x6d: {  	_ =	shalt  }
0x6e: {  	_ =	shalt  }
0x6f: {  	_ =	shalt  }
0x70: {  	_ =	shalt  }
0x71: {  	_ =	shalt  }
0x72: {  	_ =	shalt  }
0x73: {  	_ =	shalt  }
0x74: {  	_ =	shalt  }
0x75: {  	_ =	shalt  }
0x76: {  	_ =	shalt  }
0x77: {  	_ =	shalt  }
0x78: {  	_ =	shalt  }
0x79: {  	_ =	shalt  }
0x7a: {  	_ =	shalt  }
0x7b: {  	_ =	shalt  }
0x7c: {  	_ =	shalt  }
0x7d: {  	_ =	shalt  }
0x7e: {  	_ =	shalt  }
0x7f: {  	_ =	shalt  }
0x80: {  	_ =	shalt  }
0x81: {  	_ =	shalt  }
0x82: {  	_ =	shalt  }
0x83: {  	_ =	shalt  }
0x84: {  	_ =	shalt  }
0x85: {  	_ =	shalt  }
0x86: {  	_ =	shalt  }
0x87: {  	_ =	shalt  }
.Lfunc_end0:
.L_simem_size_0:
called_computation_lowered:
.L_overlay_start_0:
0x88: {  	s2 =	sld [smem:$0x3FD9]  }
0x89: {  	s3 =	sld [smem:$0x3FFE];
	_ =	sdelay $0x1  }
0x8a: {  	s1 =	srdreg.scid  }
0x8b: {  	s0 =	sand.u32 $0x1, s1  }
0x8c: {  	s17 =	sshll.u32 s0, $0xA;
	s2 =	sadd.s32 s3, s2  }
0x8d: {  	s2 =	sadd.s32 s2, s17  }
0x8e: {  	[smem:$0x3FC6] =	sst s2  }
0x8f: {  	_ = 	snop  }
0x90: {  	s2 =	sld [smem:$0x3FC9]  }
0x91: {  	s18 =	sld [smem:$0x3FC8]  }
0x92: {  	s4 =	sld [smem:$0x3FD0];
	(tm) =	ssettm $0x1  }
0x93: {  	s5 =	sld [smem:$0x3FFB];
	_ =	sdelay $0x3  }
0x94: {  	_ =	strace s5  }
0x95: {  	s5 =	sld [smem:$0x3FFC];
	_ =	sdelay $0x3  }
0x96: {  	_ =	strace s5  }
0x97: {  	s5 =	sld [smem:$0x3FFD];
	_ =	sdelay $0x3  }
0x98: {  	_ =	strace s5  }
0x99: {  	_ =	strace $0x8FFFFFFF  }
0x9a: {  	s19 =	sld [smem:$0x3FDB];
	_ =	sdelay $0x1  }
0x9b: {  	s6 =	simm.s32 $_scs_section_size  }
0x9c: {  	s7 =	simm.s32 $_size__tile_overlayer_lowered;
	s8 =	simm.s32 $_tile_overlayer_lowered  }
0x9d: {  	s22 =	simm.s32 $0x1BFF;
	s21 =	sshll.u32 s8, $0x1;
	s5 =	sadd.s32 s6, s19  }
0x9e: {  	s9 =	simm.s32 $0x0;
	s20 =	sshll.u32 s7, $0x1;
	s7 =	sadd.s32 s21, s5  }
0x9f: {  	[timem:s9], [sflag:s22] =	dma.local [hbm:s7], s20  }
0xa0: {  	_ =	swait.ge [sflag:s22], s20  }
0xa1: {  	s6 =	ssub.s32 $0x0, s20;
	[sflag:s22] =	ssyncset.done $0x0  }
0xa2: {  	[sflag:s22] =	ssyncadd.s32 s6;
	_ =	sdelay $0x1  }
0xa3: {  	s23 =	simm.s32 $0x1B8B  }
0xa4: {  	_ =	swait.ge [sflag:s23], $0x1  }
0xa5: {  	[sflag:s23] =	ssyncset.done $0x0  }
0xa6: {  	s25 =	simm.s32 $0x1B8E;
	s24 =	sld [smem:$0x3FFE];
	[sflag:s23] =	ssyncadd.s32 $0xFFFFFFFF  }
0xa7: {  	s26 =	simm.s32 $execute0_lowered;
	[smem:$0x3FD2] =	sst s25  }
0xa8: {  	s7 =	sshll.u32 s26, $0x1;
	_ =	strace $0x80000046;
	[dreg:$0x1] =	wrdreg $0xFFFFFFFF  }
0xa9: {  	s28 =	simm.s32 $_size_execute0_lowered;
	s5 =	sadd.s32 s5, s7;
	[dreg:$0x0] =	wrdreg $0x0  }
0xaa: {  	s7 =	sshll.u32 s28, $0x1;
	[dreg:$0x2] =	wrdreg s5  }
0xab: {  	[dreg:$0x3] =	wrdreg s7  }
0xac: {  	[dreg:$0x4] =	wrdreg $0xC0  }
0xad: {  	_ =	task [dreg:s9], $0x5FFFF  }
0xae: {  	[dreg:$0x1] =	wrdreg $0xFFFFFFFF  }
0xaf: {  	[dreg:$0x0] =	wrdreg $0x60  }
0xb0: {  	[dreg:$0x2] =	wrdreg s2  }
0xb1: {  	[dreg:$0x3] =	wrdreg s18  }
0xb2: {  	[dreg:$0x4] =	wrdreg s24  }
0xb3: {  	[dreg:$0x5] =	wrdreg s4  }
0xb4: {  	[dreg:$0x6] =	wrdreg $0x9  }
0xb5: {  	_ =	task.clear_ibuf [dreg:s9], $0x7FFFF;
	_ =	strace $0x90000046  }
0xb6: {  	s29 =	simm.s32 $0x9;
	_ =	strace $0x80000048  }
0xb7: {  	_ =	swait.ge [sflag:s29], $0x1  }
0xb8: {  	[sflag:s29] =	ssyncadd.s32 $0xFFFFFFFF  }
0xb9: {  	_ =	strace $0x90000048  }
0xba: {  	_ =	sfence  }
0xbb: {  	s30 =	sld [smem:$0x0];
	_ =	sdelay $0x2  }
0xbc: {  	s31 =	sshll.u32 s1, $0xD;
	s1 =	sshrl.u32 s1, $0x2  }
0xbd: {  	s3 =	sand.u32 $0x4000, s31;
	s1 =	sadd.s32 s1, s30  }
0xbe: {  	s0 =	sor.u32 s3, s0;
	s1 =	sshll.u32 s1, $0x11  }
0xbf: {  	s0 =	sor.u32 s1, s0  }
0xc0: {  	s0 =	sadd.s32 $0x8F2B, s0  }
0xc1: {  	[sflag:s0] =	ssyncadd.remote.s32 $0x1  }
0xc2: {  	_ =	sfence.sel $0xFFFF  }
0xc3: {  	[dreg:$0x0] =	wrdreg $0xFFFFFFFF;
	(pc) =	sbr.abs _section_cstart, $3  }
0xc4: {  	[dreg:$0x1] =	wrdreg $0xFFFFFFFF  }
0xc5: {  	_ =	task.clear_ibuf [dreg:s9], $0x2FFFF;
	_ =	strace $0x9FFFFFFF  }
0xc6: {  	(tm) =	ssettm $0x7FFFFFFF  }
0xc7: {  	_ =	shalt  }
tec
execute0_lowered:
.L_overlay_start_1:
0x0: {  	(tag) =	ssettag $0x1  }
0x1: {  	v0 =	vimm.s32 $0x1380;
	vm15 =	vcmask $0x300  }
0x2: {  	vm14 =	vcmask $0x704;
	v0 =	vsel vm15, $0x0, v0  }
0x3: {  	vm13 =	vcmask $0xB08;
	v0 =	vsel vm14, $0x80, v0  }
0x4: {  	vm12 =	vcmask $0xF0C;
	v0 =	vsel vm13, $0x100, v0  }
0x5: {  	vm11 =	vcmask $0x1310;
	v0 =	vsel vm12, $0x180, v0  }
0x6: {  	vm10 =	vcmask $0x1714;
	v0 =	vsel vm11, $0x200, v0  }
0x7: {  	vm9 =	vcmask $0x1B18;
	v0 =	vsel vm10, $0x280, v0  }
0x8: {  	vm8 =	vcmask $0x1F1C;
	vm7 =	vcmask $0x2320;
	v0 =	vsel vm9, $0x300, v0  }
0x9: {  	vm6 =	vcmask $0x2724;
	vm5 =	vcmask $0x2B28;
	v0 =	vsel vm8, $0x380, v0  }
0xa: {  	vm3 =	vcmask $0x2F2C;
	v1 =	vimm.s32 $0xFEDCBA9;
	v0 =	vsel vm7, $0x1000, v0  }
0xb: {  	v2 =	vimm.s32 $0x87654321;
	vm4 =	vcmask $0x3330;
	v0 =	vsel vm6, $0x1080, v0  }
0xc: {  	v1 =	vunpack.c.l.s4.s8 v1;
	v2 =	vunpack.c.l.s4.s8 v2;
	v0 =	vsel vm5, $0x1100, v0  }
0xd: {  	vm1 =	vcmask $0x3734;
	vm2 =	vcmask $0x3B38;
	v0 =	vsel vm3, $0x1180, v0  }
0xe: {  	v1 =	vunpack.c.0.s8.s32 v1;
	v2 =	vunpack.c.0.s8.s32 v2;
	v0 =	vsel vm4, $0x1200, v0  }
0xf: {  	v3 =	vimm.s32 $0x10FEDCBA;
	v5 =	vimm.s32 $0x210FEDCB;
	v0 =	vsel vm1, $0x1280, v0  }
0x10: {  	v3 =	vunpack.c.l.s4.s8 v3;
	v50 =	vsel vm2, $0x1300, v0;
	v0 =	vcombine.low v2, v1  }
0x11: {  	v4 =	vimm.s32 $0x98765432;
	v6 =	vimm.s32 $0xA9876543;
	v5 =	vunpack.c.l.s4.s8 v5  }
0x12: {  	v28 =	vand.u32 $0xF, v0;
	v0 =	vunpack.c.0.s8.s32 v3;
	v3 =	vunpack.c.l.s4.s8 v6  }
0x13: {  	v41 =	vimm.s32 $0x3210FEDC;
	v7 =	vimm.s32 $0xBA987654;
	v8 =	vimm.s32 $0x43210FED  }
0x14: {  	v9 =	vimm.s32 $0xCBA98765;
	v5 =	vunpack.c.0.s8.s32 v5;
	v3 =	vunpack.c.0.s8.s32 v3  }
0x15: {  	v43 =	vimm.s32 $0x543210FE;
	v13 =	vimm.s32 $0xDCBA9876;
	v14 =	vimm.s32 $0x6543210F  }
0x16: {  	v15 =	vimm.s32 $0xEDCBA987;
	v16 =	vimm.s32 $0x3380;
	v11 =	vcombine.low v3, v5  }
0x17: {  	v18 =	vimm.s32 $0x76543210;
	v4 =	vunpack.c.l.s4.s8 v4;
	v7 =	vunpack.c.l.s4.s8 v7  }
0x18: {  	v13 =	vunpack.c.l.s4.s8 v13;
	v35 =	vand.u32 $0xF, v11;
	v11 =	vunpack.c.l.s4.s8 v43  }
0x19: {  	v8 =	vunpack.c.l.s4.s8 v8;
	v9 =	vunpack.c.l.s4.s8 v9;
	v44 =	vunpack.c.l.s4.s8 v14  }
0x1a: {  	v16 =	vsel vm15, $0x2000, v16;
	v46 =	vunpack.c.0.s8.s32 v13;
	v11 =	vunpack.c.0.s8.s32 v11  }
0x1b: {  	v45 =	vunpack.c.l.s4.s8 v15;
	v18 =	vunpack.c.l.s4.s8 v18;
	v16 =	vsel vm14, $0x2080, v16  }
0x1c: {  	v4 =	vunpack.c.0.s8.s32 v4;
	v7 =	vunpack.c.0.s8.s32 v7;
	v61 =	vcombine.low v46, v11  }
0x1d: {  	v8 =	vunpack.c.0.s8.s32 v8;
	v9 =	vunpack.c.0.s8.s32 v9;
	v47 =	vunpack.c.0.s8.s32 v45  }
0x1e: {  	v62 =	vsel vm13, $0x2100, v16;
	v1 =	vcombine.low v1, v2;
	v15 =	vand.u32 $0xF, v61  }
0x1f: {  	v6 =	vunpack.c.l.s4.s8 v41;
	v10 =	vcombine.low v4, v0;
	[tilespmem:$0x1FC10] =	vst v15;
	v15 =	vsel vm12, $0x2180, v62  }
0x20: {  	v39 =	vand.u32 $0xF, v1;
	v0 =	vcombine.low v0, v4;
	v2 =	vsel vm11, $0x2200, v15  }
0x21: {  	v6 =	vunpack.c.0.s8.s32 v6;
	v29 =	vand.u32 $0xF, v10;
	v2 =	vsel vm10, $0x2280, v2  }
0x22: {  	v3 =	vcombine.low v5, v3;
	v58 =	vand.u32 $0xF, v0;
	v0 =	vsel vm9, $0x2300, v2  }
0x23: {  	v10 =	vunpack.c.0.s8.s32 v44;
	v1 =	vcombine.low v6, v7;
	v0 =	vsel vm8, $0x2380, v0  }
0x24: {  	v51 =	vand.u32 $0xF, v3;
	v3 =	vimm.s32 $0xF;
	v0 =	vsel vm7, $0x3000, v0  }
0x25: {  	v32 =	vand.u32 $0xF, v1;
	v1 =	vsel vm15, $0x80, v3;
	v0 =	vsel vm6, $0x3080, v0  }
0x26: {  	v3 =	vcombine.low v10, v47;
	v1 =	vsel vm14, $0x101, v1;
	v0 =	vsel vm5, $0x3100, v0  }
0x27: {  	v1 =	vsel vm13, $0x182, v1;
	v2 =	vcombine.low v8, v9;
	v0 =	vsel vm3, $0x3180, v0  }
0x28: {  	v48 =	vand.u32 $0xF, v3;
	v1 =	vsel vm12, $0x203, v1;
	v0 =	vsel vm4, $0x3200, v0  }
0x29: {  	v1 =	vsel vm11, $0x284, v1;
	v55 =	vand.u32 $0xF, v2;
	v0 =	vsel vm1, $0x3280, v0  }
0x2a: {  	v2 =	vcombine.low v11, v46;
	v3 =	vsel vm2, $0x3300, v0;
	v0 =	vsel vm10, $0x305, v1  }
0x2b: {  	v16 =	vunpack.c.0.s8.s32 v18;
	v0 =	vsel vm9, $0x386, v0  }
0x2c: {  	v18 =	vand.u32 $0xF, v2;
	v1 =	vimm.s32 $0x8F;
	v0 =	vsel vm8, $0x407, v0  }
0x2d: {  	v2 =	vimm.s32 $0x10F;
	v1 =	vsel vm15, $0x100, v1;
	v0 =	vsel vm7, $0x488, v0  }
0x2e: {  	v2 =	vsel vm15, $0x180, v2;
	v1 =	vsel vm14, $0x181, v1;
	v0 =	vsel vm6, $0x509, v0  }
0x2f: {  	v2 =	vsel vm14, $0x201, v2;
	v1 =	vsel vm13, $0x202, v1;
	v0 =	vsel vm5, $0x58A, v0  }
0x30: {  	v2 =	vsel vm13, $0x282, v2;
	v1 =	vsel vm12, $0x283, v1;
	v0 =	vsel vm3, $0x60B, v0  }
0x31: {  	v2 =	vsel vm12, $0x303, v2;
	v1 =	vsel vm11, $0x304, v1;
	v0 =	vsel vm4, $0x68C, v0  }
0x32: {  	v2 =	vsel vm11, $0x384, v2;
	v1 =	vsel vm10, $0x385, v1;
	v0 =	vsel vm1, $0x70D, v0  }
0x33: {  	v2 =	vsel vm10, $0x405, v2;
	v1 =	vsel vm9, $0x406, v1;
	v0 =	vsel vm2, $0x78E, v0  }
0x34: {  	v2 =	vsel vm9, $0x486, v2;
	[tilespmem:$0x1FC20] =	vst v0;
	v0 =	vsel vm8, $0x487, v1  }
0x35: {  	v1 =	vsel vm8, $0x507, v2;
	v0 =	vsel vm7, $0x508, v0  }
0x36: {  	v1 =	vsel vm7, $0x588, v1;
	v0 =	vsel vm6, $0x589, v0  }
0x37: {  	v2 =	vimm.s32 $0x18F;
	v1 =	vsel vm6, $0x609, v1;
	v0 =	vsel vm5, $0x60A, v0  }
0x38: {  	v2 =	vsel vm15, $0x200, v2;
	v1 =	vsel vm5, $0x68A, v1;
	v0 =	vsel vm3, $0x68B, v0  }
0x39: {  	v2 =	vsel vm14, $0x281, v2;
	v1 =	vsel vm3, $0x70B, v1;
	v0 =	vsel vm4, $0x70C, v0  }
0x3a: {  	v2 =	vsel vm13, $0x302, v2;
	v1 =	vsel vm4, $0x78C, v1;
	v0 =	vsel vm1, $0x78D, v0  }
0x3b: {  	v2 =	vsel vm12, $0x383, v2;
	v1 =	vsel vm1, $0xD, v1;
	v0 =	vsel vm2, $0xE, v0  }
0x3c: {  	v2 =	vsel vm11, $0x404, v2;
	[tilespmem:$0x1FC30] =	vst v0;
	v0 =	vsel vm2, $0x8E, v1  }
0x3d: {  	[tilespmem:$0x1FC40] =	vst v0;
	v0 =	vsel vm10, $0x485, v2  }
0x3e: {  	v0 =	vsel vm9, $0x506, v0  }
0x3f: {  	v1 =	vimm.s32 $0x20F;
	v0 =	vsel vm8, $0x587, v0  }
0x40: {  	v2 =	vimm.s32 $0x28F;
	v1 =	vsel vm15, $0x280, v1;
	v0 =	vsel vm7, $0x608, v0  }
0x41: {  	v2 =	vsel vm15, $0x300, v2;
	v1 =	vsel vm14, $0x301, v1;
	v0 =	vsel vm6, $0x689, v0  }
0x42: {  	v2 =	vsel vm14, $0x381, v2;
	v1 =	vsel vm13, $0x382, v1;
	v0 =	vsel vm5, $0x70A, v0  }
0x43: {  	v2 =	vsel vm13, $0x402, v2;
	v1 =	vsel vm12, $0x403, v1;
	v0 =	vsel vm3, $0x78B, v0  }
0x44: {  	v2 =	vsel vm12, $0x483, v2;
	v1 =	vsel vm11, $0x484, v1;
	v0 =	vsel vm4, $0xC, v0  }
0x45: {  	v2 =	vsel vm11, $0x504, v2;
	v1 =	vsel vm10, $0x505, v1;
	v0 =	vsel vm1, $0x8D, v0  }
0x46: {  	v2 =	vsel vm10, $0x585, v2;
	v1 =	vsel vm9, $0x586, v1;
	v0 =	vsel vm2, $0x10E, v0  }
0x47: {  	v2 =	vsel vm9, $0x606, v2;
	[tilespmem:$0x1FC50] =	vst v0;
	v0 =	vsel vm8, $0x607, v1  }
0x48: {  	v1 =	vsel vm8, $0x687, v2;
	v0 =	vsel vm7, $0x688, v0  }
0x49: {  	v1 =	vsel vm7, $0x708, v1;
	v0 =	vsel vm6, $0x709, v0  }
0x4a: {  	v2 =	vimm.s32 $0x30F;
	v1 =	vsel vm6, $0x789, v1;
	v0 =	vsel vm5, $0x78A, v0  }
0x4b: {  	v2 =	vsel vm15, $0x380, v2;
	v1 =	vsel vm5, $0xA, v1;
	v0 =	vsel vm3, $0xB, v0  }
0x4c: {  	v2 =	vsel vm14, $0x401, v2;
	v1 =	vsel vm3, $0x8B, v1;
	v0 =	vsel vm4, $0x8C, v0  }
0x4d: {  	v2 =	vsel vm13, $0x482, v2;
	v1 =	vsel vm4, $0x10C, v1;
	v0 =	vsel vm1, $0x10D, v0  }
0x4e: {  	v2 =	vsel vm12, $0x503, v2;
	v1 =	vsel vm1, $0x18D, v1;
	v0 =	vsel vm2, $0x18E, v0  }
0x4f: {  	v2 =	vsel vm11, $0x584, v2;
	[tilespmem:$0x1FC60] =	vst v0;
	v0 =	vsel vm2, $0x20E, v1  }
0x50: {  	[tilespmem:$0x1FC70] =	vst v0;
	v0 =	vsel vm10, $0x605, v2  }
0x51: {  	v0 =	vsel vm9, $0x686, v0  }
0x52: {  	v1 =	vimm.s32 $0x38F;
	v0 =	vsel vm8, $0x707, v0  }
0x53: {  	v2 =	vimm.s32 $0x40F;
	v1 =	vsel vm15, $0x400, v1;
	v0 =	vsel vm7, $0x788, v0  }
0x54: {  	v2 =	vsel vm15, $0x480, v2;
	v1 =	vsel vm14, $0x481, v1;
	v0 =	vsel vm6, $0x9, v0  }
0x55: {  	v2 =	vsel vm14, $0x501, v2;
	v1 =	vsel vm13, $0x502, v1;
	v0 =	vsel vm5, $0x8A, v0  }
0x56: {  	v2 =	vsel vm13, $0x582, v2;
	v1 =	vsel vm12, $0x583, v1;
	v0 =	vsel vm3, $0x10B, v0  }
0x57: {  	v2 =	vsel vm12, $0x603, v2;
	v1 =	vsel vm11, $0x604, v1;
	v0 =	vsel vm4, $0x18C, v0  }
0x58: {  	v2 =	vsel vm11, $0x684, v2;
	v1 =	vsel vm10, $0x685, v1;
	v0 =	vsel vm1, $0x20D, v0  }
0x59: {  	v2 =	vsel vm10, $0x705, v2;
	v1 =	vsel vm9, $0x706, v1;
	v0 =	vsel vm2, $0x28E, v0  }
0x5a: {  	v2 =	vsel vm9, $0x786, v2;
	[tilespmem:$0x1FC80] =	vst v0;
	v0 =	vsel vm8, $0x787, v1  }
0x5b: {  	v1 =	vsel vm8, $0x7, v2;
	v0 =	vsel vm7, $0x8, v0  }
0x5c: {  	v1 =	vsel vm7, $0x88, v1;
	v0 =	vsel vm6, $0x89, v0  }
0x5d: {  	v2 =	vimm.s32 $0x48F;
	v1 =	vsel vm6, $0x109, v1;
	v0 =	vsel vm5, $0x10A, v0  }
0x5e: {  	v2 =	vsel vm15, $0x500, v2;
	v1 =	vsel vm5, $0x18A, v1;
	v0 =	vsel vm3, $0x18B, v0  }
0x5f: {  	v2 =	vsel vm14, $0x581, v2;
	v1 =	vsel vm3, $0x20B, v1;
	v0 =	vsel vm4, $0x20C, v0  }
0x60: {  	v2 =	vsel vm13, $0x602, v2;
	v1 =	vsel vm4, $0x28C, v1;
	v0 =	vsel vm1, $0x28D, v0  }
0x61: {  	v2 =	vsel vm12, $0x683, v2;
	v1 =	vsel vm1, $0x30D, v1;
	v0 =	vsel vm2, $0x30E, v0  }
0x62: {  	v2 =	vsel vm11, $0x704, v2;
	[tilespmem:$0x1FC90] =	vst v0;
	v0 =	vsel vm2, $0x38E, v1  }
0x63: {  	[tilespmem:$0x1FCA0] =	vst v0;
	v0 =	vsel vm10, $0x785, v2  }
0x64: {  	v0 =	vsel vm9, $0x6, v0  }
0x65: {  	v1 =	vimm.s32 $0x50F;
	v0 =	vsel vm8, $0x87, v0  }
0x66: {  	v2 =	vimm.s32 $0x58F;
	v1 =	vsel vm15, $0x580, v1;
	v0 =	vsel vm7, $0x108, v0  }
0x67: {  	v2 =	vsel vm15, $0x600, v2;
	v1 =	vsel vm14, $0x601, v1;
	v0 =	vsel vm6, $0x189, v0  }
0x68: {  	v2 =	vsel vm14, $0x681, v2;
	v1 =	vsel vm13, $0x682, v1;
	v0 =	vsel vm5, $0x20A, v0  }
0x69: {  	v2 =	vsel vm13, $0x702, v2;
	v1 =	vsel vm12, $0x703, v1;
	v0 =	vsel vm3, $0x28B, v0  }
0x6a: {  	v2 =	vsel vm12, $0x783, v2;
	v1 =	vsel vm11, $0x784, v1;
	v0 =	vsel vm4, $0x30C, v0  }
0x6b: {  	v2 =	vsel vm11, $0x4, v2;
	v1 =	vsel vm10, $0x5, v1;
	v0 =	vsel vm1, $0x38D, v0  }
0x6c: {  	v2 =	vsel vm10, $0x85, v2;
	v1 =	vsel vm9, $0x86, v1;
	v0 =	vsel vm2, $0x40E, v0  }
0x6d: {  	v2 =	vsel vm9, $0x106, v2;
	[tilespmem:$0x1FCB0] =	vst v0;
	v0 =	vsel vm8, $0x107, v1  }
0x6e: {  	v1 =	vsel vm8, $0x187, v2;
	v0 =	vsel vm7, $0x188, v0  }
0x6f: {  	v1 =	vsel vm7, $0x208, v1;
	v0 =	vsel vm6, $0x209, v0  }
0x70: {  	v2 =	vimm.s32 $0x60F;
	v1 =	vsel vm6, $0x289, v1;
	v0 =	vsel vm5, $0x28A, v0  }
0x71: {  	v2 =	vsel vm15, $0x680, v2;
	v1 =	vsel vm5, $0x30A, v1;
	v0 =	vsel vm3, $0x30B, v0  }
0x72: {  	v2 =	vsel vm14, $0x701, v2;
	v1 =	vsel vm3, $0x38B, v1;
	v0 =	vsel vm4, $0x38C, v0  }
0x73: {  	v2 =	vsel vm13, $0x782, v2;
	v1 =	vsel vm4, $0x40C, v1;
	v0 =	vsel vm1, $0x40D, v0  }
0x74: {  	v2 =	vsel vm12, $0x3, v2;
	v1 =	vsel vm1, $0x48D, v1;
	v0 =	vsel vm2, $0x48E, v0  }
0x75: {  	v2 =	vsel vm11, $0x84, v2;
	[tilespmem:$0x1FCC0] =	vst v0;
	v0 =	vsel vm2, $0x50E, v1  }
0x76: {  	[tilespmem:$0x1FCD0] =	vst v0;
	v0 =	vsel vm10, $0x105, v2  }
0x77: {  	v0 =	vsel vm9, $0x186, v0  }
0x78: {  	v1 =	vimm.s32 $0x68F;
	v2 =	vimm.s32 $0x70F;
	v0 =	vsel vm8, $0x207, v0  }
0x79: {  	v1 =	vsel vm15, $0x700, v1;
	v2 =	vsel vm15, $0x780, v2;
	v0 =	vsel vm7, $0x288, v0  }
0x7a: {  	v1 =	vsel vm14, $0x781, v1;
	v2 =	vsel vm14, $0x1, v2;
	v0 =	vsel vm6, $0x309, v0  }
0x7b: {  	v1 =	vsel vm13, $0x2, v1;
	v2 =	vsel vm13, $0x82, v2;
	v0 =	vsel vm5, $0x38A, v0  }
0x7c: {  	v1 =	vsel vm12, $0x83, v1;
	v2 =	vsel vm12, $0x103, v2;
	v0 =	vsel vm3, $0x40B, v0  }
0x7d: {  	v1 =	vsel vm11, $0x104, v1;
	v2 =	vsel vm11, $0x184, v2;
	v0 =	vsel vm4, $0x48C, v0  }
0x7e: {  	v1 =	vsel vm10, $0x185, v1;
	v2 =	vsel vm10, $0x205, v2;
	v0 =	vsel vm1, $0x50D, v0  }
0x7f: {  	v1 =	vsel vm9, $0x206, v1;
	v2 =	vsel vm9, $0x286, v2;
	v0 =	vsel vm2, $0x58E, v0  }
0x80: {  	[tilespmem:$0x1FCE0] =	vst v0;
	v0 =	vsel vm8, $0x287, v1;
	v1 =	vsel vm8, $0x307, v2  }
0x81: {  	v17 =	vcombine.low v47, v10;
	v1 =	vsel vm7, $0x388, v1  }
0x82: {  	v2 =	vimm.s32 $0x80F;
	v0 =	vsel vm7, $0x308, v0;
	v1 =	vsel vm6, $0x409, v1  }
0x83: {  	v2 =	vsel vm15, $0x880, v2;
	v0 =	vsel vm6, $0x389, v0;
	v1 =	vsel vm5, $0x48A, v1  }
0x84: {  	v2 =	vsel vm14, $0x901, v2;
	v0 =	vsel vm5, $0x40A, v0;
	v1 =	vsel vm3, $0x50B, v1  }
0x85: {  	v2 =	vsel vm13, $0x982, v2;
	v0 =	vsel vm3, $0x48B, v0;
	v1 =	vsel vm4, $0x58C, v1  }
0x86: {  	v2 =	vsel vm12, $0xA03, v2;
	v0 =	vsel vm4, $0x50C, v0;
	v1 =	vsel vm1, $0x60D, v1  }
0x87: {  	v0 =	vsel vm1, $0x58D, v0;
	v47 =	vsel vm2, $0x68E, v1;
	v1 =	vimm.s32 $0x1C1B1A19  }
0x88: {  	v2 =	vsel vm11, $0xA84, v2;
	v0 =	vsel vm2, $0x60E, v0;
	v1 =	vunpack.c.0.s8.s32 v1  }
0x89: {  	[tilespmem:$0x1FCF0] =	vst v0;
	v0 =	vsel vm10, $0xB05, v2  }
0x8a: {  	v0 =	vsel vm9, $0xB86, v0;
	[tilespmem:$0x1FD00] =	vst v1;
	v1 =	vimm.s32 $0x101F1E1D  }
0x8b: {  	v0 =	vsel vm8, $0xC07, v0;
	v1 =	vunpack.c.0.s8.s32 v1  }
0x8c: {  	v0 =	vsel vm7, $0xC88, v0  }
0x8d: {  	v0 =	vsel vm6, $0xD09, v0;
	[tilespmem:$0x1FD10] =	vst v1;
	v1 =	vimm.s32 $0x88F  }
0x8e: {  	v0 =	vsel vm5, $0xD8A, v0;
	v1 =	vsel vm15, $0x900, v1  }
0x8f: {  	v0 =	vsel vm3, $0xE0B, v0;
	v1 =	vsel vm14, $0x981, v1  }
0x90: {  	v0 =	vsel vm4, $0xE8C, v0;
	v1 =	vsel vm13, $0xA02, v1  }
0x91: {  	v0 =	vsel vm1, $0xF0D, v0;
	v1 =	vsel vm12, $0xA83, v1  }
0x92: {  	v0 =	vsel vm2, $0xF8E, v0;
	v1 =	vsel vm11, $0xB04, v1  }
0x93: {  	[tilespmem:$0x1FD40] =	vst v0;
	v0 =	vsel vm10, $0xB85, v1  }
0x94: {  	v0 =	vsel vm9, $0xC06, v0  }
0x95: {  	v2 =	vimm.s32 $0x14131211;
	v0 =	vsel vm8, $0xC87, v0  }
0x96: {  	v2 =	vunpack.c.0.s8.s32 v2;
	v0 =	vsel vm7, $0xD08, v0  }
0x97: {  	v0 =	vsel vm6, $0xD89, v0  }
0x98: {  	[tilespmem:$0x1FD20] =	vst v2;
	v2 =	vimm.s32 $0x18171615;
	v0 =	vsel vm5, $0xE0A, v0  }
0x99: {  	v2 =	vunpack.c.0.s8.s32 v2;
	v0 =	vsel vm3, $0xE8B, v0  }
0x9a: {  	v0 =	vsel vm4, $0xF0C, v0  }
0x9b: {  	[tilespmem:$0x1FD30] =	vst v2;
	v2 =	vimm.s32 $0x90F;
	v0 =	vsel vm1, $0xF8D, v0  }
0x9c: {  	v1 =	vsel vm15, $0x980, v2;
	v0 =	vsel vm2, $0x80E, v0  }
0x9d: {  	v1 =	vsel vm14, $0xA01, v1;
	[tilespmem:$0x1FD90] =	vst v0;
	v0 =	vimm.s32 $0x1E1D1C1B  }
0x9e: {  	v1 =	vsel vm13, $0xA82, v1;
	v0 =	vunpack.c.0.s8.s32 v0  }
0x9f: {  	v1 =	vsel vm12, $0xB03, v1  }
0xa0: {  	v1 =	vsel vm11, $0xB84, v1;
	[tilespmem:$0x1FDA0] =	vst v0;
	v0 =	vimm.s32 $0x1211101F  }
0xa1: {  	v1 =	vsel vm10, $0xC05, v1;
	v0 =	vunpack.c.0.s8.s32 v0  }
0xa2: {  	v1 =	vsel vm9, $0xC86, v1  }
0xa3: {  	v1 =	vsel vm8, $0xD07, v1;
	[tilespmem:$0x1FDB0] =	vst v0;
	v0 =	vimm.s32 $0x16151413  }
0xa4: {  	v1 =	vsel vm7, $0xD88, v1;
	v0 =	vunpack.c.0.s8.s32 v0  }
0xa5: {  	v1 =	vsel vm6, $0xE09, v1  }
0xa6: {  	v1 =	vsel vm5, $0xE8A, v1;
	[tilespmem:$0x1FDC0] =	vst v0;
	v0 =	vimm.s32 $0x1A191817  }
0xa7: {  	v1 =	vsel vm3, $0xF0B, v1;
	v0 =	vunpack.c.0.s8.s32 v0  }
0xa8: {  	v1 =	vsel vm4, $0xF8C, v1  }
0xa9: {  	[tilespmem:$0x1FDD0] =	vst v0;
	v0 =	vsel vm1, $0x80D, v1  }
0xaa: {  	v1 =	vimm.s32 $0x1F1E1D1C;
	v0 =	vsel vm2, $0x88E, v0  }
0xab: {  	[tilespmem:$0x1FDE0] =	vst v0;
	v0 =	vunpack.c.0.s8.s32 v1  }
0xac: {  	v2 =	vimm.s32 $0x1D1C1B1A  }
0xad: {  	v2 =	vunpack.c.0.s8.s32 v2;
	[tilespmem:$0x1FDF0] =	vst v0;
	v0 =	vimm.s32 $0x13121110  }
0xae: {  	v0 =	vunpack.c.0.s8.s32 v0  }
0xaf: {  	[tilespmem:$0x1FD50] =	vst v2;
	v2 =	vimm.s32 $0x11101F1E  }
0xb0: {  	v60 =	vimm.s32 $0xFEDCBA98;
	v2 =	vunpack.c.0.s8.s32 v2;
	[tilespmem:$0x1FE00] =	vst v0;
	v0 =	vimm.s32 $0x17161514  }
0xb1: {  	v14 =	vunpack.c.l.s4.s8 v60;
	v0 =	vunpack.c.0.s8.s32 v0  }
0xb2: {  	[tilespmem:$0x1FD60] =	vst v2;
	v1 =	vimm.s32 $0x1B1A1918  }
0xb3: {  	v14 =	vunpack.c.0.s8.s32 v14;
	v2 =	vimm.s32 $0x15141312;
	[tilespmem:$0x1FE10] =	vst v0;
	v0 =	vunpack.c.0.s8.s32 v1  }
0xb4: {  	v2 =	vunpack.c.0.s8.s32 v2  }
0xb5: {  	v12 =	vcombine.low v9, v8;
	v14 =	vand.u32 $0xF, v14;
	[tilespmem:$0x1FE20] =	vst v0;
	v0 =	vimm.s32 $0x98F  }
0xb6: {  	v31 =	vcombine.low v14, v16;
	[tilespmem:$0x1FD70] =	vst v2;
	v2 =	vimm.s32 $0x19181716;
	v0 =	vsel vm15, $0xA00, v0  }
0xb7: {  	v2 =	vunpack.c.0.s8.s32 v2;
	v1 =	vimm.s32 $0xA0F;
	v0 =	vsel vm14, $0xA81, v0  }
0xb8: {  	v42 =	vcombine.low v7, v6;
	v1 =	vsel vm15, $0xA80, v1;
	v0 =	vsel vm13, $0xB02, v0  }
0xb9: {  	[tilespmem:$0x1FD80] =	vst v2;
	v2 =	vimm.s32 $0xA8F;
	v1 =	vsel vm14, $0xB01, v1;
	v0 =	vsel vm12, $0xB83, v0  }
0xba: {  	v2 =	vsel vm15, $0xB00, v2;
	v1 =	vsel vm13, $0xB82, v1;
	v0 =	vsel vm11, $0xC04, v0  }
0xbb: {  	v2 =	vsel vm14, $0xB81, v2;
	v1 =	vsel vm12, $0xC03, v1;
	v0 =	vsel vm10, $0xC85, v0  }
0xbc: {  	v2 =	vsel vm13, $0xC02, v2;
	v1 =	vsel vm11, $0xC84, v1;
	v0 =	vsel vm9, $0xD06, v0  }
0xbd: {  	v2 =	vsel vm12, $0xC83, v2;
	v1 =	vsel vm10, $0xD05, v1;
	v0 =	vsel vm8, $0xD87, v0  }
0xbe: {  	v2 =	vsel vm11, $0xD04, v2;
	v1 =	vsel vm9, $0xD86, v1;
	v0 =	vsel vm7, $0xE08, v0  }
0xbf: {  	v2 =	vsel vm10, $0xD85, v2;
	v1 =	vsel vm8, $0xE07, v1;
	v0 =	vsel vm6, $0xE89, v0  }
0xc0: {  	v2 =	vsel vm9, $0xE06, v2;
	v1 =	vsel vm7, $0xE88, v1;
	v0 =	vsel vm5, $0xF0A, v0  }
0xc1: {  	v2 =	vsel vm8, $0xE87, v2;
	v1 =	vsel vm6, $0xF09, v1;
	v0 =	vsel vm3, $0xF8B, v0  }
0xc2: {  	v2 =	vsel vm7, $0xF08, v2;
	v1 =	vsel vm5, $0xF8A, v1;
	v0 =	vsel vm4, $0x80C, v0  }
0xc3: {  	v2 =	vsel vm6, $0xF89, v2;
	v1 =	vsel vm3, $0x80B, v1;
	v0 =	vsel vm1, $0x88D, v0  }
0xc4: {  	v2 =	vsel vm5, $0x80A, v2;
	v1 =	vsel vm4, $0x88C, v1;
	v0 =	vsel vm2, $0x90E, v0  }
0xc5: {  	v30 =	vand.u32 $0xF, v12;
	v2 =	vsel vm3, $0x88B, v2;
	[tilespmem:$0x1FE30] =	vst v0;
	v0 =	vsel vm1, $0x90D, v1  }
0xc6: {  	v56 =	vand.u32 $0xF, v42;
	v2 =	vsel vm4, $0x90C, v2;
	v0 =	vsel vm2, $0x98E, v0  }
0xc7: {  	v59 =	vand.u32 $0xF, v17;
	v1 =	vsel vm1, $0x98D, v2;
	[tilespmem:$0x1FE40] =	vst v0;
	v0 =	vimm.s32 $0xB0F  }
0xc8: {  	v5 =	vsel vm2, $0xA0E, v1;
	v1 =	vimm.s32 $0xB8F;
	v0 =	vsel vm15, $0xB80, v0  }
0xc9: {  	v2 =	vimm.s32 $0xC0F;
	v1 =	vsel vm15, $0xC00, v1;
	v0 =	vsel vm14, $0xC01, v0  }
0xca: {  	v2 =	vsel vm15, $0xC80, v2;
	v1 =	vsel vm14, $0xC81, v1;
	v0 =	vsel vm13, $0xC82, v0  }
0xcb: {  	v2 =	vsel vm14, $0xD01, v2;
	v1 =	vsel vm13, $0xD02, v1;
	v0 =	vsel vm12, $0xD03, v0  }
0xcc: {  	v2 =	vsel vm13, $0xD82, v2;
	v1 =	vsel vm12, $0xD83, v1;
	v0 =	vsel vm11, $0xD84, v0  }
0xcd: {  	v2 =	vsel vm12, $0xE03, v2;
	v1 =	vsel vm11, $0xE04, v1;
	v0 =	vsel vm10, $0xE05, v0  }
0xce: {  	v2 =	vsel vm11, $0xE84, v2;
	v1 =	vsel vm10, $0xE85, v1;
	v0 =	vsel vm9, $0xE86, v0  }
0xcf: {  	v2 =	vsel vm10, $0xF05, v2;
	v1 =	vsel vm9, $0xF06, v1;
	v0 =	vsel vm8, $0xF07, v0  }
0xd0: {  	v2 =	vsel vm9, $0xF86, v2;
	v1 =	vsel vm8, $0xF87, v1;
	v0 =	vsel vm7, $0xF88, v0  }
0xd1: {  	v2 =	vsel vm8, $0x807, v2;
	v1 =	vsel vm7, $0x808, v1;
	v0 =	vsel vm6, $0x809, v0  }
0xd2: {  	v2 =	vsel vm7, $0x888, v2;
	v1 =	vsel vm6, $0x889, v1;
	v0 =	vsel vm5, $0x88A, v0  }
0xd3: {  	v2 =	vsel vm6, $0x909, v2;
	v1 =	vsel vm5, $0x90A, v1;
	v0 =	vsel vm3, $0x90B, v0  }
0xd4: {  	v2 =	vsel vm5, $0x98A, v2;
	v1 =	vsel vm3, $0x98B, v1;
	v0 =	vsel vm4, $0x98C, v0  }
0xd5: {  	v2 =	vsel vm3, $0xA0B, v2;
	v1 =	vsel vm4, $0xA0C, v1;
	v0 =	vsel vm1, $0xA0D, v0  }
0xd6: {  	v2 =	vsel vm4, $0xA8C, v2;
	v4 =	vsel vm2, $0xA8E, v0;
	v0 =	vsel vm1, $0xA8D, v1  }
0xd7: {  	v1 =	vsel vm1, $0xB0D, v2;
	v54 =	vsel vm2, $0xB0E, v0;
	v0 =	vimm.s32 $0xC8F  }
0xd8: {  	v45 =	vsel vm2, $0xB8E, v1;
	v1 =	vimm.s32 $0xD0F;
	v0 =	vsel vm15, $0xD00, v0  }
0xd9: {  	v2 =	vimm.s32 $0xD8F;
	v1 =	vsel vm15, $0xD80, v1;
	v0 =	vsel vm14, $0xD81, v0  }
0xda: {  	v2 =	vsel vm15, $0xE00, v2;
	v1 =	vsel vm14, $0xE01, v1;
	v0 =	vsel vm13, $0xE02, v0  }
0xdb: {  	s0 =	rddreg [dreg:$0x0];
	v2 =	vsel vm14, $0xE81, v2;
	v1 =	vsel vm13, $0xE82, v1;
	v0 =	vsel vm12, $0xE83, v0  }
0xdc: {  	s1 =	rddreg [dreg:$0x1];
	v2 =	vsel vm13, $0xF02, v2;
	v1 =	vsel vm12, $0xF03, v1;
	v0 =	vsel vm11, $0xF04, v0  }
0xdd: {  	s2 =	rddreg [dreg:$0x2];
	s4 =	simm.s32 $0x0;
	v2 =	vsel vm12, $0xF83, v2;
	v1 =	vsel vm11, $0xF84, v1;
	v0 =	vsel vm10, $0xF85, v0  }
0xde: {  	[smem:$0x7FF] =	sst s4;
	v2 =	vsel vm11, $0x804, v2;
	v1 =	vsel vm10, $0x805, v1;
	v0 =	vsel vm9, $0x806, v0  }
0xdf: {  	s3 =	rddreg [dreg:$0x3];
	_ =	strace $0x80000047;
	[tilespmem:$0x1FE50] =	vst v59;
	v2 =	vsel vm10, $0x885, v2;
	v1 =	vsel vm9, $0x886, v1;
	v0 =	vsel vm8, $0x887, v0  }
0xe0: {  	[tilespmem:$0x1FE60] =	vst v39;
	v2 =	vsel vm9, $0x906, v2;
	v1 =	vsel vm8, $0x907, v1;
	v0 =	vsel vm7, $0x908, v0  }
0xe1: {  	[tilespmem:$0x1FE70] =	vst v51;
	v2 =	vsel vm8, $0x987, v2;
	v1 =	vsel vm7, $0x988, v1;
	v0 =	vsel vm6, $0x989, v0  }
0xe2: {  	[tilespmem:$0x1FE80] =	vst v32;
	v2 =	vsel vm7, $0xA08, v2;
	v1 =	vsel vm6, $0xA09, v1;
	v0 =	vsel vm5, $0xA0A, v0  }
0xe3: {  	[tilespmem:$0x1FE90] =	vst v18;
	v2 =	vsel vm6, $0xA89, v2;
	v1 =	vsel vm5, $0xA8A, v1;
	v0 =	vsel vm3, $0xA8B, v0  }
0xe4: {  	[tilespmem:$0x1FEA0] =	vst v48;
	v2 =	vsel vm5, $0xB0A, v2;
	v1 =	vsel vm3, $0xB0B, v1;
	v0 =	vsel vm4, $0xB0C, v0  }
0xe5: {  	[tilespmem:$0x1FEB0] =	vst v50;
	v2 =	vsel vm3, $0xB8B, v2;
	v1 =	vsel vm4, $0xB8C, v1;
	v0 =	vsel vm1, $0xB8D, v0  }
0xe6: {  	[tilespmem:$0x1FEC0] =	vst v29;
	v2 =	vsel vm4, $0xC0C, v2;
	v26 =	vsel vm2, $0xC0E, v0;
	v0 =	vsel vm1, $0xC0D, v1  }
0xe7: {  	[tilespmem:$0x1FED0] =	vst v56;
	v1 =	vsel vm1, $0xC8D, v2;
	v27 =	vsel vm2, $0xC8E, v0;
	v0 =	vimm.s32 $0xE0F  }
0xe8: {  	[tilespmem:$0x1FEE0] =	vst v3;
	v62 =	vsel vm2, $0xD0E, v1;
	v1 =	vimm.s32 $0xE8F;
	v0 =	vsel vm15, $0xE80, v0  }
0xe9: {  	[tilespmem:$0x1FEF0] =	vst v47;
	v2 =	vimm.s32 $0xF0F;
	v1 =	vsel vm15, $0xF00, v1;
	v0 =	vsel vm14, $0xF01, v0  }
0xea: {  	[tilespmem:$0x1FF00] =	vst v5;
	v2 =	vsel vm15, $0xF80, v2;
	v1 =	vsel vm14, $0xF81, v1;
	v0 =	vsel vm13, $0xF82, v0  }
0xeb: {  	[tilespmem:$0x1FFA0] =	vst v31;
	v2 =	vsel vm14, $0x801, v2;
	v1 =	vsel vm13, $0x802, v1;
	v0 =	vsel vm12, $0x803, v0  }
0xec: {  	[tilespmem:$0x1FFB0] =	vst v55;
	v2 =	vsel vm13, $0x882, v2;
	v1 =	vsel vm12, $0x883, v1;
	v0 =	vsel vm11, $0x884, v0  }
0xed: {  	s5 =	srdreg.scid;
	s10 =	stileid.u32;
	[tilespmem:$0x1FFC0] =	vst v30;
	v2 =	vsel vm12, $0x903, v2;
	v1 =	vsel vm11, $0x904, v1;
	v0 =	vsel vm10, $0x905, v0  }
0xee: {  	s20 =	simm.s32 $0x3;
	s21 =	simm.s32 $0x4;
	s22 =	simm.s32 $0xB;
	[tilespmem:$0x1FFD0] =	vst v58;
	v2 =	vsel vm11, $0x984, v2;
	v1 =	vsel vm10, $0x985, v1;
	v0 =	vsel vm9, $0x986, v0  }
0xef: {  	s30 =	simm.s32 $0x400;
	s31 =	simm.s32 $0x8000;
	s19 =	simm.s32 $0x0;
	[tilespmem:$0x1FFE0] =	vst v35;
	v2 =	vsel vm10, $0xA05, v2;
	v1 =	vsel vm9, $0xA06, v1;
	v0 =	vsel vm8, $0xA07, v0  }
0xf0: {  	s5 =	sand.u32 $0x1, s5;
	s7 =	sshll.u32 s10, $0x1;
	s8 =	sadd.s32 $0x800, s2;
	[tilespmem:$0x1FFF0] =	vst v28;
	v2 =	vsel vm9, $0xA86, v2;
	v1 =	vsel vm8, $0xA87, v1;
	v0 =	vsel vm7, $0xA88, v0  }
0xf1: {  	p0 =	seq.s32 s10, $0xF;
	s6 =	ssub.s32 $0x2, s5;
	s7 =	sor.u32 s5, s7;
	[tilespmem:$0x1FF10] =	vst v4;
	v2 =	vsel vm8, $0xB07, v2;
	v1 =	vsel vm7, $0xB08, v1;
	v0 =	vsel vm6, $0xB09, v0  }
0xf2: {  	p1 =	seq.s32 s5, $0x0;
	s5 =	simm.s32 $0xA;
	s9 =	sshrl.u32 s6, $0x1;
	[tilespmem:$0x1FF20] =	vst v54;
	v2 =	vsel vm7, $0xB88, v2;
	v1 =	vsel vm6, $0xB89, v1;
	v0 =	vsel vm5, $0xB8A, v0  }
0xf3: {  	s25 =	sshll.u32 s7, $0x9;
	p0 =	por !p0, !p1;
	s28 =	sshll.u32 s7, $0x7;
	[tilespmem:$0x1FF30] =	vst v45;
	v2 =	vsel vm6, $0xC09, v2;
	v1 =	vsel vm5, $0xC0A, v1;
	v0 =	vsel vm3, $0xC0B, v0  }
0xf4: {  	s11 =	sor.u32 $0x40, s7;
	s14 =	sshll.u32 s7, $0xA;
	s6 =	ssub.s32 s6, s9;
	[tilespmem:$0x1FF40] =	vst v26;
	v2 =	vsel vm5, $0xC8A, v2;
	v1 =	vsel vm3, $0xC8B, v1;
	v0 =	vsel vm4, $0xC8C, v0  }
0xf5: {  	s9 =	sadd.s32 s1, s25;
	p0 =	por !p0, !p0;
	s12 =	sadd.s32 s0, s28;
	[tilespmem:$0x1FF50] =	vst v27;
	v2 =	vsel vm3, $0xD0B, v2;
	v1 =	vsel vm4, $0xD0C, v1;
	v0 =	vsel vm1, $0xD0D, v0  }
0xf6: {  	s25 =	simm.s32 $0x5;
	s26 =	sadd.s32 $0x4000, s9;
	[dreg:$0x5] =	wrdreg s8;
	[tilespmem:$0x1FF60] =	vst v62;
	v2 =	vsel vm4, $0xD8C, v2;
	v42 =	vsel vm2, $0xD8E, v0;
	v0 =	vsel vm1, $0xD8D, v1  }
0xf7: {  	s29 =	sadd.s32 $0x10, s12;
	s16 =	smax.u32 s6, $0x1;
	[dreg:$0x6] =	wrdreg s26;
	v1 =	vsel vm1, $0xE0D, v2;
	v46 =	vsel vm2, $0xE0E, v0;
	[tilespmem:$0x1FF70] =	vst v42  }
0xf8: {  	v63 =	vlaneseq.u32;
	s8 =	sadd.s32 $0xA00, s2;
	s2 =	sadd.s32 $0x3D1200, s2;
	[dreg:$0x8] =	wrdreg s29;
	v24 =	vsel vm2, $0xE8E, v1;
	[tilespmem:$0x1FF80] =	vst v46  }
0xf9: {  	vm0 =	vcmask $0x1F10;
	v33 =	vor.u32 $0x10, v63;
	s26 =	simm.s32 $0x80;
	[dreg:$0x7] =	wrdreg s2;
	s2 =	simm.s32 $0x9;
	[tilespmem:$0x1FF90] =	vst v24  }
.LBB2_1:
0xfa: {  	s10 =	simm.s32 $0x1000;
	s13 =	simm.s32 $0x7A1400  }
0xfb: {  	[tilespmem:s4], [sflag:$0x1] =	stream.strided.gather [hbm4b:s9+s10], $0x4000, s13, s10, $0x38;
	[tilespmem:$0x1A300] =	vst v63  }
0xfc: {  	s6 =	rddreg [dreg:$0x6];
	s15 =	simm.s32 $0x4000;
	s23 =	simm.s32 $0x0  }
0xfd: {  	v42 =	vmov v35;
	v45 =	vmov v29;
	v46 =	vmov v56;
	v61 =	vld [tilespmem:$0x1FC10];
	[tilespmem:s15], [sflag:$0x2] =	stream.strided.gather [hbm4b:s6+s10], $0x4000, s13, s10, $0x38  }
.LBB2_2:
0xfe: {  	s13 =	simm.s32 $0x0  }
0xff: {  	v0 =	vmov s13  }
0x100: {  	s24 =	sand.u32 $0x1, s23;
	v0 =	vshll.u32 v0, $0x3  }
0x101: {  	s28 =	sadd.s32 $0x1, s24;
	v1 =	vor.u32 s13, v63;
	v0 =	vand.u32 $0xC00, v0  }
0x102: {  	_ =	swait.ge [sflag:s28], $0x4000;
	v4 =	vand.u32 $0x7F, v1;
	v2 =	vor.u32 v50, v0  }
0x103: {  	p1 =	slt.u32 s23, $0x2;
	[sflag:s28] =	ssyncset.done $0x0;
	v5 =	vor.u32 v4, v2  }
0x104: {  	s6 =	sadd.s32 @!p1 $0x3, s24;
	[sflag:s28] =	ssyncadd.s32 $0xFFFFC000  }
0x105: {  	_ =	swait.ge @!p1 [sflag:s6], $0x4000  }
0x106: {  	[sflag:s6] =	ssyncset.done @!p1 $0x0  }
0x107: {  	v47 =	vmov v3;
	s29 =	sshll.u32 s24, $0xE;
	v3 =	vor.u32 v3, v0;
	[sflag:s6] =	ssyncadd.s32 @!p1 $0xFFFFC000  }
0x108: {  	v0 =	vor.u32 v4, v3;
	v4 =	vld.idx.msk [tilespmem:v5+s29+$0x0], $0xffff  }
0x109: {  	v1 =	vshll.u32 v1, $0x5;
	v5 =	vor.u32 s13, v28  }
0x10a: {  	v6 =	vor.u32 v63, v1;
	v7 =	vand.u32 $0x7F, v5  }
0x10b: {  	v8 =	vor.u32 v7, v2;
	_ =	sdelay $0x1  }
0x10c: {  	v0 =	vld.idx.msk [tilespmem:v0+s29+$0x0], $0xffff;
	v4 =	vmul.f32 $5.656854150e+00, v4  }
0x10d: {  	s6 =	sor.u32 $0x8000, s29  }
0x10e: {  	v1 =	vor.u32 v33, v1;
	[tilespmem:v6+s6+$0x0] =	vst.idx.msk $0xffff, v4  }
0x10f: {  	v7 =	vor.u32 v7, v3;
	v4 =	vld.idx.msk [tilespmem:v8+s29+$0x0], $0xffff  }
0x110: {  	v5 =	vshll.u32 v5, $0x5;
	v6 =	vor.u32 s13, v45  }
0x111: {  	v0 =	vmul.f32 $5.656854150e+00, v0;
	v8 =	vor.u32 v63, v5;
	v9 =	vand.u32 $0x7F, v6  }
0x112: {  	v10 =	vor.u32 v9, v2  }
0x113: {  	[tilespmem:v1+s6+$0x0] =	vst.idx.msk $0xffff, v0  }
0x114: {  	v0 =	vld.idx.msk [tilespmem:v7+s29+$0x0], $0xffff;
	v1 =	vmul.f32 $5.656854150e+00, v4;
	_ =	sdelay $0x1  }
0x115: {  	v4 =	vor.u32 v33, v5;
	[tilespmem:v8+s6+$0x0] =	vst.idx.msk $0xffff, v1  }
0x116: {  	v7 =	vld.idx.msk [tilespmem:v10+s29+$0x0], $0xffff  }
0x117: {  	v5 =	vor.u32 v9, v3  }
0x118: {  	v6 =	vshll.u32 v6, $0x5;
	v0 =	vmul.f32 $5.656854150e+00, v0  }
0x119: {  	v12 =	vor.u32 s13, v48;
	v10 =	vor.u32 v63, v6  }
0x11a: {  	[tilespmem:v4+s6+$0x0] =	vst.idx.msk $0xffff, v0;
	v0 =	vand.u32 $0x7F, v12  }
0x11b: {  	v9 =	vor.u32 s13, v42;
	v4 =	vmul.f32 $5.656854150e+00, v7;
	v7 =	vor.u32 v0, v2  }
0x11c: {  	v11 =	vand.u32 $0x7F, v9;
	v5 =	vld.idx.msk [tilespmem:v5+s29+$0x0], $0xffff;
	v0 =	vor.u32 v0, v3;
	[tilespmem:$0x1FAB0] =	vst v7  }
0x11d: {  	v13 =	vor.u32 v11, v2;
	v7 =	vor.u32 s13, v18;
	[tilespmem:$0x1FAC0] =	vst v0  }
0x11e: {  	v0 =	vand.u32 $0x7F, v7;
	[tilespmem:v10+s6+$0x0] =	vst.idx.msk $0xffff, v4;
	v7 =	vshll.u32 v7, $0x5  }
0x11f: {  	v6 =	vor.u32 v33, v6;
	[tilespmem:$0x1FBC0] =	vst v7;
	v4 =	vor.u32 v0, v2  }
0x120: {  	v0 =	vor.u32 v0, v3;
	[tilespmem:$0x1FAD0] =	vst v4  }
0x121: {  	v11 =	vor.u32 v11, v3;
	v7 =	vor.u32 v63, v7;
	[tilespmem:$0x1FAE0] =	vst v0  }
0x122: {  	v1 =	vor.u32 s13, v58;
	v5 =	vmul.f32 $5.656854150e+00, v5;
	v4 =	vshll.u32 v12, $0x5;
	v0 =	vld.idx.msk [tilespmem:v13+s29+$0x0], $0xffff;
	[tilespmem:$0x1FAF0] =	vst v7  }
0x123: {  	v9 =	vshll.u32 v9, $0x5;
	v14 =	vand.u32 $0x7F, v1;
	[tilespmem:$0x1FBF0] =	vst v4  }
0x124: {  	s10 =	simm.s32 $0x10;
	v10 =	vor.u32 s13, v46;
	v13 =	vor.u32 v63, v9;
	v4 =	vor.u32 v14, v3;
	[tilespmem:v6+s6+$0x0] =	vst.idx.msk $0xffff, v5  }
0x125: {  	v17 =	vor.u32 s10, v63;
	v15 =	vand.u32 $0x7F, v10;
	[tilespmem:$0x1FBB0] =	vst v4  }
0x126: {  	v10 =	vshll.u32 v10, $0x5;
	v12 =	vor.u32 v15, v2;
	v6 =	vmov s10;
	v11 =	vld.idx.msk [tilespmem:v11+s29+$0x0], $0xffff  }
0x127: {  	v15 =	vor.u32 v15, v3;
	v6 =	vshll.u32 v6, $0x3;
	v0 =	vmul.f32 $5.656854150e+00, v0  }
0x128: {  	v7 =	vor.u32 v14, v2;
	v9 =	vor.u32 v33, v9;
	v6 =	vand.u32 $0xC00, v6  }
0x129: {  	v38 =	vmovc v48;
	v14 =	vor.u32 s10, v48;
	v48 =	vor.u32 v47, v6;
	[tilespmem:v13+s6+$0x0] =	vst.idx.msk $0xffff, v0;
	v0 =	vand.u32 $0x7F, v17  }
0x12a: {  	v4 =	vor.u32 s10, v32;
	v49 =	vor.u32 v50, v6;
	v13 =	vor.u32 v0, v48  }
0x12b: {  	v12 =	vld.idx.msk [tilespmem:v12+s29+$0x0], $0xffff;
	[tilespmem:$0x1FBD0] =	vst v4;
	v11 =	vmul.f32 $5.656854150e+00, v11;
	v0 =	vor.u32 v0, v49;
	v4 =	vor.u32 s10, v58  }
0x12c: {  	v20 =	vmov v18;
	v18 =	vor.u32 v33, v10;
	v16 =	vand.u32 $0x7F, v14;
	[tilespmem:$0x1FB00] =	vst v4  }
0x12d: {  	v10 =	vor.u32 v63, v10;
	v6 =	vor.u32 v16, v49;
	[tilespmem:v9+s6+$0x0] =	vst.idx.msk $0xffff, v11  }
0x12e: {  	v19 =	vor.u32 s13, v30;
	[tilespmem:$0x1FB10] =	vst v6  }
0x12f: {  	v22 =	vand.u32 $0x7F, v19;
	v15 =	vld.idx.msk [tilespmem:v15+s29+$0x0], $0xffff  }
0x130: {  	v17 =	vshll.u32 v17, $0x5;
	v11 =	vor.u32 v22, v2;
	v12 =	vmul.f32 $5.656854150e+00, v12;
	v0 =	vld.idx.msk [tilespmem:v0+s29+$0x0], $0xffff  }
0x131: {  	v25 =	vor.u32 v63, v17;
	v9 =	vor.u32 v22, v3;
	v22 =	vor.u32 s10, v28  }
0x132: {  	v24 =	vand.u32 $0x7F, v22;
	v6 =	vor.u32 v16, v48;
	v13 =	vld.idx.msk [tilespmem:v13+s29+$0x0], $0xffff;
	[tilespmem:v10+s6+$0x0] =	vst.idx.msk $0xffff, v12  }
0x133: {  	v19 =	vshll.u32 v19, $0x5;
	v26 =	vor.u32 v24, v49;
	[tilespmem:$0x1FB20] =	vst v6;
	v6 =	vshll.u32 v14, $0x5  }
0x134: {  	v27 =	vor.u32 v63, v19;
	v17 =	vor.u32 v33, v17;
	v15 =	vmul.f32 $5.656854150e+00, v15;
	[tilespmem:$0x1FB30] =	vst v6  }
0x135: {  	v23 =	vor.u32 s13, v61;
	v24 =	vor.u32 v24, v48;
	v11 =	vld.idx.msk [tilespmem:v11+s29+$0x0], $0xffff;
	v0 =	vmul.f32 $5.656854150e+00, v0  }
0x136: {  	v21 =	vand.u32 $0x7F, v4;
	v4 =	vmovc v28;
	v28 =	vand.u32 $0x7F, v23;
	v16 =	vshll.u32 v22, $0x5;
	[tilespmem:v18+s6+$0x0] =	vst.idx.msk $0xffff, v15  }
0x137: {  	v22 =	vor.u32 s10, v45;
	v13 =	vmul.f32 $5.656854150e+00, v13;
	v15 =	vor.u32 s10, v20;
	[tilespmem:v25+s6+$0x0] =	vst.idx.msk $0xffff, v0  }
0x138: {  	v5 =	vmovc v20;
	v10 =	vor.u32 v28, v2;
	v20 =	vshll.u32 v15, $0x5;
	v15 =	vand.u32 $0x7F, v15;
	v26 =	vld.idx.msk [tilespmem:v26+s29+$0x0], $0xffff  }
0x139: {  	v0 =	vor.u32 v63, v16;
	[tilespmem:v17+s6+$0x0] =	vst.idx.msk $0xffff, v13;
	v9 =	vld.idx.msk [tilespmem:v9+s29+$0x0], $0xffff;
	v6 =	vor.u32 v15, v49  }
0x13a: {  	v25 =	vand.u32 $0x7F, v22;
	v17 =	vld.idx.msk [tilespmem:v24+s29+$0x0], $0xffff;
	[tilespmem:$0x1FB40] =	vst v6;
	v6 =	vor.u32 v15, v48;
	v11 =	vmul.f32 $5.656854150e+00, v11  }
0x13b: {  	v29 =	vor.u32 v28, v3;
	v28 =	vor.u32 v25, v49;
	[tilespmem:$0x1FB50] =	vst v6  }
0x13c: {  	v19 =	vor.u32 v33, v19;
	[tilespmem:v27+s6+$0x0] =	vst.idx.msk $0xffff, v11  }
0x13d: {  	v15 =	vor.u32 v25, v48;
	v25 =	vmul.f32 $5.656854150e+00, v26;
	v10 =	vld.idx.msk [tilespmem:v10+s29+$0x0], $0xffff  }
0x13e: {  	v8 =	vor.u32 s13, v32;
	v54 =	vor.u32 v21, v49;
	v23 =	vshll.u32 v23, $0x5  }
0x13f: {  	v12 =	vor.u32 v63, v23;
	v14 =	vor.u32 s13, v59;
	v9 =	vmul.f32 $5.656854150e+00, v9;
	[tilespmem:v0+s6+$0x0] =	vst.idx.msk $0xffff, v25  }
0x140: {  	v23 =	vor.u32 v33, v23;
	v18 =	vand.u32 $0x7F, v14;
	v16 =	vor.u32 v33, v16;
	v28 =	vld.idx.msk [tilespmem:v28+s29+$0x0], $0xffff;
	[tilespmem:$0x1FB60] =	vst v20  }
0x141: {  	v22 =	vshll.u32 v22, $0x5;
	v13 =	vor.u32 v18, v3;
	v18 =	vor.u32 v18, v2;
	[tilespmem:v19+s6+$0x0] =	vst.idx.msk $0xffff, v9  }
0x142: {  	v24 =	vor.u32 s10, v42;
	v11 =	vshll.u32 v14, $0x5;
	v9 =	vmul.f32 $5.656854150e+00, v10;
	v10 =	vld.idx.msk [tilespmem:v29+s29+$0x0], $0xffff  }
0x143: {  	v14 =	vand.u32 $0x7F, v24;
	v27 =	vor.u32 v63, v22;
	v17 =	vmul.f32 $5.656854150e+00, v17  }
0x144: {  	v37 =	vor.u32 v33, v22;
	v26 =	vor.u32 s13, v31;
	v31 =	vor.u32 v14, v49  }
0x145: {  	v24 =	vshll.u32 v24, $0x5;
	v22 =	vor.u32 v63, v20;
	v14 =	vor.u32 v14, v48;
	[tilespmem:v16+s6+$0x0] =	vst.idx.msk $0xffff, v17  }
0x146: {  	v1 =	vshll.u32 v1, $0x5;
	v53 =	vor.u32 v63, v24;
	v15 =	vld.idx.msk [tilespmem:v15+s29+$0x0], $0xffff;
	[tilespmem:v12+s6+$0x0] =	vst.idx.msk $0xffff, v9;
	v9 =	vmul.f32 $5.656854150e+00, v28  }
0x147: {  	v24 =	vor.u32 v33, v24;
	v25 =	vor.u32 v33, v11;
	v18 =	vld.idx.msk [tilespmem:v18+s29+$0x0], $0xffff;
	v10 =	vmul.f32 $5.656854150e+00, v10  }
0x148: {  	v0 =	vand.u32 $0x7F, v26;
	v26 =	vshll.u32 v26, $0x5;
	v11 =	vor.u32 v63, v11;
	[tilespmem:v27+s6+$0x0] =	vst.idx.msk $0xffff, v9  }
0x149: {  	v34 =	vor.u32 v0, v2;
	v36 =	vor.u32 v0, v3;
	v31 =	vld.idx.msk [tilespmem:v31+s29+$0x0], $0xffff;
	[tilespmem:v23+s6+$0x0] =	vst.idx.msk $0xffff, v10  }
0x14a: {  	v17 =	vor.u32 v33, v26;
	v19 =	vor.u32 s13, v39;
	v26 =	vor.u32 v63, v26;
	v13 =	vld.idx.msk [tilespmem:v13+s29+$0x0], $0xffff  }
0x14b: {  	s17 =	simm.s32 $0x20;
	v0 =	vmovc v30;
	v30 =	vor.u32 v21, v48;
	v28 =	vor.u32 s10, v46;
	v15 =	vmul.f32 $5.656854150e+00, v15  }
0x14c: {  	v29 =	vor.u32 s17, v38;
	v56 =	vand.u32 $0x7F, v28;
	v10 =	vmul.f32 $5.656854150e+00, v18  }
0x14d: {  	v6 =	vshll.u32 v19, $0x5;
	v40 =	vor.u32 v56, v49;
	[tilespmem:v37+s6+$0x0] =	vst.idx.msk $0xffff, v15;
	v15 =	vmov s17  }
0x14e: {  	v12 =	vand.u32 $0x7F, v19;
	[tilespmem:v11+s6+$0x0] =	vst.idx.msk $0xffff, v10;
	v10 =	vshll.u32 v15, $0x3;
	v18 =	vmul.f32 $5.656854150e+00, v31  }
0x14f: {  	v27 =	vand.u32 $0x7F, v29;
	v10 =	vand.u32 $0xC00, v10;
	v13 =	vmul.f32 $5.656854150e+00, v13  }
0x150: {  	v39 =	vor.u32 v56, v48;
	v15 =	vld.idx.msk [tilespmem:v34+s29+$0x0], $0xffff;
	v19 =	vor.u32 v50, v10;
	[tilespmem:v53+s6+$0x0] =	vst.idx.msk $0xffff, v18  }
0x151: {  	v16 =	vor.u32 s13, v51;
	v56 =	vor.u32 s10, v0;
	v14 =	vld.idx.msk [tilespmem:v14+s29+$0x0], $0xffff;
	v0 =	vor.u32 v27, v19;
	[tilespmem:v25+s6+$0x0] =	vst.idx.msk $0xffff, v13  }
0x152: {  	v21 =	vand.u32 $0x7F, v8;
	v34 =	vor.u32 s17, v63;
	v18 =	vor.u32 v47, v10;
	v10 =	vld.idx.msk [tilespmem:v40+s29+$0x0], $0xffff;
	[tilespmem:$0x1FB70] =	vst v0  }
0x153: {  	v44 =	vand.u32 $0x7F, v16;
	v9 =	vor.u32 v12, v2;
	v57 =	vand.u32 $0x7F, v34;
	v25 =	vld.idx.msk [tilespmem:v36+s29+$0x0], $0xffff  }
0x154: {  	v43 =	vor.u32 v63, v6;
	v47 =	vor.u32 v57, v18;
	v57 =	vor.u32 v57, v19  }
0x155: {  	v41 =	vshll.u32 v28, $0x5;
	v52 =	vand.u32 $0x7F, v56;
	v15 =	vmul.f32 $5.656854150e+00, v15  }
0x156: {  	v12 =	vor.u32 v12, v3;
	v37 =	vor.u32 v52, v49;
	v14 =	vmul.f32 $5.656854150e+00, v14  }
0x157: {  	v31 =	vor.u32 v33, v41;
	v41 =	vor.u32 v63, v41;
	v34 =	vshll.u32 v34, $0x5;
	[tilespmem:v26+s6+$0x0] =	vst.idx.msk $0xffff, v15  }
0x158: {  	v0 =	vor.u32 v33, v1;
	[tilespmem:v24+s6+$0x0] =	vst.idx.msk $0xffff, v14;
	v14 =	vshll.u32 v56, $0x5;
	v9 =	vld.idx.msk [tilespmem:v9+s29+$0x0], $0xffff;
	v25 =	vmul.f32 $5.656854150e+00, v25  }
0x159: {  	v15 =	vor.u32 v63, v1;
	v1 =	vor.u32 s10, v61;
	v10 =	vmul.f32 $5.656854150e+00, v10;
	v36 =	vld.idx.msk [tilespmem:v57+s29+$0x0], $0xffff  }
0x15a: {  	v24 =	vld.idx.msk [tilespmem:v39+s29+$0x0], $0xffff;
	v38 =	vand.u32 $0x7F, v1;
	v56 =	vshll.u32 v1, $0x5;
	v1 =	vor.u32 v27, v18;
	[tilespmem:v17+s6+$0x0] =	vst.idx.msk $0xffff, v25  }
0x15b: {  	v13 =	vor.u32 v52, v48;
	v52 =	vor.u32 v63, v34;
	v39 =	vor.u32 s17, v4;
	v47 =	vld.idx.msk [tilespmem:v47+s29+$0x0], $0xffff;
	[tilespmem:$0x1FB80] =	vst v1  }
0x15c: {  	v35 =	vmovc v32;
	v32 =	vor.u32 v21, v3;
	v61 =	vand.u32 $0x7F, v39;
	v1 =	vshll.u32 v29, $0x5;
	[tilespmem:v41+s6+$0x0] =	vst.idx.msk $0xffff, v10  }
0x15d: {  	v20 =	vor.u32 v21, v2;
	v53 =	vor.u32 v61, v19;
	v9 =	vmul.f32 $5.656854150e+00, v9;
	v10 =	vld.idx.msk [tilespmem:v12+s29+$0x0], $0xffff;
	[tilespmem:$0x1FB90] =	vst v1  }
0x15e: {  	v11 =	vor.u32 v44, v2;
	v34 =	vor.u32 v33, v34;
	v21 =	vmul.f32 $5.656854150e+00, v36;
	v25 =	vld.idx.msk [tilespmem:v37+s29+$0x0], $0xffff  }
0x15f: {  	v40 =	vor.u32 v44, v3;
	v44 =	vor.u32 v61, v18;
	v24 =	vmul.f32 $5.656854150e+00, v24;
	[tilespmem:v43+s6+$0x0] =	vst.idx.msk $0xffff, v9  }
0x160: {  	v36 =	vor.u32 s10, v59;
	v59 =	vor.u32 s17, v5;
	v37 =	vor.u32 v33, v6;
	[tilespmem:v52+s6+$0x0] =	vst.idx.msk $0xffff, v21  }
0x161: {  	v57 =	vor.u32 v63, v14;
	v29 =	vmul.f32 $5.656854150e+00, v47;
	[tilespmem:v31+s6+$0x0] =	vst.idx.msk $0xffff, v24;
	v24 =	vand.u32 $0x7F, v59;
	v7 =	vld.idx.msk [tilespmem:v7+s29+$0x0], $0xffff  }
0x162: {  	v60 =	vor.u32 s13, v55;
	v39 =	vshll.u32 v39, $0x5;
	v31 =	vld.idx.msk [tilespmem:v53+s29+$0x0], $0xffff;
	v4 =	vor.u32 v24, v18  }
0x163: {  	[tilespmem:v34+s6+$0x0] =	vst.idx.msk $0xffff, v29;
	v13 =	vld.idx.msk [tilespmem:v13+s29+$0x0], $0xffff;
	v10 =	vmul.f32 $5.656854150e+00, v10;
	v53 =	vmul.f32 $5.656854150e+00, v25;
	v25 =	vand.u32 $0x7F, v60  }
0x164: {  	v61 =	vmovc v55;
	v55 =	vor.u32 s17, v45;
	v21 =	vshll.u32 v59, $0x5;
	v59 =	vor.u32 v25, v2;
	v2 =	vld.idx.msk [tilespmem:v44+s29+$0x0], $0xffff;
	[tilespmem:$0x1FBA0] =	vst v4  }
0x165: {  	v12 =	vor.u32 v63, v56;
	v1 =	vand.u32 $0x7F, v55;
	v9 =	vor.u32 v63, v39;
	[tilespmem:v37+s6+$0x0] =	vst.idx.msk $0xffff, v10  }
0x166: {  	v43 =	vor.u32 v1, v19;
	v63 =	vor.u32 v33, v56;
	[tilespmem:v57+s6+$0x0] =	vst.idx.msk $0xffff, v53  }
0x167: {  	v56 =	vor.u32 v25, v3;
	v3 =	vor.u32 v33, v39;
	v39 =	vor.u32 v1, v18;
	v1 =	vld [tilespmem:$0x1FFA0];
	_ =	sdelay $0x4  }
0x168: {  	v29 =	vor.u32 s17, v42;
	v42 =	vor.u32 s10, v1;
	v1 =	vld [tilespmem:$0x1FBB0]  }
0x169: {  	v27 =	vor.u32 v38, v49;
	_ =	sdelay $0x3  }
0x16a: {  	v7 =	vmul.f32 $5.656854150e+00, v7  }
0x16b: {  	v10 =	vmul.f32 $5.656854150e+00, v31;
	v27 =	vld.idx.msk [tilespmem:v27+s29+$0x0], $0xffff  }
0x16c: {  	v14 =	vor.u32 v33, v14;
	[tilespmem:v15+s6+$0x0] =	vst.idx.msk $0xffff, v7  }
0x16d: {  	[tilespmem:v9+s6+$0x0] =	vst.idx.msk $0xffff, v10;
	v37 =	vld.idx.msk [tilespmem:v1+s29+$0x0], $0xffff  }
0x16e: {  	v2 =	vmul.f32 $5.656854150e+00, v2;
	v1 =	vld [tilespmem:$0x1FBC0]  }
0x16f: {  	v28 =	vor.u32 s17, v58;
	v17 =	vmovc v58;
	v58 =	vor.u32 v38, v48;
	v13 =	vmul.f32 $5.656854150e+00, v13  }
0x170: {  	v16 =	vshll.u32 v16, $0x5;
	v38 =	vand.u32 $0x7F, v36;
	[tilespmem:v3+s6+$0x0] =	vst.idx.msk $0xffff, v2;
	v3 =	vmul.f32 $5.656854150e+00, v27  }
0x171: {  	v26 =	vlaneseq.u32;
	v41 =	vshll.u32 v55, $0x5;
	v34 =	vor.u32 v38, v49;
	v10 =	vld.idx.msk [tilespmem:v43+s29+$0x0], $0xffff;
	[tilespmem:v14+s6+$0x0] =	vst.idx.msk $0xffff, v13  }
0x172: {  	v47 =	vor.u32 v26, v41;
	v45 =	vshll.u32 v29, $0x5;
	v15 =	vand.u32 $0x7F, v29;
	v9 =	vld.idx.msk [tilespmem:v11+s29+$0x0], $0xffff;
	[tilespmem:v12+s6+$0x0] =	vst.idx.msk $0xffff, v3  }
0x173: {  	v44 =	vor.u32 v26, v16;
	v11 =	vor.u32 v15, v19;
	v29 =	vor.u32 v33, v1;
	v1 =	vld [tilespmem:$0x1FE60]  }
0x174: {  	v43 =	vor.u32 v15, v18;
	v14 =	vshll.u32 v60, $0x5;
	v15 =	vld.idx.msk [tilespmem:v58+s29+$0x0], $0xffff;
	v2 =	vmul.f32 $5.656854150e+00, v37  }
0x175: {  	v60 =	vor.u32 v26, v14;
	v53 =	vor.u32 v33, v14;
	v14 =	vld.idx.msk [tilespmem:v39+s29+$0x0], $0xffff  }
0x176: {  	v3 =	vmul.f32 $5.656854150e+00, v10;
	[tilespmem:v0+s6+$0x0] =	vst.idx.msk $0xffff, v2;
	v2 =	vld.idx.msk [tilespmem:v34+s29+$0x0], $0xffff  }
0x177: {  	v25 =	vor.u32 v24, v19;
	v9 =	vmul.f32 $5.656854150e+00, v9;
	v24 =	vld [tilespmem:$0x1FBD0]  }
0x178: {  	v31 =	vshll.u32 v36, $0x5;
	[tilespmem:v47+s6+$0x0] =	vst.idx.msk $0xffff, v3;
	v0 =	vld.idx.msk [tilespmem:v40+s29+$0x0], $0xffff;
	v12 =	vor.u32 s10, v1;
	v1 =	vor.u32 s17, v46  }
0x179: {  	[tilespmem:v44+s6+$0x0] =	vst.idx.msk $0xffff, v9;
	v57 =	vld.idx.msk [tilespmem:v11+s29+$0x0], $0xffff;
	v40 =	vand.u32 $0x7F, v1;
	v36 =	vshll.u32 v1, $0x5;
	v1 =	vor.u32 v26, v21  }
0x17a: {  	v8 =	vshll.u32 v8, $0x5;
	[tilespmem:$0x1FBE0] =	vst v1;
	v1 =	vld [tilespmem:$0x1FBF0]  }
0x17b: {  	v62 =	vand.u32 $0x7F, v28;
	v55 =	vor.u32 v33, v8;
	v6 =	vor.u32 v38, v48  }
0x17c: {  	v16 =	vor.u32 v33, v16;
	v7 =	vor.u32 v26, v8;
	v5 =	vand.u32 $0x7F, v42  }
0x17d: {  	v8 =	vshll.u32 v42, $0x5;
	v42 =	vor.u32 v62, v18;
	v13 =	vor.u32 v33, v41  }
0x17e: {  	v38 =	vor.u32 v5, v49;
	v4 =	vor.u32 v5, v48;
	v15 =	vmul.f32 $5.656854150e+00, v15  }
0x17f: {  	v58 =	vand.u32 $0x7F, v24;
	v52 =	vshll.u32 v24, $0x5;
	v24 =	vmovc v1;
	v1 =	vor.u32 v33, v1  }
0x180: {  	v5 =	vor.u32 v33, v31;
	v39 =	vor.u32 v26, v45;
	v47 =	vmul.f32 $5.656854150e+00, v14;
	[tilespmem:$0x1FC00] =	vst v1  }
0x181: {  	v23 =	vor.u32 s17, v35;
	v10 =	vor.u32 v26, v31;
	v37 =	vor.u32 v62, v19;
	[tilespmem:v63+s6+$0x0] =	vst.idx.msk $0xffff, v15  }
0x182: {  	s13 =	simm.s32 $0x30;
	v31 =	vor.u32 s10, v61;
	v62 =	vor.u32 v33, v8;
	v34 =	vor.u32 v33, v45;
	[tilespmem:v13+s6+$0x0] =	vst.idx.msk $0xffff, v47  }
0x183: {  	v14 =	vor.u32 v26, v8;
	v9 =	vmov s13;
	v11 =	vand.u32 $0x7F, v12;
	v1 =	vld [tilespmem:$0x1FEA0]  }
0x184: {  	v3 =	vshll.u32 v12, $0x5;
	v8 =	vmul.f32 $5.656854150e+00, v2;
	v2 =	vor.u32 s10, v51  }
0x185: {  	v12 =	vshll.u32 v9, $0x3;
	v41 =	vor.u32 v40, v19;
	v9 =	vand.u32 $0x7F, v2  }
0x186: {  	v40 =	vor.u32 v40, v18;
	v44 =	vmul.f32 $5.656854150e+00, v57;
	v61 =	vor.u32 v9, v49;
	v15 =	vld.idx.msk [tilespmem:v20+s29+$0x0], $0xffff  }
0x187: {  	s18 =	sshll.u32 s23, $0x5;
	v13 =	vor.u32 v11, v49;
	v63 =	vor.u32 s13, v35;
	[tilespmem:v10+s6+$0x0] =	vst.idx.msk $0xffff, v8;
	v8 =	vmul.f32 $5.656854150e+00, v0;
	v0 =	vld.idx.msk [tilespmem:v6+s29+$0x0], $0xffff  }
0x188: {  	s15 =	sor.u32 s7, s18;
	v27 =	vmovc v21;
	v6 =	vor.u32 v58, v48;
	v43 =	vld.idx.msk [tilespmem:v43+s29+$0x0], $0xffff;
	v10 =	vor.u32 v26, v3;
	v47 =	vor.u32 s13, v1  }
0x189: {  	s10 =	smin.u32 s15, $0x7A0;
	s15 =	simm.s32 $0x6;
	v38 =	vld.idx.msk [tilespmem:v38+s29+$0x0], $0xffff;
	[tilespmem:v16+s6+$0x0] =	vst.idx.msk $0xffff, v8;
	v16 =	vor.u32 v33, v36;
	v8 =	vor.u32 s13, v17;
	v57 =	vand.u32 $0x7F, v47  }
.LBB2_3:
0x18a: {  	v1 =	vld [tilespmem:$0x1FEE0];
	_ =	sdelay $0x2  }
0x18b: {  	v46 =	vld.idx.msk [tilespmem:v32+s29+$0x0], $0xffff;
	v15 =	vmul.f32 $5.656854150e+00, v15;
	[tilespmem:v39+s6+$0x0] =	vst.idx.msk $0xffff, v44  }
0x18c: {  	v17 =	vand.u32 $0xC00, v12;
	v41 =	vld.idx.msk [tilespmem:v41+s29+$0x0], $0xffff;
	v0 =	vmul.f32 $5.656854150e+00, v0  }
0x18d: {  	v44 =	vor.u32 v11, v48;
	[tilespmem:v7+s6+$0x0] =	vst.idx.msk $0xffff, v15;
	v43 =	vmul.f32 $5.656854150e+00, v43;
	v11 =	vor.u32 v1, v17;
	v1 =	vld [tilespmem:$0x1FFC0]  }
0x18e: {  	v45 =	vor.u32 s13, v26;
	v7 =	vor.u32 v26, v36;
	[tilespmem:v5+s6+$0x0] =	vst.idx.msk $0xffff, v0;
	v5 =	vld.idx.msk [tilespmem:v59+s29+$0x0], $0xffff  }
0x18f: {  	v39 =	vor.u32 v50, v17;
	v50 =	vand.u32 $0x7F, v45;
	v0 =	vmul.f32 $5.656854150e+00, v38;
	v4 =	vld.idx.msk [tilespmem:v4+s29+$0x0], $0xffff;
	[tilespmem:v34+s6+$0x0] =	vst.idx.msk $0xffff, v43  }
0x190: {  	v12 =	vmov v63;
	v63 =	vor.u32 v50, v11;
	v34 =	vmul.f32 $5.656854150e+00, v46;
	v40 =	vld.idx.msk [tilespmem:v40+s29+$0x0], $0xffff  }
0x191: {  	[tilespmem:v14+s6+$0x0] =	vst.idx.msk $0xffff, v0;
	v0 =	vld [tilespmem:$0x1FB00]  }
0x192: {  	v41 =	vmul.f32 $5.656854150e+00, v41;
	v14 =	vmov v28;
	v46 =	vld.idx.msk [tilespmem:v13+s29+$0x0], $0xffff;
	[tilespmem:v55+s6+$0x0] =	vst.idx.msk $0xffff, v34;
	v51 =	vor.u32 s17, v1  }
0x193: {  	v38 =	vor.u32 v50, v39;
	[tilespmem:$0x1FB00] =	vst v14;
	v14 =	vshll.u32 v2, $0x5;
	v2 =	vld.idx.msk [tilespmem:v56+s29+$0x0], $0xffff;
	v35 =	vand.u32 $0x7F, v51  }
0x194: {  	[tilespmem:v7+s6+$0x0] =	vst.idx.msk $0xffff, v41;
	v41 =	vor.u32 v26, v24;
	v24 =	vld [tilespmem:$0x1FB90];
	v4 =	vmul.f32 $5.656854150e+00, v4;
	v36 =	vor.u32 v35, v19  }
0x195: {  	v43 =	vshll.u32 v51, $0x5;
	v51 =	vld.idx.msk [tilespmem:v63+s29+$0x0], $0xffff  }
0x196: {  	v5 =	vmul.f32 $5.656854150e+00, v5;
	[tilespmem:v62+s6+$0x0] =	vst.idx.msk $0xffff, v4;
	v4 =	vld [tilespmem:$0x1FAD0]  }
0x197: {  	v32 =	vmov v6;
	v6 =	vand.u32 $0x7F, v8;
	v28 =	vmov v8;
	v8 =	vld [tilespmem:$0x1FFF0]  }
0x198: {  	v7 =	vld.idx.msk [tilespmem:v38+s29+$0x0], $0xffff;
	[tilespmem:v60+s6+$0x0] =	vst.idx.msk $0xffff, v5  }
0x199: {  	v17 =	vld.idx.msk [tilespmem:v36+s29+$0x0], $0xffff  }
0x19a: {  	v0 =	vshll.u32 v0, $0x5;
	v36 =	vmov v24;
	v24 =	vld [tilespmem:$0x1FB40]  }
0x19b: {  	v50 =	vor.u32 v26, v0;
	v13 =	vor.u32 v33, v0;
	v0 =	vld [tilespmem:$0x1FC10];
	_ =	sdelay $0x2  }
0x19c: {  	v46 =	vmul.f32 $5.656854150e+00, v46;
	v4 =	vld.idx.msk [tilespmem:v4+s29+$0x0], $0xffff  }
0x19d: {  	v1 =	vor.u32 v33, v52;
	v21 =	vmov v24;
	v24 =	vld [tilespmem:$0x1FB50]  }
0x19e: {  	v34 =	vor.u32 s17, v0;
	v0 =	vor.u32 v9, v48;
	v9 =	vor.u32 s13, v8;
	[tilespmem:v10+s6+$0x0] =	vst.idx.msk $0xffff, v46;
	v10 =	vld [tilespmem:$0x1FAE0]  }
0x19f: {  	v55 =	vmovc v1;
	v1 =	vshll.u32 v45, $0x5;
	v8 =	vand.u32 $0x7F, v9;
	v46 =	vshll.u32 v9, $0x5;
	v9 =	vld [tilespmem:$0x1FEC0]  }
0x1a0: {  	v45 =	vor.u32 v26, v1;
	v44 =	vld.idx.msk [tilespmem:v44+s29+$0x0], $0xffff  }
0x1a1: {  	v59 =	vor.u32 v35, v18;
	v62 =	vmul.f32 $5.656854150e+00, v2;
	[tilespmem:$0x1FAD0] =	vst v21;
	v21 =	vld [tilespmem:$0x1FE50]  }
0x1a2: {  	v35 =	vand.u32 $0x7F, v34;
	v5 =	vshll.u32 v34, $0x5;
	v34 =	vor.u32 v58, v49;
	v58 =	vmovc v25;
	v25 =	vmovc v24;
	v24 =	vld [tilespmem:$0x1FBA0]  }
0x1a3: {  	v2 =	vld [tilespmem:$0x1FB30];
	v7 =	vmul.f32 $5.656854150e+00, v7;
	[tilespmem:v53+s6+$0x0] =	vst.idx.msk $0xffff, v62  }
0x1a4: {  	[tilespmem:$0x1FB40] =	vst v58;
	v53 =	vld.idx.msk [tilespmem:v54+s29+$0x0], $0xffff;
	v9 =	vor.u32 s13, v9  }
0x1a5: {  	[tilespmem:v45+s6+$0x0] =	vst.idx.msk $0xffff, v7;
	v45 =	vand.u32 $0x7F, v9;
	v58 =	vshll.u32 v9, $0x5;
	v9 =	vld [tilespmem:$0x1FE90]  }
0x1a6: {  	v47 =	vshll.u32 v47, $0x5;
	v3 =	vor.u32 v33, v3  }
0x1a7: {  	[tilespmem:$0x1FB90] =	vst v47;
	v47 =	vmul.f32 $5.656854150e+00, v51;
	v51 =	vor.u32 s17, v21;
	v10 =	vld.idx.msk [tilespmem:v10+s29+$0x0], $0xffff;
	v21 =	vmov v24  }
0x1a8: {  	v40 =	vmul.f32 $5.656854150e+00, v40;
	[tilespmem:$0x1FB50] =	vst v21;
	v21 =	vld [tilespmem:$0x1FB10]  }
0x1a9: {  	v20 =	vmov v2;
	[tilespmem:$0x1FAE0] =	vst v25;
	v24 =	vmul.f32 $5.656854150e+00, v44  }
0x1aa: {  	v2 =	vor.u32 v26, v5;
	[tilespmem:v16+s6+$0x0] =	vst.idx.msk $0xffff, v40;
	v25 =	vor.u32 s13, v9;
	v9 =	vor.u32 v33, v5;
	v5 =	vld [tilespmem:$0x1FAF0]  }
0x1ab: {  	v1 =	vor.u32 v33, v1;
	v38 =	vor.u32 v8, v39;
	[tilespmem:v3+s6+$0x0] =	vst.idx.msk $0xffff, v24;
	v3 =	vld [tilespmem:$0x1FAB0];
	_ =	sdelay $0x1  }
0x1ac: {  	v56 =	vor.u32 v8, v11;
	v24 =	vmul.f32 $5.656854150e+00, v10;
	v10 =	vmov v21;
	v21 =	vld [tilespmem:$0x1FAC0]  }
0x1ad: {  	v15 =	vor.u32 v57, v39  }
0x1ae: {  	v63 =	vor.u32 v26, v43;
	v60 =	vor.u32 v35, v18;
	v8 =	vor.u32 v57, v11  }
0x1af: {  	v57 =	vor.u32 v35, v19;
	v38 =	vld.idx.msk [tilespmem:v38+s29+$0x0], $0xffff;
	v35 =	vmul.f32 $5.656854150e+00, v4;
	v4 =	vmov v22;
	[tilespmem:v1+s6+$0x0] =	vst.idx.msk $0xffff, v47  }
0x1b0: {  	[tilespmem:$0x1FAF0] =	vst v4;
	v4 =	vmul.f32 $5.656854150e+00, v17;
	v17 =	vld.idx.msk [tilespmem:v59+s29+$0x0], $0xffff  }
0x1b1: {  	[tilespmem:v5+s6+$0x0] =	vst.idx.msk $0xffff, v35;
	v35 =	vld.idx.msk [tilespmem:v56+s29+$0x0], $0xffff  }
0x1b2: {  	[tilespmem:v29+s6+$0x0] =	vst.idx.msk $0xffff, v24;
	v3 =	vld.idx.msk [tilespmem:v3+s29+$0x0], $0xffff  }
0x1b3: {  	v7 =	vor.u32 v26, v46;
	v22 =	vshll.u32 v25, $0x5;
	v5 =	vand.u32 $0x7F, v25;
	[tilespmem:v63+s6+$0x0] =	vst.idx.msk $0xffff, v4;
	v4 =	vld [tilespmem:$0x1FFA0]  }
0x1b4: {  	[tilespmem:$0x1FAB0] =	vst v10;
	v10 =	vmul.f32 $5.656854150e+00, v38;
	v25 =	vor.u32 v5, v39;
	v5 =	vor.u32 v5, v11;
	v38 =	vld.idx.msk [tilespmem:v21+s29+$0x0], $0xffff  }
0x1b5: {  	[tilespmem:$0x1FBA0] =	vst v5;
	v5 =	vmul.f32 $5.656854150e+00, v53;
	v21 =	vld [tilespmem:$0x1FFB0]  }
0x1b6: {  	v54 =	vor.u32 v45, v39;
	v45 =	vor.u32 v45, v11;
	v62 =	vand.u32 $0x7F, v51  }
0x1b7: {  	v44 =	vor.u32 v33, v46;
	v46 =	vshll.u32 v51, $0x5;
	v53 =	vand.u32 $0x7F, v31;
	v51 =	vld.idx.msk [tilespmem:v57+s29+$0x0], $0xffff;
	[tilespmem:v50+s6+$0x0] =	vst.idx.msk $0xffff, v5  }
0x1b8: {  	v1 =	vor.u32 v62, v19;
	v59 =	vor.u32 v53, v49;
	v49 =	vmov v19;
	v19 =	vld [tilespmem:$0x1FFE0];
	[tilespmem:v7+s6+$0x0] =	vst.idx.msk $0xffff, v10  }
0x1b9: {  	v16 =	vor.u32 v62, v18;
	v56 =	vor.u32 v53, v48;
	v48 =	vmovc v18;
	v57 =	vld.idx.msk [tilespmem:v61+s29+$0x0], $0xffff;
	v3 =	vmul.f32 $5.656854150e+00, v3  }
0x1ba: {  	v18 =	vmovc v11;
	v11 =	vshll.u32 v31, $0x5;
	v4 =	vor.u32 s17, v4;
	v31 =	vor.u32 s17, v21;
	v21 =	vmovc v15;
	v15 =	vld [tilespmem:$0x1FC00]  }
0x1bb: {  	v43 =	vor.u32 v33, v43;
	v61 =	vshll.u32 v4, $0x5;
	[tilespmem:v41+s6+$0x0] =	vst.idx.msk $0xffff, v3;
	v3 =	vand.u32 $0x7F, v4;
	v4 =	vld [tilespmem:$0x1FB60];
	_ =	sdelay $0x2  }
0x1bc: {  	v17 =	vmul.f32 $5.656854150e+00, v17;
	v40 =	vmul.f32 $5.656854150e+00, v35;
	v29 =	vor.u32 s13, v19  }
0x1bd: {  	[tilespmem:$0x1FB30] =	vst v36;
	v30 =	vld.idx.msk [tilespmem:v30+s29+$0x0], $0xffff;
	v47 =	vand.u32 $0x7F, v29;
	v50 =	vshll.u32 v29, $0x5;
	v35 =	vor.u32 v3, v49  }
0x1be: {  	v24 =	vld [tilespmem:$0x1FB70];
	[tilespmem:v43+s6+$0x0] =	vst.idx.msk $0xffff, v17;
	v29 =	vor.u32 v33, v4;
	v4 =	vor.u32 v3, v48;
	v3 =	vmul.f32 $5.656854150e+00, v38  }
0x1bf: {  	v41 =	vld.idx.msk [tilespmem:v60+s29+$0x0], $0xffff;
	[tilespmem:$0x1FB70] =	vst v21  }
0x1c0: {  	v17 =	vld.idx.msk [tilespmem:v54+s29+$0x0], $0xffff;
	[tilespmem:v15+s6+$0x0] =	vst.idx.msk $0xffff, v3;
	v15 =	vmul.f32 $5.656854150e+00, v51  }
0x1c1: {  	v36 =	vor.u32 v26, v14;
	v21 =	vld [tilespmem:$0x1FB20];
	[tilespmem:v44+s6+$0x0] =	vst.idx.msk $0xffff, v40  }
0x1c2: {  	v19 =	vmov v39;
	v39 =	vor.u32 v26, v58;
	[tilespmem:v2+s6+$0x0] =	vst.idx.msk $0xffff, v15;
	v15 =	vld [tilespmem:$0x1FE60]  }
0x1c3: {  	v30 =	vmul.f32 $5.656854150e+00, v30;
	v10 =	vor.u32 v47, v19;
	v44 =	vld.idx.msk [tilespmem:v45+s29+$0x0], $0xffff  }
0x1c4: {  	v53 =	vor.u32 v33, v11;
	v24 =	vmovc v24;
	v60 =	vor.u32 v26, v11;
	v11 =	vmul.f32 $5.656854150e+00, v57;
	v2 =	vld [tilespmem:$0x1FE70]  }
0x1c5: {  	v40 =	vor.u32 v6, v19;
	v45 =	vor.u32 v6, v18;
	v6 =	vmul.f32 $5.656854150e+00, v17;
	[tilespmem:v13+s6+$0x0] =	vst.idx.msk $0xffff, v30;
	v13 =	vld [tilespmem:$0x1FEA0]  }
0x1c6: {  	v1 =	vld.idx.msk [tilespmem:v1+s29+$0x0], $0xffff;
	[tilespmem:v36+s6+$0x0] =	vst.idx.msk $0xffff, v11  }
0x1c7: {  	v63 =	vor.u32 s17, v15;
	v15 =	vld.idx.msk [tilespmem:v34+s29+$0x0], $0xffff;
	[tilespmem:v39+s6+$0x0] =	vst.idx.msk $0xffff, v6  }
0x1c8: {  	v62 =	vor.u32 v33, v20;
	[tilespmem:$0x1FB10] =	vst v24;
	v24 =	vmov v20;
	v20 =	vmov v21;
	v21 =	vld.idx.msk [tilespmem:v10+s29+$0x0], $0xffff  }
0x1c9: {  	v5 =	vor.u32 v33, v46;
	v10 =	vld [tilespmem:$0x1FB80]  }
0x1ca: {  	v7 =	vor.u32 v26, v52;
	v52 =	vshll.u32 v23, $0x5;
	v43 =	vor.u32 v47, v18;
	[tilespmem:$0x1FAC0] =	vst v20;
	v20 =	vld.idx.msk [tilespmem:v0+s29+$0x0], $0xffff  }
0x1cb: {  	[tilespmem:$0x1FC00] =	vst v62;
	v62 =	vor.u32 v33, v61;
	v38 =	vor.u32 v33, v58;
	v58 =	vand.u32 $0x7F, v23;
	v0 =	vmovc v8;
	v6 =	vld [tilespmem:$0x1FED0]  }
0x1cc: {  	v3 =	vor.u32 v26, v22;
	v17 =	vor.u32 v26, v46;
	[tilespmem:$0x1FB80] =	vst v0;
	v0 =	vmul.f32 $5.656854150e+00, v41  }
0x1cd: {  	v51 =	vor.u32 v33, v14;
	v2 =	vor.u32 s17, v2;
	v39 =	vor.u32 v26, v50  }
0x1ce: {  	s17 =	smov.u32 s13;
	s13 =	sadd.s32 $0x10, s13;
	v34 =	vor.u32 v33, v50;
	v23 =	vmul.f32 $5.656854150e+00, v44;
	[tilespmem:v9+s6+$0x0] =	vst.idx.msk $0xffff, v0;
	v0 =	vld [tilespmem:$0x1FE80];
	v14 =	vmovc v10;
	v10 =	vmov v27  }
0x1cf: {  	v11 =	vand.u32 $0x7F, v63;
	v47 =	vor.u32 s13, v13;
	v1 =	vmul.f32 $5.656854150e+00, v1;
	[tilespmem:$0x1FB60] =	vst v10;
	v10 =	vld [tilespmem:$0x1FBE0]  }
0x1d0: {  	s15 =	sadd.s32 $0x2, s15;
	v54 =	vmovc v37;
	v20 =	vmul.f32 $5.656854150e+00, v20;
	v13 =	vor.u32 v11, v49;
	v6 =	vor.u32 s17, v6  }
0x1d1: {  	p1 =	slt.u32 s15, $0x3E;
	v37 =	vmovc v40;
	v30 =	vmovc v42;
	v57 =	vand.u32 $0x7F, v47;
	v9 =	vand.u32 $0x7F, v2;
	[tilespmem:v17+s6+$0x0] =	vst.idx.msk $0xffff, v1;
	v1 =	vld [tilespmem:$0x1FFD0];
	v8 =	vand.u32 $0x7F, v6  }
.Ltmp0:
0x1d2: {  	v42 =	vmovc v45;
	v27 =	vmovc v22;
	v36 =	vshll.u32 v6, $0x5;
	v6 =	vor.u32 v58, v48;
	v44 =	vmul.f32 $5.656854150e+00, v21;
	(pc) =	sbr.rel @p1 .LBB2_3-.Ltmp0, $4  }
0x1d3: {  	v50 =	vld [tilespmem:$0x1FEB0];
	[tilespmem:$0x1FB20] =	vst v14;
	v41 =	vor.u32 v8, v19;
	v14 =	vor.u32 v26, v61;
	v40 =	vor.u32 v8, v18  }
0x1d4: {  	v22 =	vmovc v10;
	v10 =	vmov v3;
	v3 =	vshll.u32 v63, $0x5;
	v63 =	vor.u32 s13, v0;
	v0 =	vld.idx.msk [tilespmem:v16+s29+$0x0], $0xffff;
	[tilespmem:v38+s6+$0x0] =	vst.idx.msk $0xffff, v23  }
0x1d5: {  	v8 =	vmov s13;
	v61 =	vor.u32 v9, v49;
	v16 =	vor.u32 v33, v36;
	v23 =	vmovc v12;
	v38 =	vld.idx.msk [tilespmem:v35+s29+$0x0], $0xffff;
	[tilespmem:$0x1FBE0] =	vst v10  }
0x1d6: {  	v12 =	vshll.u32 v8, $0x3;
	v8 =	vor.u32 s13, v1;
	v10 =	vor.u32 v26, v3;
	v43 =	vld.idx.msk [tilespmem:v43+s29+$0x0], $0xffff;
	[tilespmem:v51+s6+$0x0] =	vst.idx.msk $0xffff, v20  }
0x1d7: {  	v1 =	vand.u32 $0xC00, v12;
	v35 =	vor.u32 s13, v26  }
0x1d8: {  	v21 =	vld [tilespmem:$0x1FEE0];
	v51 =	vor.u32 v50, v1;
	v17 =	vand.u32 $0x7F, v35  }
0x1d9: {  	v20 =	vor.u32 v17, v51;
	_ =	sdelay $0x3  }
0x1da: {  	v46 =	vor.u32 v21, v1  }
0x1db: {  	v1 =	vor.u32 v17, v46;
	v17 =	vld.idx.msk [tilespmem:v20+s29+$0x0], $0xffff  }
0x1dc: {  	v20 =	vld [tilespmem:$0x1FFF0];
	_ =	sdelay $0x4  }
0x1dd: {  	v12 =	vshll.u32 v35, $0x5;
	v1 =	vld.idx.msk [tilespmem:v1+s29+$0x0], $0xffff;
	v20 =	vor.u32 s13, v20  }
0x1de: {  	v21 =	vor.u32 v26, v12;
	v35 =	vand.u32 $0x7F, v20  }
0x1df: {  	v12 =	vor.u32 v33, v12;
	v45 =	vor.u32 v35, v51;
	_ =	sdelay $0x1  }
0x1e0: {  	v17 =	vmul.f32 $5.656854150e+00, v17;
	v35 =	vor.u32 v35, v46  }
0x1e1: {  	v1 =	vmul.f32 $5.656854150e+00, v1  }
0x1e2: {  	[tilespmem:v21+s6+$0x0] =	vst.idx.msk $0xffff, v17  }
0x1e3: {  	[tilespmem:v12+s6+$0x0] =	vst.idx.msk $0xffff, v1;
	v17 =	vld.idx.msk [tilespmem:v45+s29+$0x0], $0xffff  }
0x1e4: {  	v1 =	vshll.u32 v20, $0x5;
	v12 =	vld [tilespmem:$0x1FEC0]  }
0x1e5: {  	v20 =	vld.idx.msk [tilespmem:v35+s29+$0x0], $0xffff;
	v21 =	vor.u32 v26, v1;
	_ =	sdelay $0x1  }
0x1e6: {  	v1 =	vor.u32 v33, v1  }
0x1e7: {  	v17 =	vmul.f32 $5.656854150e+00, v17  }
0x1e8: {  	v12 =	vor.u32 s13, v12  }
0x1e9: {  	v35 =	vand.u32 $0x7F, v12;
	[tilespmem:v21+s6+$0x0] =	vst.idx.msk $0xffff, v17;
	v17 =	vmul.f32 $5.656854150e+00, v20  }
0x1ea: {  	v45 =	vor.u32 v35, v51  }
0x1eb: {  	v35 =	vor.u32 v35, v46;
	[tilespmem:v1+s6+$0x0] =	vst.idx.msk $0xffff, v17  }
0x1ec: {  	v21 =	vld [tilespmem:$0x1FFE0];
	_ =	sdelay $0x2  }
0x1ed: {  	v20 =	vld.idx.msk [tilespmem:v45+s29+$0x0], $0xffff  }
0x1ee: {  	v1 =	vshll.u32 v12, $0x5;
	v17 =	vld.idx.msk [tilespmem:v35+s29+$0x0], $0xffff  }
0x1ef: {  	v12 =	vor.u32 s13, v21;
	v21 =	vor.u32 v26, v1  }
0x1f0: {  	v1 =	vor.u32 v33, v1;
	_ =	sdelay $0x1  }
0x1f1: {  	v35 =	vand.u32 $0x7F, v12;
	v20 =	vmul.f32 $5.656854150e+00, v20  }
0x1f2: {  	v45 =	vor.u32 v35, v51;
	v17 =	vmul.f32 $5.656854150e+00, v17  }
0x1f3: {  	[tilespmem:v21+s6+$0x0] =	vst.idx.msk $0xffff, v20  }
0x1f4: {  	v35 =	vor.u32 v35, v46;
	[tilespmem:v1+s6+$0x0] =	vst.idx.msk $0xffff, v17  }
0x1f5: {  	v1 =	vmul.f32 $5.656854150e+00, v43;
	v17 =	vld [tilespmem:$0x1FED0]  }
0x1f6: {  	[tilespmem:v39+s6+$0x0] =	vst.idx.msk $0xffff, v44  }
0x1f7: {  	v20 =	vld.idx.msk [tilespmem:v45+s29+$0x0], $0xffff;
	[tilespmem:v34+s6+$0x0] =	vst.idx.msk $0xffff, v1  }
0x1f8: {  	v45 =	vld [tilespmem:$0x1FFC0]  }
0x1f9: {  	v12 =	vshll.u32 v12, $0x5;
	v21 =	vld.idx.msk [tilespmem:v35+s29+$0x0], $0xffff  }
0x1fa: {  	v35 =	vor.u32 v26, v12;
	v1 =	vld.idx.msk [tilespmem:v41+s29+$0x0], $0xffff;
	v17 =	vor.u32 s13, v17  }
0x1fb: {  	v12 =	vor.u32 v33, v12;
	v40 =	vld.idx.msk [tilespmem:v40+s29+$0x0], $0xffff;
	v39 =	vand.u32 $0x7F, v17  }
0x1fc: {  	v36 =	vor.u32 v26, v36;
	v34 =	vor.u32 v39, v51  }
0x1fd: {  	v20 =	vmul.f32 $5.656854150e+00, v20;
	v41 =	vor.u32 s17, v45;
	v39 =	vor.u32 v39, v46  }
0x1fe: {  	v21 =	vmul.f32 $5.656854150e+00, v21;
	v43 =	vand.u32 $0x7F, v41  }
0x1ff: {  	v1 =	vmul.f32 $5.656854150e+00, v1;
	[tilespmem:v35+s6+$0x0] =	vst.idx.msk $0xffff, v20;
	v44 =	vor.u32 v43, v19  }
0x200: {  	[tilespmem:v12+s6+$0x0] =	vst.idx.msk $0xffff, v21;
	v20 =	vor.u32 v43, v18;
	v43 =	vmul.f32 $5.656854150e+00, v40  }
0x201: {  	v21 =	vor.u32 s13, v45;
	[tilespmem:v36+s6+$0x0] =	vst.idx.msk $0xffff, v1;
	v34 =	vld.idx.msk [tilespmem:v34+s29+$0x0], $0xffff  }
0x202: {  	v45 =	vand.u32 $0x7F, v21;
	[tilespmem:v16+s6+$0x0] =	vst.idx.msk $0xffff, v43;
	v1 =	vld.idx.msk [tilespmem:v39+s29+$0x0], $0xffff  }
0x203: {  	v17 =	vshll.u32 v17, $0x5;
	v36 =	vor.u32 v45, v46;
	v39 =	vor.u32 v45, v51;
	v45 =	vld [tilespmem:$0x1FC10]  }
0x204: {  	v35 =	vor.u32 v26, v17;
	v16 =	vld.idx.msk [tilespmem:v44+s29+$0x0], $0xffff  }
0x205: {  	v12 =	vshll.u32 v41, $0x5;
	v17 =	vor.u32 v33, v17;
	v20 =	vld.idx.msk [tilespmem:v20+s29+$0x0], $0xffff  }
0x206: {  	v41 =	vor.u32 v26, v12  }
0x207: {  	v12 =	vor.u32 v33, v12;
	v34 =	vmul.f32 $5.656854150e+00, v34  }
0x208: {  	v1 =	vmul.f32 $5.656854150e+00, v1  }
0x209: {  	v40 =	vor.u32 s17, v45;
	[tilespmem:v35+s6+$0x0] =	vst.idx.msk $0xffff, v34;
	v16 =	vmul.f32 $5.656854150e+00, v16  }
0x20a: {  	v43 =	vand.u32 $0x7F, v40;
	[tilespmem:v17+s6+$0x0] =	vst.idx.msk $0xffff, v1;
	v1 =	vmul.f32 $5.656854150e+00, v20  }
0x20b: {  	v44 =	vor.u32 v43, v19;
	[tilespmem:v41+s6+$0x0] =	vst.idx.msk $0xffff, v16  }
0x20c: {  	v34 =	vor.u32 v43, v18;
	v35 =	vld.idx.msk [tilespmem:v39+s29+$0x0], $0xffff;
	[tilespmem:v12+s6+$0x0] =	vst.idx.msk $0xffff, v1  }
0x20d: {  	v20 =	vor.u32 s13, v45;
	v45 =	vld [tilespmem:$0x1FE50]  }
0x20e: {  	v17 =	vshll.u32 v21, $0x5  }
0x20f: {  	v21 =	vor.u32 v26, v17;
	v43 =	vand.u32 $0x7F, v20;
	v16 =	vld.idx.msk [tilespmem:v36+s29+$0x0], $0xffff  }
0x210: {  	v39 =	vor.u32 v43, v51;
	v12 =	vld.idx.msk [tilespmem:v44+s29+$0x0], $0xffff  }
0x211: {  	v17 =	vor.u32 v33, v17;
	v1 =	vshll.u32 v40, $0x5;
	v34 =	vld.idx.msk [tilespmem:v34+s29+$0x0], $0xffff  }
0x212: {  	v41 =	vor.u32 v26, v1;
	v35 =	vmul.f32 $5.656854150e+00, v35;
	v40 =	vor.u32 s17, v45  }
0x213: {  	v36 =	vor.u32 v43, v46;
	v1 =	vor.u32 v33, v1;
	v43 =	vand.u32 $0x7F, v40  }
0x214: {  	v16 =	vmul.f32 $5.656854150e+00, v16;
	[tilespmem:v21+s6+$0x0] =	vst.idx.msk $0xffff, v35;
	v44 =	vor.u32 v43, v19  }
0x215: {  	v35 =	vld.idx.msk [tilespmem:v39+s29+$0x0], $0xffff;
	v21 =	vor.u32 v43, v18;
	v12 =	vmul.f32 $5.656854150e+00, v12  }
0x216: {  	[tilespmem:v17+s6+$0x0] =	vst.idx.msk $0xffff, v16;
	v17 =	vshll.u32 v20, $0x5;
	v16 =	vmul.f32 $5.656854150e+00, v34  }
0x217: {  	v34 =	vor.u32 v26, v17;
	[tilespmem:v41+s6+$0x0] =	vst.idx.msk $0xffff, v12  }
0x218: {  	v12 =	vld.idx.msk [tilespmem:v36+s29+$0x0], $0xffff;
	[tilespmem:v1+s6+$0x0] =	vst.idx.msk $0xffff, v16;
	v1 =	vmul.f32 $5.656854150e+00, v15  }
0x219: {  	v15 =	vmul.f32 $5.656854150e+00, v38;
	v16 =	vld.idx.msk [tilespmem:v44+s29+$0x0], $0xffff  }
0x21a: {  	v20 =	vor.u32 s13, v45;
	[tilespmem:v7+s6+$0x0] =	vst.idx.msk $0xffff, v1;
	v1 =	vmul.f32 $5.656854150e+00, v35;
	v21 =	vld.idx.msk [tilespmem:v21+s29+$0x0], $0xffff  }
0x21b: {  	v17 =	vor.u32 v33, v17;
	v43 =	vmovc v45;
	v36 =	vand.u32 $0x7F, v20;
	v45 =	vshll.u32 v40, $0x5;
	v40 =	vld [tilespmem:$0x1FFA0];
	[tilespmem:v14+s6+$0x0] =	vst.idx.msk $0xffff, v15  }
0x21c: {  	v38 =	vor.u32 v36, v51;
	v44 =	vor.u32 v26, v45;
	[tilespmem:v34+s6+$0x0] =	vst.idx.msk $0xffff, v1;
	v1 =	vld.idx.msk [tilespmem:v13+s29+$0x0], $0xffff  }
0x21d: {  	v0 =	vmul.f32 $5.656854150e+00, v0;
	v14 =	vld.idx.msk [tilespmem:v32+s29+$0x0], $0xffff;
	v15 =	vor.u32 v33, v45  }
0x21e: {  	v36 =	vor.u32 v36, v46;
	v12 =	vmul.f32 $5.656854150e+00, v12  }
0x21f: {  	[tilespmem:v5+s6+$0x0] =	vst.idx.msk $0xffff, v0;
	v5 =	vmul.f32 $5.656854150e+00, v16  }
0x220: {  	[tilespmem:v17+s6+$0x0] =	vst.idx.msk $0xffff, v12;
	v7 =	vor.u32 s17, v40;
	v39 =	vmul.f32 $5.656854150e+00, v21  }
0x221: {  	v16 =	vld.idx.msk [tilespmem:v38+s29+$0x0], $0xffff;
	v45 =	vand.u32 $0x7F, v7;
	v1 =	vmul.f32 $5.656854150e+00, v1;
	[tilespmem:v44+s6+$0x0] =	vst.idx.msk $0xffff, v5  }
0x222: {  	v13 =	vor.u32 v45, v19;
	v0 =	vor.u32 v45, v18;
	[tilespmem:v15+s6+$0x0] =	vst.idx.msk $0xffff, v39;
	v45 =	vmul.f32 $5.656854150e+00, v14  }
0x223: {  	v17 =	vshll.u32 v20, $0x5;
	v5 =	vld.idx.msk [tilespmem:v36+s29+$0x0], $0xffff;
	[tilespmem:v10+s6+$0x0] =	vst.idx.msk $0xffff, v1  }
0x224: {  	v4 =	vld.idx.msk [tilespmem:v4+s29+$0x0], $0xffff;
	v20 =	vor.u32 s13, v40;
	v44 =	vor.u32 v26, v17;
	[tilespmem:v55+s6+$0x0] =	vst.idx.msk $0xffff, v45  }
0x225: {  	v41 =	vand.u32 $0x7F, v20;
	v15 =	vor.u32 v33, v17;
	v39 =	vld [tilespmem:$0x1FE60]  }
0x226: {  	v14 =	vor.u32 v41, v51;
	v1 =	vld [tilespmem:$0x1FB00]  }
0x227: {  	v55 =	vor.u32 v41, v46;
	v16 =	vmul.f32 $5.656854150e+00, v16;
	v13 =	vld.idx.msk [tilespmem:v13+s29+$0x0], $0xffff  }
0x228: {  	v11 =	vor.u32 v11, v48;
	v7 =	vshll.u32 v7, $0x5;
	v0 =	vld.idx.msk [tilespmem:v0+s29+$0x0], $0xffff;
	v5 =	vmul.f32 $5.656854150e+00, v5  }
0x229: {  	v4 =	vmul.f32 $5.656854150e+00, v4;
	v17 =	vor.u32 v26, v7;
	[tilespmem:v44+s6+$0x0] =	vst.idx.msk $0xffff, v16;
	v16 =	vld.idx.msk [tilespmem:v59+s29+$0x0], $0xffff  }
0x22a: {  	v7 =	vor.u32 v33, v7;
	[tilespmem:v15+s6+$0x0] =	vst.idx.msk $0xffff, v5;
	v5 =	vld.idx.msk [tilespmem:v54+s29+$0x0], $0xffff;
	v54 =	vshll.u32 v20, $0x5;
	v41 =	vor.u32 s17, v39  }
0x22b: {  	v14 =	vld.idx.msk [tilespmem:v14+s29+$0x0], $0xffff;
	v1 =	vshll.u32 v1, $0x5;
	v20 =	vor.u32 s13, v39;
	v44 =	vand.u32 $0x7F, v41  }
0x22c: {  	v12 =	vld.idx.msk [tilespmem:v55+s29+$0x0], $0xffff;
	v55 =	vor.u32 v26, v54;
	v45 =	vor.u32 v44, v19;
	v13 =	vmul.f32 $5.656854150e+00, v13  }
0x22d: {  	[tilespmem:v62+s6+$0x0] =	vst.idx.msk $0xffff, v4;
	v4 =	vand.u32 $0x7F, v20;
	v21 =	vor.u32 v44, v18;
	v0 =	vmul.f32 $5.656854150e+00, v0  }
0x22e: {  	v11 =	vld.idx.msk [tilespmem:v11+s29+$0x0], $0xffff;
	v59 =	vor.u32 v26, v1;
	[tilespmem:v17+s6+$0x0] =	vst.idx.msk $0xffff, v13;
	v17 =	vor.u32 v4, v51  }
0x22f: {  	[tilespmem:v7+s6+$0x0] =	vst.idx.msk $0xffff, v0;
	v0 =	vmul.f32 $5.656854150e+00, v16  }
0x230: {  	v3 =	vor.u32 v33, v3;
	v14 =	vmul.f32 $5.656854150e+00, v14  }
0x231: {  	[tilespmem:v60+s6+$0x0] =	vst.idx.msk $0xffff, v0;
	v0 =	vmul.f32 $5.656854150e+00, v5;
	v35 =	vld.idx.msk [tilespmem:v45+s29+$0x0], $0xffff  }
0x232: {  	v62 =	vor.u32 v33, v54;
	[tilespmem:v55+s6+$0x0] =	vst.idx.msk $0xffff, v14;
	v5 =	vshll.u32 v41, $0x5;
	v36 =	vld.idx.msk [tilespmem:v21+s29+$0x0], $0xffff  }
0x233: {  	v38 =	vor.u32 v26, v5;
	[tilespmem:v59+s6+$0x0] =	vst.idx.msk $0xffff, v0;
	v0 =	vmul.f32 $5.656854150e+00, v11;
	v41 =	vld.idx.msk [tilespmem:v17+s29+$0x0], $0xffff  }
0x234: {  	v54 =	vshll.u32 v20, $0x5;
	v5 =	vor.u32 v33, v5  }
0x235: {  	v4 =	vor.u32 v4, v46;
	v12 =	vmul.f32 $5.656854150e+00, v12;
	[tilespmem:v3+s6+$0x0] =	vst.idx.msk $0xffff, v0;
	v3 =	vor.u32 v26, v54  }
0x236: {  	v0 =	vmul.f32 $5.656854150e+00, v35  }
0x237: {  	[tilespmem:v62+s6+$0x0] =	vst.idx.msk $0xffff, v12;
	v10 =	vmul.f32 $5.656854150e+00, v36  }
0x238: {  	[tilespmem:v38+s6+$0x0] =	vst.idx.msk $0xffff, v0;
	v59 =	vmul.f32 $5.656854150e+00, v41  }
0x239: {  	v45 =	vld.idx.msk [tilespmem:v61+s29+$0x0], $0xffff;
	[tilespmem:v5+s6+$0x0] =	vst.idx.msk $0xffff, v10  }
0x23a: {  	v4 =	vld.idx.msk [tilespmem:v4+s29+$0x0], $0xffff;
	[tilespmem:v3+s6+$0x0] =	vst.idx.msk $0xffff, v59  }
0x23b: {  	v44 =	vand.u32 $0x7F, v8;
	v21 =	vld [tilespmem:$0x1FE70]  }
0x23c: {  	v17 =	vor.u32 v44, v51;
	v16 =	vld.idx.msk [tilespmem:v30+s29+$0x0], $0xffff;
	v0 =	vor.u32 v33, v54  }
0x23d: {  	v2 =	vshll.u32 v2, $0x5;
	v32 =	vshll.u32 v28, $0x5;
	v5 =	vor.u32 v44, v46  }
0x23e: {  	v9 =	vor.u32 v9, v48;
	v1 =	vor.u32 v33, v1;
	v13 =	vor.u32 v33, v32;
	v61 =	vld.idx.msk [tilespmem:v37+s29+$0x0], $0xffff  }
0x23f: {  	v55 =	vor.u32 v26, v2;
	v62 =	vor.u32 v58, v49;
	v3 =	vmul.f32 $5.656854150e+00, v4  }
0x240: {  	v36 =	vor.u32 v26, v32;
	v60 =	vmul.f32 $5.656854150e+00, v45;
	v34 =	vld.idx.msk [tilespmem:v42+s29+$0x0], $0xffff;
	v35 =	vor.u32 s17, v21  }
0x241: {  	v38 =	vshll.u32 v8, $0x5;
	v4 =	vmul.f32 $5.656854150e+00, v16;
	v37 =	vld.idx.msk [tilespmem:v17+s29+$0x0], $0xffff;
	[tilespmem:v0+s6+$0x0] =	vst.idx.msk $0xffff, v3;
	v16 =	vand.u32 $0x7F, v35  }
0x242: {  	v17 =	vor.u32 v26, v38;
	v5 =	vld.idx.msk [tilespmem:v5+s29+$0x0], $0xffff;
	v3 =	vor.u32 s13, v21;
	v0 =	vor.u32 v16, v19  }
0x243: {  	v20 =	vld.idx.msk [tilespmem:v56+s29+$0x0], $0xffff;
	[tilespmem:v1+s6+$0x0] =	vst.idx.msk $0xffff, v4;
	v4 =	vmul.f32 $5.656854150e+00, v61;
	v41 =	vand.u32 $0x7F, v3;
	v1 =	vor.u32 v16, v18  }
0x244: {  	v8 =	vor.u32 v33, v38;
	[tilespmem:v55+s6+$0x0] =	vst.idx.msk $0xffff, v60;
	v9 =	vld.idx.msk [tilespmem:v9+s29+$0x0], $0xffff;
	v16 =	vor.u32 v41, v51  }
0x245: {  	v12 =	vld.idx.msk [tilespmem:v62+s29+$0x0], $0xffff;
	v14 =	vmul.f32 $5.656854150e+00, v34;
	[tilespmem:v36+s6+$0x0] =	vst.idx.msk $0xffff, v4  }
0x246: {  	v2 =	vor.u32 v33, v2;
	v44 =	vmul.f32 $5.656854150e+00, v37;
	v4 =	vld [tilespmem:$0x1FAD0]  }
0x247: {  	v55 =	vor.u32 v26, v52;
	[tilespmem:v13+s6+$0x0] =	vst.idx.msk $0xffff, v14;
	v5 =	vmul.f32 $5.656854150e+00, v5;
	v0 =	vld.idx.msk [tilespmem:v0+s29+$0x0], $0xffff  }
0x248: {  	v7 =	vshll.u32 v35, $0x5;
	v42 =	vor.u32 v41, v46;
	[tilespmem:v17+s6+$0x0] =	vst.idx.msk $0xffff, v44;
	v1 =	vld.idx.msk [tilespmem:v1+s29+$0x0], $0xffff  }
0x249: {  	v9 =	vmul.f32 $5.656854150e+00, v9;
	[tilespmem:v8+s6+$0x0] =	vst.idx.msk $0xffff, v5;
	v5 =	vor.u32 v26, v7;
	v56 =	vld.idx.msk [tilespmem:v16+s29+$0x0], $0xffff  }
0x24a: {  	v3 =	vshll.u32 v3, $0x5;
	v7 =	vor.u32 v33, v7  }
0x24b: {  	v59 =	vor.u32 v26, v3;
	[tilespmem:v2+s6+$0x0] =	vst.idx.msk $0xffff, v9;
	v2 =	vmul.f32 $5.656854150e+00, v12  }
0x24c: {  	v0 =	vmul.f32 $5.656854150e+00, v0  }
0x24d: {  	[tilespmem:v55+s6+$0x0] =	vst.idx.msk $0xffff, v2;
	v1 =	vmul.f32 $5.656854150e+00, v1  }
0x24e: {  	v10 =	vld.idx.msk [tilespmem:v42+s29+$0x0], $0xffff;
	v8 =	vmul.f32 $5.656854150e+00, v56;
	[tilespmem:v5+s6+$0x0] =	vst.idx.msk $0xffff, v0  }
0x24f: {  	[tilespmem:v7+s6+$0x0] =	vst.idx.msk $0xffff, v1  }
0x250: {  	v3 =	vor.u32 v33, v3;
	v6 =	vld.idx.msk [tilespmem:v6+s29+$0x0], $0xffff;
	[tilespmem:v59+s6+$0x0] =	vst.idx.msk $0xffff, v8  }
0x251: {  	v54 =	vand.u32 $0x7F, v23;
	v55 =	vld [tilespmem:$0x1FFB0]  }
0x252: {  	v15 =	vor.u32 v54, v19;
	v0 =	vor.u32 v33, v52  }
0x253: {  	v10 =	vmul.f32 $5.656854150e+00, v10  }
0x254: {  	v4 =	vld.idx.msk [tilespmem:v4+s29+$0x0], $0xffff;
	v5 =	vmul.f32 $5.656854150e+00, v20  }
0x255: {  	[tilespmem:v3+s6+$0x0] =	vst.idx.msk $0xffff, v10;
	v3 =	vmul.f32 $5.656854150e+00, v6  }
0x256: {  	[tilespmem:v53+s6+$0x0] =	vst.idx.msk $0xffff, v5;
	v61 =	vor.u32 s17, v55  }
0x257: {  	v60 =	vld.idx.msk [tilespmem:v15+s29+$0x0], $0xffff;
	[tilespmem:v0+s6+$0x0] =	vst.idx.msk $0xffff, v3;
	v34 =	vand.u32 $0x7F, v61  }
0x258: {  	v17 =	vor.u32 v54, v18;
	v0 =	vor.u32 v34, v18;
	v18 =	vld [tilespmem:$0x1FAF0]  }
0x259: {  	v58 =	vand.u32 $0x7F, v63;
	v1 =	vmul.f32 $5.656854150e+00, v4;
	v4 =	vshll.u32 v23, $0x5  }
0x25a: {  	v16 =	vor.u32 v58, v51;
	v23 =	vor.u32 v33, v4;
	v4 =	vor.u32 v26, v4  }
0x25b: {  	v9 =	vor.u32 v58, v46  }
0x25c: {  	v45 =	vand.u32 $0x7F, v31  }
0x25d: {  	v49 =	vor.u32 v45, v49;
	v7 =	vmul.f32 $5.656854150e+00, v60  }
0x25e: {  	v32 =	vld.idx.msk [tilespmem:v17+s29+$0x0], $0xffff  }
0x25f: {  	v2 =	vor.u32 v45, v48;
	v35 =	vld.idx.msk [tilespmem:v16+s29+$0x0], $0xffff;
	[tilespmem:v4+s6+$0x0] =	vst.idx.msk $0xffff, v7  }
0x260: {  	v9 =	vld.idx.msk [tilespmem:v9+s29+$0x0], $0xffff;
	[tilespmem:v18+s6+$0x0] =	vst.idx.msk $0xffff, v1  }
0x261: {  	v16 =	vshll.u32 v63, $0x5;
	v4 =	vld [tilespmem:$0x1FAE0]  }
0x262: {  	v11 =	vld.idx.msk [tilespmem:v49+s29+$0x0], $0xffff;
	v37 =	vor.u32 v26, v16  }
0x263: {  	v62 =	vshll.u32 v31, $0x5;
	v16 =	vor.u32 v33, v16;
	v5 =	vor.u32 v34, v19  }
0x264: {  	v2 =	vld.idx.msk [tilespmem:v2+s29+$0x0], $0xffff;
	v14 =	vmul.f32 $5.656854150e+00, v32;
	v1 =	vor.u32 v26, v62  }
0x265: {  	v10 =	vmul.f32 $5.656854150e+00, v35  }
0x266: {  	v38 =	vor.u32 v33, v62;
	v9 =	vmul.f32 $5.656854150e+00, v9;
	[tilespmem:v23+s6+$0x0] =	vst.idx.msk $0xffff, v14  }
0x267: {  	v41 =	vmul.f32 $5.656854150e+00, v11;
	[tilespmem:v37+s6+$0x0] =	vst.idx.msk $0xffff, v10  }
0x268: {  	v36 =	vor.u32 s13, v55;
	v5 =	vld.idx.msk [tilespmem:v5+s29+$0x0], $0xffff;
	[tilespmem:v16+s6+$0x0] =	vst.idx.msk $0xffff, v9  }
0x269: {  	v3 =	vand.u32 $0x7F, v36;
	v8 =	vshll.u32 v61, $0x5;
	v2 =	vmul.f32 $5.656854150e+00, v2;
	[tilespmem:v1+s6+$0x0] =	vst.idx.msk $0xffff, v41;
	v4 =	vld.idx.msk [tilespmem:v4+s29+$0x0], $0xffff  }
0x26a: {  	v17 =	vor.u32 v3, v51;
	v42 =	vor.u32 v26, v8;
	v18 =	vld [tilespmem:$0x1FE90]  }
0x26b: {  	v49 =	vld [tilespmem:$0x1FB40];
	[tilespmem:v38+s6+$0x0] =	vst.idx.msk $0xffff, v2  }
0x26c: {  	v13 =	vld [tilespmem:$0x1FB50]  }
0x26d: {  	v3 =	vor.u32 v3, v46;
	v5 =	vmul.f32 $5.656854150e+00, v5  }
0x26e: {  	v0 =	vld.idx.msk [tilespmem:v0+s29+$0x0], $0xffff;
	v4 =	vmul.f32 $5.656854150e+00, v4  }
0x26f: {  	v10 =	vld.idx.msk [tilespmem:v17+s29+$0x0], $0xffff;
	[tilespmem:v42+s6+$0x0] =	vst.idx.msk $0xffff, v5  }
0x270: {  	v45 =	vshll.u32 v36, $0x5;
	v44 =	vor.u32 v33, v8;
	[tilespmem:v29+s6+$0x0] =	vst.idx.msk $0xffff, v4  }
0x271: {  	v2 =	vor.u32 v26, v45;
	v5 =	vld [tilespmem:$0x1FB60]  }
0x272: {  	v3 =	vld.idx.msk [tilespmem:v3+s29+$0x0], $0xffff  }
0x273: {  	v0 =	vmul.f32 $5.656854150e+00, v0;
	v12 =	vld.idx.msk [tilespmem:v49+s29+$0x0], $0xffff  }
0x274: {  	v8 =	vor.u32 v33, v45;
	v53 =	vmul.f32 $5.656854150e+00, v10;
	v13 =	vld.idx.msk [tilespmem:v13+s29+$0x0], $0xffff  }
0x275: {  	[tilespmem:v44+s6+$0x0] =	vst.idx.msk $0xffff, v0  }
0x276: {  	[tilespmem:v2+s6+$0x0] =	vst.idx.msk $0xffff, v53;
	v5 =	vor.u32 v33, v5  }
0x277: {  	v3 =	vmul.f32 $5.656854150e+00, v3;
	v6 =	vld [tilespmem:$0x1FBA0]  }
0x278: {  	v2 =	vmul.f32 $5.656854150e+00, v12  }
0x279: {  	[tilespmem:v8+s6+$0x0] =	vst.idx.msk $0xffff, v3;
	v3 =	vmul.f32 $5.656854150e+00, v13  }
0x27a: {  	v1 =	vor.u32 s13, v18;
	[tilespmem:v22+s6+$0x0] =	vst.idx.msk $0xffff, v2  }
0x27b: {  	v48 =	vand.u32 $0x7F, v1;
	[tilespmem:v5+s6+$0x0] =	vst.idx.msk $0xffff, v3  }
0x27c: {  	v52 =	vor.u32 v48, v51;
	v3 =	vld [tilespmem:$0x1FAB0]  }
0x27d: {  	v4 =	vor.u32 v48, v46;
	v59 =	vld [tilespmem:$0x1FBE0]  }
0x27e: {  	v0 =	vld.idx.msk [tilespmem:v25+s29+$0x0], $0xffff  }
0x27f: {  	v6 =	vld.idx.msk [tilespmem:v6+s29+$0x0], $0xffff;
	_ =	sdelay $0x1  }
0x280: {  	v7 =	vld.idx.msk [tilespmem:v52+s29+$0x0], $0xffff;
	v2 =	vor.u32 v33, v27  }
0x281: {  	v1 =	vshll.u32 v1, $0x5;
	v4 =	vld.idx.msk [tilespmem:v4+s29+$0x0], $0xffff  }
0x282: {  	v0 =	vmul.f32 $5.656854150e+00, v0;
	v5 =	vor.u32 v26, v1;
	v9 =	vld [tilespmem:$0x1FAC0]  }
0x283: {  	v6 =	vmul.f32 $5.656854150e+00, v6;
	v3 =	vld.idx.msk [tilespmem:v3+s29+$0x0], $0xffff  }
0x284: {  	v54 =	vor.u32 v57, v51;
	v1 =	vor.u32 v33, v1;
	v58 =	vld [tilespmem:$0x1FB10];
	[tilespmem:v59+s6+$0x0] =	vst.idx.msk $0xffff, v0  }
0x285: {  	v56 =	vor.u32 v57, v46;
	v57 =	vor.u32 v26, v24;
	v7 =	vmul.f32 $5.656854150e+00, v7;
	v0 =	vld [tilespmem:$0x1FB20];
	[tilespmem:v2+s6+$0x0] =	vst.idx.msk $0xffff, v6  }
0x286: {  	v13 =	vld [tilespmem:$0x1FB30]  }
0x287: {  	v4 =	vmul.f32 $5.656854150e+00, v4;
	v6 =	vld [tilespmem:$0x1FB70];
	[tilespmem:v5+s6+$0x0] =	vst.idx.msk $0xffff, v7  }
0x288: {  	v7 =	vld [tilespmem:$0x1FB80];
	v3 =	vmul.f32 $5.656854150e+00, v3  }
0x289: {  	[tilespmem:v1+s6+$0x0] =	vst.idx.msk $0xffff, v4  }
0x28a: {  	v60 =	vld [tilespmem:$0x1FB90];
	[tilespmem:v57+s6+$0x0] =	vst.idx.msk $0xffff, v3  }
0x28b: {  	v63 =	vld [tilespmem:$0x1FC00]  }
0x28c: {  	v9 =	vld.idx.msk [tilespmem:v9+s29+$0x0], $0xffff  }
0x28d: {  	v12 =	vld.idx.msk [tilespmem:v58+s29+$0x0], $0xffff  }
0x28e: {  	v0 =	vld.idx.msk [tilespmem:v0+s29+$0x0], $0xffff  }
0x28f: {  	v2 =	vor.u32 v26, v13;
	v6 =	vld.idx.msk [tilespmem:v6+s29+$0x0], $0xffff  }
0x290: {  	v5 =	vor.u32 v33, v13;
	v7 =	vld.idx.msk [tilespmem:v7+s29+$0x0], $0xffff  }
0x291: {  	v8 =	vld.idx.msk [tilespmem:v54+s29+$0x0], $0xffff;
	v1 =	vmul.f32 $5.656854150e+00, v9;
	v4 =	vor.u32 v26, v60  }
0x292: {  	v10 =	vld.idx.msk [tilespmem:v56+s29+$0x0], $0xffff;
	v61 =	vmul.f32 $5.656854150e+00, v12;
	v3 =	vshll.u32 v47, $0x5;
	v62 =	vor.u32 v33, v60  }
0x293: {  	v0 =	vmul.f32 $5.656854150e+00, v0;
	[tilespmem:v63+s6+$0x0] =	vst.idx.msk $0xffff, v1;
	v1 =	vor.u32 v26, v3  }
0x294: {  	[tilespmem:v2+s6+$0x0] =	vst.idx.msk $0xffff, v61;
	v2 =	vmul.f32 $5.656854150e+00, v6;
	v3 =	vor.u32 v33, v3  }
0x295: {  	[tilespmem:v5+s6+$0x0] =	vst.idx.msk $0xffff, v0;
	v0 =	vmul.f32 $5.656854150e+00, v7  }
0x296: {  	[tilespmem:v4+s6+$0x0] =	vst.idx.msk $0xffff, v2;
	v2 =	vmul.f32 $5.656854150e+00, v8  }
0x297: {  	[tilespmem:v62+s6+$0x0] =	vst.idx.msk $0xffff, v0;
	v0 =	vmul.f32 $5.656854150e+00, v10  }
0x298: {  	p1 =	sgt.u32 s23, $0x3B;
	[tilespmem:v1+s6+$0x0] =	vst.idx.msk $0xffff, v2  }
0x299: {  	s13 =	sadd.s32 @!p1 s11, s18;
	[tilespmem:v3+s6+$0x0] =	vst.idx.msk $0xffff, v0  }
0x29a: {  	s13 =	smin.u32 @!p1 s13, $0x7A0;
	v28 =	vld [tilespmem:$0x1FFF0]  }
0x29b: {  	s23 =	sadd.s32 $0x1, s23;
	s13 =	sshll.u32 @!p1 s13, $0x9;
	v45 =	vld [tilespmem:$0x1FEC0]  }
0x29c: {  	s15 =	simm.s32 @!p1 $0x1000;
	s17 =	simm.s32 @!p1 $0x7A1400;
	s13 =	sadd.s32 @!p1 s1, s13;
	v42 =	vld [tilespmem:$0x1FFE0]  }
0x29d: {  	[tilespmem:s29], [sflag:s28] =	stream.strided.gather @!p1 [hbm4b:s13+s15], $0x4000, s17, s15, $0x38;
	v46 =	vld [tilespmem:$0x1FED0]  }
0x29e: {  	p1 =	sne.s32 s23, $0x3E;
	v30 =	vld [tilespmem:$0x1FFC0]  }
.Ltmp1:
0x29f: {  	v61 =	vld [tilespmem:$0x1FC10];
	(pc) =	sbr.rel @p1 .LBB2_2-.Ltmp1, $4  }
0x2a0: {  	v58 =	vld [tilespmem:$0x1FFD0]  }
0x2a1: {  	s10 =	sshll.u32 s10, $0xB;
	v32 =	vld [tilespmem:$0x1FE80]  }
0x2a2: {  	s10 =	sadd.s32 s8, s10;
	s29 =	sadd.s32 $0x3, s24;
	v48 =	vld [tilespmem:$0x1FEA0]  }
0x2a3: {  	v31 =	vmovc v40;
	v51 =	vmov v21;
	v59 =	vmov v43;
	v63 =	vlaneseq.u32;
	v3 =	vld [tilespmem:$0x1FEE0];
	[hbm4b:s10+s4] =	stream.linear.scatter [tilespmem:s6], [sflag:s29], $0x4000, $0x38  }
0x2a4: {  	_ =	swait.ge [sflag:s20], $0x4000  }
0x2a5: {  	[sflag:s20] =	ssyncset.done $0x0  }
0x2a6: {  	[sflag:s20] =	ssyncadd.s32 $0xFFFFC000  }
0x2a7: {  	_ =	swait.ge [sflag:s21], $0x4000  }
0x2a8: {  	s6 =	simm.s32 @p0 $0x0;
	[sflag:s21] =	ssyncset.done $0x0  }
0x2a9: {  	s10 =	simm.s32 @p0 $0x8000;
	s13 =	rddreg [dreg:$0x5];
	[sflag:s21] =	ssyncadd.s32 $0xFFFFC000  }
0x2aa: {  	[tilespmem:s10], [sflag:$0xC] =	stream.linear.gather @p0 [hbm4b:s13+s6], $0x800, $0x38;
	[tilespmem:$0x1A300] =	vst v63  }
0x2ab: {  	s13 =	simm.s32 @p0 $0xC  }
0x2ac: {  	_ =	swait.ge @p0 [sflag:s13], $0x800  }
0x2ad: {  	[sflag:s13] =	ssyncset.done @p0 $0x0  }
0x2ae: {  	s15 =	rddreg [dreg:$0x7];
	[sflag:s13] =	ssyncadd.s32 @p0 $0xFFFFF800  }
0x2af: {  	[hbm4b:s15+s6] =	stream.linear.scatter @p0 [tilespmem:s10], [sflag:$0xC], $0x800, $0x38;
	[tilespmem:$0x1A300] =	vst v63  }
0x2b0: {  	_ =	swait.ge @p0 [sflag:s13], $0x800  }
0x2b1: {  	[sflag:s13] =	ssyncset.done @p0 $0x0  }
0x2b2: {  	[sflag:s13] =	ssyncadd.s32 @p0 $0xFFFFF800  }
0x2b3: {  	[bflag:$0x0] =	sbarrier.arrive $0xFFFF  }
0x2b4: {  	[sflag:s22] =	ssyncadd.s32 $0x1  }
0x2b5: {  	_ =	swait.ge [sflag:s22], $0x1  }
0x2b6: {  	[sflag:s22] =	ssyncset.done $0x0  }
0x2b7: {  	s23 =	simm.s32 $0x0;
	s24 =	simm.s32 $0x10000;
	[sflag:s22] =	ssyncadd.s32 $0xFFFFFFFF  }
0x2b8: {  	[tilespmem:s24], [sflag:$0x5] =	stream.linear.gather [hbm4b:s12+s23], $0x80, $0x38;
	[tilespmem:$0x1A300] =	vst v63  }
0x2b9: {  	s29 =	simm.s32 $0x10080;
	s28 =	rddreg [dreg:$0x8]  }
0x2ba: {  	[tilespmem:s29], [sflag:$0x6] =	stream.linear.gather [hbm4b:s28+s23], $0x80, $0x38;
	[tilespmem:$0x1A300] =	vst v63  }
0x2bb: {  	_ =	swait.ge [sflag:s25], $0x80  }
0x2bc: {  	[sflag:s25] =	ssyncset.done $0x0  }
0x2bd: {  	s6 =	simm.s32 $0x0;
	[sflag:s25] =	ssyncadd.s32 $0xFFFFFF80  }
0x2be: {  	v0 =	vld [tilespmem:s6+$0x10000]  }
0x2bf: {  	v37 =	vmovc v30;
	v56 =	vmov v46;
	v29 =	vmov v45;
	v35 =	vmov v42;
	s10 =	simm.s32 $0x40  }
.LBB2_6:
0x2c0: {  	p1 =	sne.s32 s10, $0x1C0  }
.Ltmp2:
0x2c1: {  	_ = 	snop;
	(pc) =	sbr.rel @p1 .LBB2_6-.Ltmp2, $4  }
0x2c2: {  	_ = 	snop  }
0x2c3: {  	s13 =	sshra.s32 s10, $0x2;
	s10 =	sadd.s32 $0x40, s10;
	v1 =	vshra.s32 v0, $0x2;
	v2 =	vshll.u32 v0, $0x5  }
0x2c4: {  	v0 =	vld [tilespmem:s13+$0x10000];
	[tilespmem:s6+$0x10100] =	vst v1;
	v1 =	vand.u32 $0x60, v2  }
0x2c5: {  	[tilespmem:s6+$0x10200] =	vst v1;
	s6 =	smov.u32 s13  }
0x2c6: {  	_ =	sdelay $0x2  }
0x2c7: {  	v1 =	vshra.s32 v0, $0x2;
	v63 =	vshll.u32 v0, $0x5  }
0x2c8: {  	[tilespmem:s6+$0x10100] =	vst v1;
	v0 =	vand.u32 $0x60, v63  }
0x2c9: {  	s29 =	simm.s32 $0x10100;
	s10 =	simm.s32 $0x10300;
	s23 =	simm.s32 $0x0;
	[tilespmem:s6+$0x10200] =	vst v0  }
0x2ca: {  	[tilespmem:s10], [sflag:$0x7] =	stream.indirect.gather [hbm4b:s8+s26], $0x80, s29, s26, $0xb8;
	[tilespmem:$0x1A300] =	vst v63  }
.LBB2_8:
0x2cb: {  	p1 =	sgt.u32 s23, $0xC5  }
.Ltmp3:
0x2cc: {  	s6 =	sand.u32 $0x1, s23;
	(pc) =	sbr.rel @p1 .LBB2_10-.Ltmp3, $4  }
0x2cd: {  	s10 =	sadd.s32 $0x7, s6  }
0x2ce: {  	_ =	swait.ge [sflag:s10], $0x4000  }
0x2cf: {  	[sflag:s10] =	ssyncset.done $0x0  }
0x2d0: {  	[sflag:s10] =	ssyncadd.s32 $0xFFFFC000  }
0x2d1: {  	v53 =	vld [tilespmem:$0x1FC20]  }
0x2d2: {  	v63 =	vld [tilespmem:$0x1FC30]  }
0x2d3: {  	s10 =	sadd.s32 $0x2, s23;
	v60 =	vld [tilespmem:$0x1FC40]  }
0x2d4: {  	v61 =	vld [tilespmem:$0x1FC50];
	s13 =	sshll.u32 s10, $0x7;
	s10 =	sshll.u32 s10, $0xC  }
0x2d5: {  	v46 =	vld [tilespmem:$0x1FC60];
	s13 =	sand.u32 $0x380, s13;
	s10 =	sand.u32 $0x1F8000, s10  }
.Ltmp4:
0x2d6: {  	v15 =	vld [tilespmem:$0x1FD40];
	s10 =	sor.u32 s10, s13;
	(pc) =	sbr.rel .LBB2_11-.Ltmp4, $4  }
0x2d7: {  	v20 =	vld [tilespmem:$0x1FD90];
	s10 =	sor.u32 s14, s10  }
0x2d8: {  	s29 =	sshll.u32 s6, $0x7;
	s15 =	sadd.s32 $0x5, s6;
	v32 =	vld [tilespmem:$0x1FDE0];
	s10 =	sshrl.u32 s10, $0x3  }
0x2d9: {  	s24 =	sadd.s32 $0x1, s23;
	v38 =	vld [tilespmem:$0x1FE30];
	s13 =	sor.u32 $0x10000, s29;
	s10 =	sadd.s32 s0, s10  }
0x2da: {  	v48 =	vld [tilespmem:$0x1FE40];
	[tilespmem:s13], [sflag:s15] =	stream.linear.gather [hbm4b:s10+s4], $0x80, $0x38  }
.LBB2_10:
0x2db: {  	v53 =	vld [tilespmem:$0x1FC20]  }
0x2dc: {  	v63 =	vld [tilespmem:$0x1FC30]  }
0x2dd: {  	v60 =	vld [tilespmem:$0x1FC40]  }
0x2de: {  	v61 =	vld [tilespmem:$0x1FC50]  }
0x2df: {  	p1 =	seq.s32 s23, $0xC7;
	v46 =	vld [tilespmem:$0x1FC60]  }
.Ltmp5:
0x2e0: {  	v15 =	vld [tilespmem:$0x1FD40];
	(pc) =	sbr.rel @p1 .LBB2_14-.Ltmp5, $4  }
0x2e1: {  	v20 =	vld [tilespmem:$0x1FD90]  }
0x2e2: {  	v32 =	vld [tilespmem:$0x1FDE0]  }
0x2e3: {  	v38 =	vld [tilespmem:$0x1FE30]  }
0x2e4: {  	s24 =	simm.s32 $0xC7;
	s10 =	simm.s32 $0xC8;
	v48 =	vld [tilespmem:$0x1FE40]  }
.LBB2_11:
0x2e5: {  	s10 =	sxor.u32 $0x1, s6  }
0x2e6: {  	s13 =	sshll.u32 s10, $0x7  }
0x2e7: {  	s15 =	sor.u32 $0x10000, s13  }
0x2e8: {  	v0 =	vmov s15  }
0x2e9: {  	s17 =	sadd.s32 $0x5, s10  }
0x2ea: {  	_ =	swait.ge [sflag:s17], $0x80  }
0x2eb: {  	[sflag:s17] =	ssyncset.done $0x0  }
0x2ec: {  	s15 =	simm.s32 $0x0;
	[sflag:s17] =	ssyncadd.s32 $0xFFFFFF80  }
0x2ed: {  	s29 =	sor.u32 $0x10200, s13;
	s13 =	sor.u32 $0x10100, s13;
	v3 =	vld.idx.msk [tilespmem:v0+s15+$0x0 ss:$0x1], $0xffff  }
0x2ee: {  	v2 =	vmov s13;
	v1 =	vmov s29;
	s17 =	simm.s32 $0x40  }
.LBB2_12:
0x2ef: {  	p1 =	sne.s32 s17, $0x1C0  }
.Ltmp6:
0x2f0: {  	_ = 	snop;
	(pc) =	sbr.rel @p1 .LBB2_12-.Ltmp6, $4  }
0x2f1: {  	_ = 	snop  }
0x2f2: {  	s18 =	sshra.s32 s17, $0x2;
	v4 =	vshra.s32 v3, $0x2;
	v5 =	vshll.u32 v3, $0x5  }
0x2f3: {  	v3 =	vld.idx.msk [tilespmem:v0+s18+$0x0 ss:$0x1], $0xffff;
	[tilespmem:v2+s15+$0x0 ss:$0x1] =	vst.idx.msk $0xffff, v4;
	v4 =	vand.u32 $0x60, v5  }
0x2f4: {  	s17 =	sadd.s32 $0x40, s17;
	[tilespmem:v1+s15+$0x0 ss:$0x1] =	vst.idx.msk $0xffff, v4;
	s15 =	smov.u32 s18  }
0x2f5: {  	_ = 	snop  }
0x2f6: {  	p1 =	slt.u32 s23, $0x2  }
.Ltmp7:
0x2f7: {  	_ = 	snop;
	(pc) =	sbr.rel @p1 .LBB2_15-.Ltmp7, $4  }
0x2f8: {  	v0 =	vshra.s32 v3, $0x2;
	v59 =	vshll.u32 v3, $0x5  }
0x2f9: {  	s17 =	sshll.u32 s10, $0xE;
	[tilespmem:v2+s15+$0x0 ss:$0x1] =	vst.idx.msk $0xffff, v0;
	v62 =	vand.u32 $0x60, v59  }
0x2fa: {  	s29 =	sadd.s32 $0x7, s10;
	s10 =	smov.u32 s24;
	s28 =	sor.u32 $0x10300, s17;
	[tilespmem:v1+s15+$0x0 ss:$0x1] =	vst.idx.msk $0xffff, v62  }
0x2fb: {  	[tilespmem:s28], [sflag:s29] =	stream.indirect.gather [hbm4b:s8+s26], $0x80, s13, s26, $0xb8;
	[tilespmem:$0x1A300] =	vst v63  }
.LBB2_14:
0x2fc: {  	s13 =	sadd.s32 $0x9, s6  }
0x2fd: {  	_ =	swait.ge [sflag:s13], $0x1000  }
0x2fe: {  	[sflag:s13] =	ssyncset.done $0x0  }
0x2ff: {  	s24 =	smov.u32 s10;
	[sflag:s13] =	ssyncadd.s32 $0xFFFFF000  }
.LBB2_15:
0x300: {  	v1 =	vld [tilespmem:$0x1FD00]  }
0x301: {  	v26 =	vld [tilespmem:$0x1FD10]  }
0x302: {  	v27 =	vld [tilespmem:$0x1FD20]  }
0x303: {  	v31 =	vld [tilespmem:$0x1FD30]  }
0x304: {  	v45 =	vld [tilespmem:$0x1FDA0]  }
0x305: {  	v47 =	vld [tilespmem:$0x1FDB0]  }
0x306: {  	s10 =	sshll.u32 s6, $0x7;
	v49 =	vld [tilespmem:$0x1FDC0]  }
0x307: {  	v50 =	vld [tilespmem:$0x1FDD0];
	s10 =	sor.u32 $0x10200, s10  }
0x308: {  	s13 =	simm.s32 $0x0;
	v8 =	vlaneseq.u32;
	v3 =	vld [tilespmem:s10+$0x0]  }
0x309: {  	v40 =	vld [tilespmem:$0x1FD50];
	v0 =	vmov s13;
	v19 =	vmul.u32 $0x80, v8  }
0x30a: {  	v41 =	vld [tilespmem:$0x1FD60];
	v0 =	vshll.u32 v0, $0x7  }
0x30b: {  	v43 =	vld [tilespmem:$0x1FD70];
	v16 =	vmul.u32 $0x81, v8;
	v30 =	vor.u32 s13, v53;
	v2 =	vor.u32 v19, v0  }
0x30c: {  	v44 =	vld [tilespmem:$0x1FD80];
	v0 =	vsel vm0, v26, v1;
	v22 =	vsel vm0, v47, v45;
	v23 =	vsel vm0, v50, v49  }
0x30d: {  	v57 =	vld [tilespmem:$0x1FDF0];
	v6 =	vsel vm0, v31, v27;
	v17 =	vcombine.low v23, v22;
	v4 =	vadd.s32 v33, v3  }
0x30e: {  	v62 =	vld [tilespmem:$0x1FE00];
	v42 =	vor.u32 $0x800, v16;
	v21 =	vcombine.low v6, v0;
	v5 =	vand.u32 $0xFFFFFF80, v4  }
0x30f: {  	v4 =	vand.u32 $0x7F, v4;
	v24 =	vadd.s32 v17, v3;
	v5 =	vadd.s32 v2, v5  }
0x310: {  	v55 =	vld [tilespmem:$0x1FE10];
	v7 =	vor.u32 v4, v5;
	v4 =	vadd.s32 v8, v3;
	v5 =	vadd.s32 v21, v3  }
0x311: {  	[tilespmem:$0x1F970] =	vst v17;
	v17 =	vld [tilespmem:$0x1FE20];
	v8 =	vand.u32 $0xFFFFFF80, v4;
	v9 =	vand.u32 $0x7F, v4;
	v11 =	vand.u32 $0xFFFFFF80, v5  }
0x312: {  	v12 =	vand.u32 $0x7F, v5;
	v4 =	vsel vm0, v41, v40;
	v5 =	vsel vm0, v44, v43  }
0x313: {  	v10 =	vor.u32 s13, v42;
	v36 =	vsel vm0, v62, v57;
	v14 =	vcombine.low v5, v4  }
0x314: {  	s15 =	sshll.u32 s6, $0xE;
	[tilespmem:$0x1F960] =	vst v16;
	v13 =	vadd.s32 v28, v3;
	v25 =	vand.u32 $0xFFFFFF80, v24;
	v11 =	vadd.s32 v2, v11  }
0x315: {  	s28 =	sor.u32 $0x10300, s15;
	v8 =	vadd.s32 v2, v8;
	v11 =	vor.u32 v12, v11;
	v12 =	vand.u32 $0xFFFFFF80, v13;
	[tilespmem:$0x1F920] =	vst v14  }
0x316: {  	v8 =	vor.u32 v9, v8;
	v13 =	vand.u32 $0x7F, v13;
	v59 =	vsel vm0, v17, v55;
	v7 =	vld.idx.msk [tilespmem:v7+s28+$0x0], $0xffff  }
0x317: {  	v9 =	vadd.s32 v2, v12;
	v12 =	vadd.s32 v14, v3;
	v14 =	vor.u32 s13, v15  }
0x318: {  	v18 =	vcombine.low v59, v36;
	v15 =	vand.u32 $0xFFFFFF80, v12;
	v12 =	vand.u32 $0x7F, v12  }
0x319: {  	s17 =	sshll.u32 s6, $0xC;
	v9 =	vor.u32 v13, v9;
	v13 =	vadd.s32 v29, v3;
	v15 =	vadd.s32 v2, v15  }
0x31a: {  	s29 =	sor.u32 $0x18300, s17;
	[tilespmem:$0x1F9C0] =	vst v18;
	v12 =	vor.u32 v12, v15;
	v15 =	vor.u32 s13, v16;
	v16 =	vand.u32 $0xFFFFFF80, v13  }
0x31b: {  	v24 =	vand.u32 $0x7F, v24;
	v13 =	vand.u32 $0x7F, v13;
	v16 =	vadd.s32 v2, v16;
	[tilespmem:v10+s29+$0x0] =	vst.idx.msk $0xffff, v7  }
0x31c: {  	v25 =	vadd.s32 v2, v25;
	v13 =	vor.u32 v13, v16;
	v16 =	vadd.s32 v18, v3;
	v11 =	vld.idx.msk [tilespmem:v11+s28+$0x0], $0xffff  }
0x31d: {  	v29 =	vor.u32 v24, v25;
	v8 =	vld.idx.msk [tilespmem:v8+s28+$0x0], $0xffff;
	v7 =	vadd.s32 v35, v3;
	v24 =	vand.u32 $0xFFFFFF80, v16  }
0x31e: {  	v16 =	vand.u32 $0x7F, v16;
	v24 =	vadd.s32 v2, v24;
	v25 =	vand.u32 $0xFFFFFF80, v7  }
0x31f: {  	v16 =	vor.u32 v16, v24;
	v24 =	vadd.s32 v2, v25;
	v25 =	vadd.s32 v56, v3  }
0x320: {  	v54 =	vor.u32 s13, v38;
	v39 =	vsel vm0, v27, v26;
	v26 =	vand.u32 $0xFFFFFF80, v25  }
0x321: {  	v27 =	vadd.s32 v37, v3;
	[tilespmem:v14+s29+$0x0] =	vst.idx.msk $0xffff, v11;
	v11 =	vand.u32 $0x7F, v25;
	v25 =	vadd.s32 v2, v26  }
0x322: {  	v28 =	vor.u32 s13, v20;
	[tilespmem:v15+s29+$0x0] =	vst.idx.msk $0xffff, v8;
	v12 =	vld.idx.msk [tilespmem:v12+s28+$0x0], $0xffff;
	v11 =	vor.u32 v11, v25;
	v25 =	vand.u32 $0xFFFFFF80, v27  }
0x323: {  	v38 =	vsel vm0, v43, v41;
	v40 =	vsel vm0, v40, v44;
	v51 =	vadd.s32 v2, v25;
	v25 =	vld [tilespmem:$0x1FC10]  }
0x324: {  	v52 =	vmovc v35;
	v45 =	vsel vm0, v45, v50;
	v35 =	vsel vm0, v1, v31;
	v1 =	vcombine.low v40, v38  }
0x325: {  	v43 =	vor.u32 s13, v61;
	v10 =	vor.u32 s13, v32;
	v7 =	vand.u32 $0x7F, v7  }
0x326: {  	v34 =	vcombine.low v35, v39;
	v7 =	vor.u32 v7, v24;
	v8 =	vand.u32 $0x7F, v27;
	[tilespmem:$0x1FA00] =	vst v1  }
0x327: {  	v15 =	vadd.s32 v1, v3;
	v24 =	vmov v61;
	v61 =	vor.u32 s13, v46;
	v9 =	vld.idx.msk [tilespmem:v9+s28+$0x0], $0xffff;
	[tilespmem:v28+s29+$0x0] =	vst.idx.msk $0xffff, v12  }
0x328: {  	v14 =	vadd.s32 v34, v3;
	v44 =	vor.u32 v8, v51;
	v8 =	vadd.s32 v25, v3;
	v1 =	vld [tilespmem:$0x1FE50]  }
0x329: {  	v26 =	vand.u32 $0xFFFFFF80, v14;
	v27 =	vsel vm0, v49, v47;
	v41 =	vld.idx.msk [tilespmem:v29+s28+$0x0], $0xffff;
	v12 =	vand.u32 $0xFFFFFF80, v8  }
0x32a: {  	v26 =	vadd.s32 v2, v26;
	v8 =	vand.u32 $0x7F, v8;
	v12 =	vadd.s32 v2, v12  }
0x32b: {  	v28 =	vand.u32 $0xFFFFFF80, v15;
	v56 =	vor.u32 v8, v12;
	v12 =	vcombine.low v45, v27  }
0x32c: {  	v14 =	vand.u32 $0x7F, v14;
	v15 =	vand.u32 $0x7F, v15;
	v28 =	vadd.s32 v2, v28;
	[tilespmem:v30+s29+$0x0] =	vst.idx.msk $0xffff, v9  }
0x32d: {  	v14 =	vor.u32 v14, v26;
	v26 =	vmovc v46;
	v46 =	vor.u32 s13, v48;
	v48 =	vor.u32 v15, v28;
	v28 =	vld [tilespmem:$0x1FC70];
	[tilespmem:$0x1FA20] =	vst v12  }
0x32e: {  	v18 =	vmov v37;
	v37 =	vadd.s32 v1, v3;
	v1 =	vld [tilespmem:$0x1FFA0];
	[tilespmem:v10+s29+$0x0] =	vst.idx.msk $0xffff, v41  }
0x32f: {  	v29 =	vld [tilespmem:$0x1FC80];
	_ =	sdelay $0x2  }
0x330: {  	v8 =	vand.u32 $0xFFFFFF80, v37  }
0x331: {  	v31 =	vor.u32 s13, v63;
	v9 =	vand.u32 $0x7F, v37;
	v8 =	vadd.s32 v2, v8  }
0x332: {  	v50 =	vor.u32 v9, v8;
	v9 =	vld.idx.msk [tilespmem:v13+s28+$0x0], $0xffff;
	v8 =	vadd.s32 v1, v3;
	v1 =	vor.u32 s13, v29  }
0x333: {  	[tilespmem:$0x1F8F0] =	vst v1;
	v1 =	vld [tilespmem:$0x1FF00]  }
0x334: {  	v10 =	vand.u32 $0xFFFFFF80, v8  }
0x335: {  	v13 =	vld [tilespmem:$0x1FE60];
	v8 =	vand.u32 $0x7F, v8;
	v10 =	vadd.s32 v2, v10  }
0x336: {  	v30 =	vld.idx.msk [tilespmem:v16+s28+$0x0], $0xffff;
	v16 =	vor.u32 v8, v10  }
0x337: {  	v10 =	vsel vm0, v55, v62;
	[tilespmem:v31+s29+$0x0] =	vst.idx.msk $0xffff, v9;
	v9 =	vsel vm0, v57, v17  }
0x338: {  	v51 =	vor.u32 s13, v1;
	v1 =	vcombine.low v9, v10  }
0x339: {  	v12 =	vadd.s32 v12, v3  }
0x33a: {  	v15 =	vand.u32 $0xFFFFFF80, v12;
	v13 =	vadd.s32 v13, v3;
	v7 =	vld.idx.msk [tilespmem:v7+s28+$0x0], $0xffff;
	[tilespmem:$0x1FA50] =	vst v1  }
0x33b: {  	v12 =	vand.u32 $0x7F, v12;
	v15 =	vadd.s32 v2, v15;
	v8 =	vand.u32 $0xFFFFFF80, v13;
	v41 =	vld [tilespmem:$0x1FC90];
	[tilespmem:v54+s29+$0x0] =	vst.idx.msk $0xffff, v30  }
0x33c: {  	v37 =	vmovc v53;
	v53 =	vor.u32 v12, v15;
	v12 =	vand.u32 $0x7F, v13;
	v8 =	vadd.s32 v2, v8;
	v47 =	vld [tilespmem:$0x1FCA0]  }
0x33d: {  	v13 =	vor.u32 v12, v8;
	v12 =	vadd.s32 v1, v3;
	v1 =	vld [tilespmem:$0x1FE70];
	_ =	sdelay $0x2  }
0x33e: {  	v32 =	vor.u32 s13, v60;
	_ =	sdelay $0x1  }
0x33f: {  	v8 =	vadd.s32 v58, v3;
	v9 =	vor.u32 s13, v47;
	v30 =	vadd.s32 v1, v3;
	v1 =	vld [tilespmem:$0x1FF10]  }
0x340: {  	[tilespmem:$0x1F990] =	vst v9;
	v9 =	vand.u32 $0xFFFFFF80, v8  }
0x341: {  	v8 =	vand.u32 $0x7F, v8;
	v10 =	vld.idx.msk [tilespmem:v14+s28+$0x0], $0xffff;
	v9 =	vadd.s32 v2, v9;
	v14 =	vand.u32 $0xFFFFFF80, v12  }
0x342: {  	[tilespmem:v32+s29+$0x0] =	vst.idx.msk $0xffff, v7;
	v31 =	vadd.s32 v2, v14;
	v14 =	vor.u32 v8, v9;
	v8 =	vand.u32 $0xFFFFFF80, v30  }
0x343: {  	v7 =	vand.u32 $0x7F, v30;
	v9 =	vld.idx.msk [tilespmem:v11+s28+$0x0], $0xffff;
	v8 =	vadd.s32 v2, v8  }
0x344: {  	v12 =	vand.u32 $0x7F, v12;
	v17 =	vld [tilespmem:$0x1FD40];
	v57 =	vor.u32 s13, v1;
	v1 =	vor.u32 v7, v8  }
0x345: {  	v54 =	vor.u32 v12, v31;
	v31 =	vld [tilespmem:$0x1FCB0];
	[tilespmem:$0x1F9E0] =	vst v1  }
0x346: {  	v1 =	vld [tilespmem:$0x1FE80];
	[tilespmem:v46+s29+$0x0] =	vst.idx.msk $0xffff, v10  }
0x347: {  	v8 =	vld [tilespmem:$0x1FCC0];
	_ =	sdelay $0x4  }
0x348: {  	v7 =	vadd.s32 v1, v3;
	v1 =	vcombine.low v0, v6;
	v0 =	vor.u32 s13, v8  }
0x349: {  	v62 =	vld [tilespmem:$0x1FCD0];
	[tilespmem:$0x1F9F0] =	vst v0;
	v0 =	vand.u32 $0xFFFFFF80, v7  }
0x34a: {  	[tilespmem:$0x1FA80] =	vst v1;
	v7 =	vand.u32 $0x7F, v7;
	v0 =	vadd.s32 v2, v0  }
0x34b: {  	v6 =	vld.idx.msk [tilespmem:v48+s28+$0x0], $0xffff;
	v0 =	vor.u32 v7, v0  }
0x34c: {  	[tilespmem:$0x1FA10] =	vst v0;
	v0 =	vld [tilespmem:$0x1FFB0];
	_ =	sdelay $0x1  }
0x34d: {  	v10 =	vor.u32 s13, v62  }
0x34e: {  	[tilespmem:$0x1FA30] =	vst v10  }
0x34f: {  	v30 =	vadd.s32 v1, v3;
	v1 =	vld [tilespmem:$0x1FF20];
	[tilespmem:v43+s29+$0x0] =	vst.idx.msk $0xffff, v9  }
0x350: {  	v7 =	vadd.s32 v0, v3;
	v0 =	vld [tilespmem:$0x1FE90];
	_ =	sdelay $0x2  }
0x351: {  	v55 =	vand.u32 $0xFFFFFF80, v30  }
0x352: {  	v30 =	vand.u32 $0x7F, v30;
	v9 =	vadd.s32 v2, v55;
	[tilespmem:v51+s29+$0x0] =	vst.idx.msk $0xffff, v6  }
0x353: {  	v55 =	vor.u32 v30, v9;
	v30 =	vadd.s32 v0, v3;
	v0 =	vld [tilespmem:$0x1FCE0];
	_ =	sdelay $0x2  }
0x354: {  	v58 =	vand.u32 $0xFFFFFF80, v7  }
0x355: {  	v7 =	vand.u32 $0x7F, v7;
	v9 =	vadd.s32 v2, v58  }
0x356: {  	v44 =	vld.idx.msk [tilespmem:v44+s28+$0x0], $0xffff;
	v7 =	vor.u32 v7, v9;
	v58 =	vand.u32 $0xFFFFFF80, v30;
	v0 =	vor.u32 s13, v0  }
0x357: {  	v10 =	vld [tilespmem:$0x1FEA0];
	[tilespmem:$0x1FA60] =	vst v0;
	v0 =	vcombine.low v4, v5;
	v4 =	vand.u32 $0x7F, v30;
	v5 =	vadd.s32 v2, v58  }
0x358: {  	s18 =	sadd.s32 $0x10, s10;
	v6 =	vld.idx.msk [tilespmem:v53+s28+$0x0], $0xffff;
	[tilespmem:$0x1FA40] =	vst v7;
	v4 =	vor.u32 v4, v5  }
0x359: {  	v43 =	vld [tilespmem:s18+$0x0];
	[tilespmem:$0x1FA70] =	vst v4  }
0x35a: {  	[tilespmem:$0x1F850] =	vst v0  }
0x35b: {  	[tilespmem:v61+s29+$0x0] =	vst.idx.msk $0xffff, v44  }
0x35c: {  	v5 =	vadd.s32 v0, v3;
	v0 =	vld [tilespmem:$0x1FF30]  }
0x35d: {  	v30 =	vadd.s32 v10, v3  }
0x35e: {  	v4 =	vand.u32 $0xFFFFFF80, v30;
	v7 =	vld [tilespmem:$0x1FCF0]  }
0x35f: {  	v30 =	vand.u32 $0x7F, v30;
	v4 =	vadd.s32 v2, v4  }
0x360: {  	v4 =	vor.u32 v30, v4  }
0x361: {  	v51 =	vor.u32 s13, v0;
	v0 =	vld.idx.msk [tilespmem:v56+s28+$0x0], $0xffff;
	[tilespmem:$0x1FAA0] =	vst v4  }
0x362: {  	[tilespmem:$0x1F860] =	vst v22  }
0x363: {  	v7 =	vor.u32 s13, v7;
	[tilespmem:$0x1F870] =	vst v23  }
0x364: {  	[tilespmem:$0x1FA90] =	vst v7  }
0x365: {  	v49 =	vor.u32 s13, v28;
	[tilespmem:v57+s29+$0x0] =	vst.idx.msk $0xffff, v6  }
0x366: {  	v32 =	vand.u32 $0xFFFFFF80, v5;
	v4 =	vld [tilespmem:$0x1FEF0]  }
0x367: {  	v5 =	vand.u32 $0x7F, v5;
	v44 =	vadd.s32 v2, v32;
	v7 =	vcombine.low v22, v23;
	v54 =	vld.idx.msk [tilespmem:v54+s28+$0x0], $0xffff  }
0x368: {  	v53 =	vor.u32 v5, v44;
	v5 =	vld [tilespmem:$0x1FF40];
	[tilespmem:$0x1F880] =	vst v19  }
0x369: {  	s10 =	simm.s32 $0x10;
	v48 =	vor.u32 s13, v1;
	[tilespmem:$0x1F890] =	vst v7  }
0x36a: {  	v30 =	vmov s10;
	[tilespmem:v49+s29+$0x0] =	vst.idx.msk $0xffff, v0  }
0x36b: {  	v30 =	vshll.u32 v30, $0x7;
	v50 =	vld.idx.msk [tilespmem:v50+s28+$0x0], $0xffff;
	[tilespmem:$0x1F8A0] =	vst v36;
	v44 =	vor.u32 s13, v4;
	v4 =	vadd.s32 v33, v43  }
0x36c: {  	v30 =	vor.u32 v19, v30;
	[tilespmem:$0x1F8B0] =	vst v59;
	v46 =	vand.u32 $0xFFFFFF80, v4  }
0x36d: {  	[tilespmem:$0x1F8C0] =	vst v21;
	v56 =	vor.u32 s13, v5;
	v4 =	vand.u32 $0x7F, v4;
	v0 =	vadd.s32 v30, v46  }
0x36e: {  	v5 =	vadd.s32 v7, v3;
	[tilespmem:v48+s29+$0x0] =	vst.idx.msk $0xffff, v54;
	v4 =	vor.u32 v4, v0;
	v0 =	vlaneseq.u32  }
0x36f: {  	v61 =	vand.u32 $0xFFFFFF80, v5;
	v46 =	vadd.s32 v0, v43;
	v0 =	vld [tilespmem:$0x1FF50]  }
0x370: {  	v5 =	vand.u32 $0x7F, v5;
	v32 =	vadd.s32 v2, v61  }
0x371: {  	v10 =	vor.u32 v5, v32;
	v5 =	vcombine.low v36, v59;
	_ =	sdelay $0x1  }
0x372: {  	v55 =	vld.idx.msk [tilespmem:v55+s28+$0x0], $0xffff;
	[tilespmem:$0x1F8D0] =	vst v5;
	v5 =	vadd.s32 v5, v3  }
0x373: {  	v49 =	vor.u32 s13, v0;
	v0 =	vand.u32 $0xFFFFFF80, v5  }
0x374: {  	v59 =	vmov v47;
	v47 =	vand.u32 $0x7F, v5;
	v5 =	vadd.s32 v2, v0;
	v0 =	vld [tilespmem:$0x1FFF0];
	_ =	sdelay $0x4  }
0x375: {  	v6 =	vadd.s32 v0, v43;
	v0 =	vld [tilespmem:$0x1F8F0];
	_ =	sdelay $0x6  }
0x376: {  	[tilespmem:$0x1F8E0] =	vst v42  }
0x377: {  	[tilespmem:v0+s29+$0x0] =	vst.idx.msk $0xffff, v50  }
0x378: {  	v4 =	vld.idx.msk [tilespmem:v4+s28+$0x0], $0xffff;
	[tilespmem:$0x1F900] =	vst v39  }
0x379: {  	[tilespmem:$0x1F910] =	vst v35  }
0x37a: {  	[tilespmem:v51+s29+$0x0] =	vst.idx.msk $0xffff, v55  }
0x37b: {  	v0 =	vld [tilespmem:$0x1F920];
	_ =	sdelay $0x1  }
0x37c: {  	v32 =	vadd.s32 v21, v43  }
0x37d: {  	v42 =	vor.u32 s10, v42;
	v58 =	vand.u32 $0x7F, v32;
	v61 =	vand.u32 $0xFFFFFF80, v46  }
0x37e: {  	v36 =	vand.u32 $0x7F, v46;
	v46 =	vand.u32 $0xFFFFFF80, v32;
	v61 =	vadd.s32 v30, v61;
	v32 =	vld.idx.msk [tilespmem:v16+s28+$0x0], $0xffff  }
0x37f: {  	v15 =	vor.u32 s13, v41;
	v48 =	vor.u32 v36, v61;
	v36 =	vadd.s32 v0, v43;
	v0 =	vld [tilespmem:$0x1FF60]  }
0x380: {  	v7 =	vcombine.low v39, v35;
	_ =	sdelay $0x1  }
0x381: {  	[tilespmem:$0x1F930] =	vst v7  }
0x382: {  	v39 =	vadd.s32 v7, v3;
	[tilespmem:v42+s29+$0x0] =	vst.idx.msk $0xffff, v4  }
0x383: {  	[tilespmem:v15+s29+$0x0] =	vst.idx.msk $0xffff, v32;
	v55 =	vor.u32 s13, v0;
	v0 =	vand.u32 $0xFFFFFF80, v39  }
0x384: {  	v4 =	vadd.s32 v2, v0;
	v0 =	vld [tilespmem:$0x1F960]  }
0x385: {  	v54 =	vadd.s32 v30, v46  }
0x386: {  	v54 =	vor.u32 v58, v54;
	_ =	sdelay $0x2  }
0x387: {  	v46 =	vmovc v41;
	v41 =	vmovc v62;
	v62 =	vand.u32 $0xFFFFFF80, v6;
	v15 =	vand.u32 $0x7F, v6;
	v6 =	vor.u32 s10, v0;
	v0 =	vld [tilespmem:$0x1F970]  }
0x388: {  	v53 =	vld.idx.msk [tilespmem:v53+s28+$0x0], $0xffff  }
0x389: {  	v11 =	vmovc v18;
	v18 =	vmov v24;
	v57 =	vand.u32 $0x7F, v39;
	v7 =	vor.u32 s10, v17;
	v54 =	vld.idx.msk [tilespmem:v54+s28+$0x0], $0xffff  }
0x38a: {  	v35 =	vadd.s32 v30, v62;
	[tilespmem:$0x1F940] =	vst v38;
	v57 =	vor.u32 v57, v4;
	v4 =	vcombine.low v38, v40  }
0x38b: {  	v24 =	vmovc v8;
	v8 =	vmov v52;
	v58 =	vor.u32 v47, v5;
	v52 =	vld [tilespmem:$0x1FEC0];
	[tilespmem:$0x1F950] =	vst v40;
	v15 =	vor.u32 v15, v35  }
0x38c: {  	v5 =	vand.u32 $0xFFFFFF80, v36;
	v16 =	vld.idx.msk [tilespmem:v13+s28+$0x0], $0xffff;
	[tilespmem:$0x1F980] =	vst v4;
	v4 =	vadd.s32 v4, v3;
	v0 =	vadd.s32 v0, v43  }
0x38d: {  	v1 =	vld [tilespmem:$0x1FF70];
	[tilespmem:v56+s29+$0x0] =	vst.idx.msk $0xffff, v53;
	v32 =	vand.u32 $0xFFFFFF80, v0;
	v35 =	vand.u32 $0x7F, v0;
	v0 =	vand.u32 $0xFFFFFF80, v4  }
0x38e: {  	v51 =	vand.u32 $0x7F, v36;
	v36 =	vand.u32 $0x7F, v4;
	[tilespmem:v7+s29+$0x0] =	vst.idx.msk $0xffff, v54;
	v0 =	vadd.s32 v2, v0  }
0x38f: {  	v54 =	vor.u32 v36, v0;
	v0 =	vld [tilespmem:$0x1F990];
	_ =	sdelay $0x3  }
0x390: {  	v47 =	vadd.s32 v30, v5  }
0x391: {  	v51 =	vor.u32 v51, v47;
	_ =	sdelay $0x1  }
0x392: {  	v48 =	vld.idx.msk [tilespmem:v48+s28+$0x0], $0xffff  }
0x393: {  	v5 =	vld [tilespmem:$0x1FED0];
	[tilespmem:v0+s29+$0x0] =	vst.idx.msk $0xffff, v16  }
0x394: {  	v0 =	vld [tilespmem:$0x1F9C0]  }
0x395: {  	v51 =	vld.idx.msk [tilespmem:v51+s28+$0x0], $0xffff  }
0x396: {  	v61 =	vadd.s32 v52, v43;
	v4 =	vld.idx.msk [tilespmem:v10+s28+$0x0], $0xffff;
	[tilespmem:$0x1F9A0] =	vst v27  }
0x397: {  	v9 =	vmov v25;
	v25 =	vor.u32 s13, v1;
	v62 =	vand.u32 $0xFFFFFF80, v61;
	[tilespmem:$0x1F9B0] =	vst v45  }
0x398: {  	v38 =	vor.u32 s10, v20;
	v13 =	vand.u32 $0x7F, v61;
	v16 =	vadd.s32 v30, v62;
	[tilespmem:v6+s29+$0x0] =	vst.idx.msk $0xffff, v48  }
0x399: {  	v1 =	vcombine.low v27, v45;
	v13 =	vor.u32 v13, v16;
	v27 =	vmovc v0;
	v16 =	vadd.s32 v0, v43;
	v0 =	vld [tilespmem:$0x1FF80]  }
0x39a: {  	v12 =	vor.u32 s13, v31;
	v14 =	vld.idx.msk [tilespmem:v14+s28+$0x0], $0xffff;
	_ =	sdelay $0x1  }
0x39b: {  	v15 =	vld.idx.msk [tilespmem:v15+s28+$0x0], $0xffff;
	[tilespmem:$0x1F9D0] =	vst v1  }
0x39c: {  	v3 =	vadd.s32 v1, v3;
	v53 =	vadd.s32 v30, v32;
	[tilespmem:v38+s29+$0x0] =	vst.idx.msk $0xffff, v51  }
0x39d: {  	v53 =	vor.u32 v35, v53;
	v1 =	vld [tilespmem:$0x1FDE0];
	[tilespmem:v49+s29+$0x0] =	vst.idx.msk $0xffff, v4;
	v52 =	vor.u32 s13, v0;
	v0 =	vand.u32 $0xFFFFFF80, v16  }
0x39e: {  	[tilespmem:v12+s29+$0x0] =	vst.idx.msk $0xffff, v14;
	v16 =	vand.u32 $0x7F, v16;
	v0 =	vadd.s32 v30, v0  }
0x39f: {  	v16 =	vor.u32 v16, v0;
	v0 =	vld [tilespmem:$0x1F9E0];
	_ =	sdelay $0x1  }
0x3a0: {  	v39 =	vor.u32 s10, v37  }
0x3a1: {  	v62 =	vld.idx.msk [tilespmem:v53+s28+$0x0], $0xffff;
	v51 =	vor.u32 s10, v1;
	_ =	sdelay $0x3  }
0x3a2: {  	v47 =	vld.idx.msk [tilespmem:v58+s28+$0x0], $0xffff;
	[tilespmem:v39+s29+$0x0] =	vst.idx.msk $0xffff, v15  }
0x3a3: {  	v45 =	vmov v11;
	[tilespmem:v51+s29+$0x0] =	vst.idx.msk $0xffff, v62;
	v11 =	vld.idx.msk [tilespmem:v0+s28+$0x0], $0xffff  }
0x3a4: {  	v0 =	vld [tilespmem:$0x1FE30];
	_ =	sdelay $0x1  }
0x3a5: {  	v61 =	vand.u32 $0xFFFFFF80, v3  }
0x3a6: {  	v40 =	vadd.s32 v8, v43;
	v3 =	vand.u32 $0x7F, v3;
	v2 =	vadd.s32 v2, v61  }
0x3a7: {  	v42 =	vand.u32 $0xFFFFFF80, v40;
	v2 =	vor.u32 v3, v2;
	[tilespmem:v55+s29+$0x0] =	vst.idx.msk $0xffff, v47  }
0x3a8: {  	v20 =	vmovc v63;
	v3 =	vadd.s32 v30, v42;
	v12 =	vor.u32 s10, v63;
	v63 =	vmovc v0;
	v42 =	vor.u32 s10, v0;
	v0 =	vld [tilespmem:$0x1FF90];
	_ =	sdelay $0x1  }
0x3a9: {  	v48 =	vand.u32 $0x7F, v40;
	v40 =	vadd.s32 v34, v43  }
0x3aa: {  	v19 =	vmovc v1;
	v1 =	vmov v60;
	v15 =	vor.u32 s10, v60;
	v60 =	vand.u32 $0xFFFFFF80, v40  }
0x3ab: {  	v53 =	vand.u32 $0x7F, v40;
	v51 =	vadd.s32 v30, v60  }
0x3ac: {  	v51 =	vor.u32 v53, v51;
	v53 =	vor.u32 s13, v0;
	v0 =	vld [tilespmem:$0x1F9F0];
	_ =	sdelay $0x1  }
0x3ad: {  	v13 =	vld.idx.msk [tilespmem:v13+s28+$0x0], $0xffff;
	_ =	sdelay $0x1  }
0x3ae: {  	v16 =	vld.idx.msk [tilespmem:v16+s28+$0x0], $0xffff;
	_ =	sdelay $0x2  }
0x3af: {  	v3 =	vor.u32 v48, v3;
	[tilespmem:v12+s29+$0x0] =	vst.idx.msk $0xffff, v13  }
0x3b0: {  	v55 =	vld.idx.msk [tilespmem:v57+s28+$0x0], $0xffff;
	[tilespmem:v0+s29+$0x0] =	vst.idx.msk $0xffff, v11  }
0x3b1: {  	v14 =	vadd.s32 v5, v43;
	v0 =	vld [tilespmem:$0x1FA00];
	[tilespmem:v42+s29+$0x0] =	vst.idx.msk $0xffff, v16  }
0x3b2: {  	v35 =	vand.u32 $0xFFFFFF80, v14;
	v4 =	vld [tilespmem:$0x1FE40]  }
0x3b3: {  	v32 =	vadd.s32 v45, v43;
	v14 =	vand.u32 $0x7F, v14;
	v50 =	vadd.s32 v30, v35  }
0x3b4: {  	v50 =	vor.u32 v14, v50;
	v14 =	vand.u32 $0xFFFFFF80, v32;
	v3 =	vld.idx.msk [tilespmem:v3+s28+$0x0], $0xffff  }
0x3b5: {  	v38 =	vmov v34;
	v14 =	vadd.s32 v30, v14;
	v11 =	vand.u32 $0x7F, v32;
	v37 =	vld [tilespmem:$0x1FE50]  }
0x3b6: {  	v11 =	vor.u32 v11, v14;
	v34 =	vmov v0;
	v14 =	vadd.s32 v0, v43;
	v0 =	vld [tilespmem:$0x1FA10];
	[tilespmem:v25+s29+$0x0] =	vst.idx.msk $0xffff, v55  }
0x3b7: {  	v61 =	vadd.s32 v9, v43;
	v21 =	vmov v4;
	v32 =	vor.u32 s10, v4;
	v4 =	vld [tilespmem:$0x1FFA0]  }
0x3b8: {  	v12 =	vand.u32 $0xFFFFFF80, v61  }
0x3b9: {  	v13 =	vand.u32 $0x7F, v61;
	v12 =	vadd.s32 v30, v12  }
0x3ba: {  	v49 =	vor.u32 v13, v12;
	v16 =	vadd.s32 v37, v43;
	v62 =	vand.u32 $0xFFFFFF80, v14  }
0x3bb: {  	v14 =	vand.u32 $0x7F, v14;
	[tilespmem:v15+s29+$0x0] =	vst.idx.msk $0xffff, v3;
	v48 =	vadd.s32 v30, v62;
	v12 =	vand.u32 $0xFFFFFF80, v16  }
0x3bc: {  	v48 =	vor.u32 v14, v48;
	v14 =	vand.u32 $0x7F, v16;
	v16 =	vadd.s32 v4, v43;
	v4 =	vld [tilespmem:$0x1FA20];
	_ =	sdelay $0x4  }
0x3bd: {  	v3 =	vand.u32 $0xFFFFFF80, v16;
	v15 =	vand.u32 $0x7F, v16;
	v36 =	vmovc v4;
	v16 =	vadd.s32 v4, v43;
	v4 =	vld [tilespmem:$0x1FA30];
	_ =	sdelay $0x2  }
0x3be: {  	v0 =	vld.idx.msk [tilespmem:v0+s28+$0x0], $0xffff  }
0x3bf: {  	v13 =	vld.idx.msk [tilespmem:v51+s28+$0x0], $0xffff;
	_ =	sdelay $0x3  }
0x3c0: {  	[tilespmem:v4+s29+$0x0] =	vst.idx.msk $0xffff, v0  }
0x3c1: {  	v0 =	vld [tilespmem:$0x1FE60];
	[tilespmem:v32+s29+$0x0] =	vst.idx.msk $0xffff, v13  }
0x3c2: {  	v4 =	vld [tilespmem:$0x1FA40];
	_ =	sdelay $0x6  }
0x3c3: {  	v54 =	vld.idx.msk [tilespmem:v54+s28+$0x0], $0xffff  }
0x3c4: {  	v40 =	vmov v9;
	v9 =	vld.idx.msk [tilespmem:v4+s28+$0x0], $0xffff  }
0x3c5: {  	v4 =	vld [tilespmem:$0x1FF00];
	_ =	sdelay $0x2  }
0x3c6: {  	v12 =	vadd.s32 v30, v12  }
0x3c7: {  	v10 =	vor.u32 s10, v18;
	v57 =	vor.u32 v14, v12;
	v12 =	vld.idx.msk [tilespmem:v50+s28+$0x0], $0xffff;
	[tilespmem:v52+s29+$0x0] =	vst.idx.msk $0xffff, v54  }
0x3c8: {  	v42 =	vmov v4;
	v58 =	vor.u32 s10, v4;
	v4 =	vld [tilespmem:$0x1FFD0];
	_ =	sdelay $0x3  }
0x3c9: {  	[tilespmem:v10+s29+$0x0] =	vst.idx.msk $0xffff, v12  }
0x3ca: {  	v13 =	vadd.s32 v4, v43;
	v4 =	vld [tilespmem:$0x1FA50]  }
0x3cb: {  	v22 =	vmovc v8;
	v3 =	vadd.s32 v30, v3;
	v35 =	vand.u32 $0x7F, v16;
	v8 =	vadd.s32 v0, v43  }
0x3cc: {  	v39 =	vmovc v0;
	v0 =	vand.u32 $0xFFFFFF80, v16;
	v16 =	vor.u32 v15, v3;
	v3 =	vand.u32 $0xFFFFFF80, v8  }
0x3cd: {  	v8 =	vand.u32 $0x7F, v8;
	v3 =	vadd.s32 v30, v3  }
0x3ce: {  	v15 =	vor.u32 v8, v3;
	v8 =	vld.idx.msk [tilespmem:v11+s28+$0x0], $0xffff  }
0x3cf: {  	v60 =	vmov v4;
	v11 =	vadd.s32 v4, v43;
	v4 =	vld [tilespmem:$0x1FE70];
	_ =	sdelay $0x4  }
0x3d0: {  	v25 =	vmovc v59;
	v12 =	vor.u32 s10, v59;
	v61 =	vmov v4;
	v59 =	vadd.s32 v4, v43;
	v4 =	vld [tilespmem:$0x1FA60];
	_ =	sdelay $0x7  }
0x3d1: {  	[tilespmem:v4+s29+$0x0] =	vst.idx.msk $0xffff, v9  }
0x3d2: {  	v4 =	vld [tilespmem:$0x1FF10];
	_ =	sdelay $0x3  }
0x3d3: {  	v55 =	vor.u32 s10, v28;
	v62 =	vmovc v28;
	v28 =	vmovc v29;
	v14 =	vor.u32 s10, v29;
	v0 =	vadd.s32 v30, v0  }
0x3d4: {  	v29 =	vmovc v46;
	v50 =	vor.u32 v35, v0;
	v0 =	vor.u32 s10, v46;
	v46 =	vmovc v4;
	v9 =	vor.u32 s10, v4;
	v4 =	vld [tilespmem:$0x1FA70];
	_ =	sdelay $0x2  }
0x3d5: {  	v48 =	vld.idx.msk [tilespmem:v48+s28+$0x0], $0xffff;
	_ =	sdelay $0x3  }
0x3d6: {  	v56 =	vor.u32 s10, v26;
	v2 =	vld.idx.msk [tilespmem:v2+s28+$0x0], $0xffff  }
0x3d7: {  	[tilespmem:v58+s29+$0x0] =	vst.idx.msk $0xffff, v48;
	v54 =	vld.idx.msk [tilespmem:v4+s28+$0x0], $0xffff  }
0x3d8: {  	v4 =	vld [tilespmem:$0x1FE80];
	_ =	sdelay $0x2  }
0x3d9: {  	[tilespmem:v56+s29+$0x0] =	vst.idx.msk $0xffff, v8  }
0x3da: {  	[tilespmem:v53+s29+$0x0] =	vst.idx.msk $0xffff, v2  }
0x3db: {  	v32 =	vmov v4;
	v52 =	vadd.s32 v4, v43;
	v4 =	vld [tilespmem:$0x1FA80];
	_ =	sdelay $0x2  }
0x3dc: {  	v3 =	vand.u32 $0xFFFFFF80, v13  }
0x3dd: {  	v10 =	vand.u32 $0x7F, v13;
	v3 =	vadd.s32 v30, v3  }
0x3de: {  	v47 =	vmovc v26;
	v13 =	vor.u32 v10, v3;
	v3 =	vand.u32 $0xFFFFFF80, v11;
	v26 =	vmovc v4;
	v53 =	vadd.s32 v4, v43;
	v4 =	vld [tilespmem:$0x1FFB0]  }
0x3df: {  	v6 =	vand.u32 $0x7F, v11;
	v3 =	vadd.s32 v30, v3;
	v7 =	vand.u32 $0xFFFFFF80, v59  }
0x3e0: {  	v48 =	vor.u32 v6, v3;
	v3 =	vand.u32 $0x7F, v59;
	v6 =	vadd.s32 v30, v7  }
0x3e1: {  	v10 =	vor.u32 v3, v6;
	v3 =	vand.u32 $0xFFFFFF80, v52  }
0x3e2: {  	v6 =	vand.u32 $0x7F, v52;
	v8 =	vadd.s32 v30, v3  }
0x3e3: {  	v6 =	vor.u32 v6, v8;
	v59 =	vmov v4;
	v8 =	vadd.s32 v4, v43;
	v4 =	vld [tilespmem:$0x1FA90];
	_ =	sdelay $0x7  }
0x3e4: {  	v51 =	vld.idx.msk [tilespmem:v50+s28+$0x0], $0xffff;
	[tilespmem:v4+s29+$0x0] =	vst.idx.msk $0xffff, v54  }
0x3e5: {  	v4 =	vld [tilespmem:$0x1FF20];
	_ =	sdelay $0x3  }
0x3e6: {  	[tilespmem:v9+s29+$0x0] =	vst.idx.msk $0xffff, v51  }
0x3e7: {  	v50 =	vor.u32 s10, v4;
	v4 =	vld [tilespmem:$0x1FE90];
	_ =	sdelay $0x4  }
0x3e8: {  	v17 =	vmov v18;
	v18 =	vmov v4;
	v58 =	vadd.s32 v4, v43;
	v4 =	vld [tilespmem:$0x1FAA0]  }
0x3e9: {  	v2 =	vld.idx.msk [tilespmem:v49+s28+$0x0], $0xffff;
	_ =	sdelay $0x4  }
0x3ea: {  	v23 =	vmovc v5;
	v5 =	vand.u32 $0xFFFFFF80, v53;
	v49 =	vand.u32 $0x7F, v53;
	v9 =	vand.u32 $0xFFFFFF80, v8;
	[tilespmem:v55+s29+$0x0] =	vst.idx.msk $0xffff, v2  }
0x3eb: {  	v5 =	vadd.s32 v30, v5;
	v8 =	vand.u32 $0x7F, v8;
	v9 =	vadd.s32 v30, v9;
	v2 =	vld [tilespmem:$0x1FCE0]  }
0x3ec: {  	v52 =	vor.u32 v49, v5;
	v5 =	vld.idx.msk [tilespmem:v4+s28+$0x0], $0xffff;
	v4 =	vor.u32 v8, v9;
	v8 =	vand.u32 $0xFFFFFF80, v58  }
0x3ed: {  	v49 =	vadd.s32 v30, v8;
	v8 =	vld [tilespmem:$0x1FEA0];
	_ =	sdelay $0x3  }
0x3ee: {  	v35 =	vmovc v31;
	v11 =	vor.u32 s10, v31;
	v7 =	vor.u32 s10, v24;
	v3 =	vor.u32 s10, v41;
	v51 =	vld.idx.msk [tilespmem:v48+s28+$0x0], $0xffff  }
0x3ef: {  	s17 =	simm.s32 $0x2;
	s18 =	sadd.s32 $0x10, s18;
	s13 =	simm.s32 $0x10;
	v31 =	vmovc v41;
	v53 =	vld.idx.msk [tilespmem:v57+s28+$0x0], $0xffff;
	v41 =	vmovc v2;
	v2 =	vor.u32 s10, v2;
	v9 =	vand.u32 $0x7F, v58;
	v8 =	vadd.s32 v8, v43  }
.LBB2_16:
0x3f0: {  	v48 =	vld [tilespmem:s18+$0x0]  }
0x3f1: {  	[tilespmem:v44+s29+$0x0] =	vst.idx.msk $0xffff, v5;
	v5 =	vld [tilespmem:$0x1FF30];
	_ =	sdelay $0x2  }
0x3f2: {  	v56 =	vld [tilespmem:$0x1F850];
	_ =	sdelay $0x1  }
0x3f3: {  	v54 =	vor.u32 s10, v5;
	v5 =	vld [tilespmem:$0x1FCF0];
	_ =	sdelay $0x1  }
0x3f4: {  	[tilespmem:v50+s29+$0x0] =	vst.idx.msk $0xffff, v51  }
0x3f5: {  	v9 =	vor.u32 v9, v49;
	v55 =	vand.u32 $0xFFFFFF80, v8;
	[tilespmem:v14+s29+$0x0] =	vst.idx.msk $0xffff, v53;
	v14 =	vld [tilespmem:$0x1FEF0];
	v50 =	vadd.s32 v56, v43  }
0x3f6: {  	v57 =	vand.u32 $0x7F, v8;
	v49 =	vadd.s32 v30, v55;
	v56 =	vld [tilespmem:$0x1F860];
	v8 =	vand.u32 $0xFFFFFF80, v50  }
0x3f7: {  	v55 =	vadd.s32 v30, v8;
	v8 =	vor.u32 s10, v5;
	v5 =	vor.u32 v57, v49;
	v57 =	vld [tilespmem:$0x1F870]  }
0x3f8: {  	v58 =	vand.u32 $0x7F, v50  }
0x3f9: {  	v49 =	vor.u32 v58, v55;
	v55 =	vld [tilespmem:$0x1F880];
	_ =	sdelay $0x1  }
0x3fa: {  	s10 =	sadd.s32 $0x10, s10  }
0x3fb: {  	v44 =	vor.u32 s13, v14;
	v14 =	vmov s10;
	v50 =	vcombine.low v56, v57  }
0x3fc: {  	v52 =	vld.idx.msk [tilespmem:v52+s28+$0x0], $0xffff;
	v58 =	vadd.s32 v33, v48;
	v14 =	vshll.u32 v14, $0x7  }
0x3fd: {  	v16 =	vld.idx.msk [tilespmem:v16+s28+$0x0], $0xffff;
	v14 =	vor.u32 v55, v14;
	v57 =	vand.u32 $0xFFFFFF80, v58;
	v50 =	vadd.s32 v50, v43  }
0x3fe: {  	v51 =	vand.u32 $0x7F, v58;
	v56 =	vld [tilespmem:$0x1FF40];
	v58 =	vadd.s32 v14, v57;
	v57 =	vand.u32 $0xFFFFFF80, v50  }
0x3ff: {  	v51 =	vor.u32 v51, v58;
	v50 =	vand.u32 $0x7F, v50;
	v58 =	vadd.s32 v30, v57;
	v57 =	vld [tilespmem:$0x1F8A0]  }
0x400: {  	v50 =	vor.u32 v50, v58;
	v58 =	vld [tilespmem:$0x1F8B0];
	_ =	sdelay $0x2  }
0x401: {  	[tilespmem:v54+s29+$0x0] =	vst.idx.msk $0xffff, v52;
	v53 =	vor.u32 s13, v56;
	v56 =	vlaneseq.u32  }
0x402: {  	v49 =	vld.idx.msk [tilespmem:v49+s28+$0x0], $0xffff;
	v52 =	vadd.s32 v56, v48  }
0x403: {  	[tilespmem:v0+s29+$0x0] =	vst.idx.msk $0xffff, v16;
	v0 =	vand.u32 $0xFFFFFF80, v52;
	v16 =	vand.u32 $0x7F, v52;
	v52 =	vcombine.low v57, v58;
	v57 =	vld [tilespmem:$0x1F8C0]  }
0x404: {  	v58 =	vld [tilespmem:$0x1FF50];
	_ =	sdelay $0x2  }
0x405: {  	v15 =	vld.idx.msk [tilespmem:v15+s28+$0x0], $0xffff  }
0x406: {  	v56 =	vld [tilespmem:$0x1F8E0];
	v54 =	vadd.s32 v57, v48  }
0x407: {  	v51 =	vld.idx.msk [tilespmem:v51+s28+$0x0], $0xffff;
	[tilespmem:v53+s29+$0x0] =	vst.idx.msk $0xffff, v49;
	v49 =	vadd.s32 v52, v43;
	v55 =	vor.u32 s13, v58;
	v57 =	vand.u32 $0xFFFFFF80, v54  }
0x408: {  	v58 =	vand.u32 $0xFFFFFF80, v49;
	v52 =	vand.u32 $0x7F, v54;
	v57 =	vadd.s32 v14, v57  }
0x409: {  	v52 =	vor.u32 v52, v57;
	v57 =	vadd.s32 v30, v58;
	v58 =	vld [tilespmem:$0x1FFF0]  }
0x40a: {  	[tilespmem:v12+s29+$0x0] =	vst.idx.msk $0xffff, v15;
	v12 =	vld [tilespmem:$0x1F900]  }
0x40b: {  	v15 =	vld [tilespmem:$0x1F910]  }
0x40c: {  	v56 =	vor.u32 s10, v56;
	_ =	sdelay $0x1  }
0x40d: {  	v0 =	vadd.s32 v14, v0;
	v53 =	vadd.s32 v58, v48  }
0x40e: {  	v0 =	vor.u32 v16, v0;
	v50 =	vld.idx.msk [tilespmem:v50+s28+$0x0], $0xffff;
	v16 =	vand.u32 $0xFFFFFF80, v53  }
0x40f: {  	v12 =	vcombine.low v12, v15;
	v15 =	vadd.s32 v14, v16;
	v16 =	vld [tilespmem:$0x1F920]  }
0x410: {  	[tilespmem:v56+s29+$0x0] =	vst.idx.msk $0xffff, v51;
	v56 =	vld [tilespmem:$0x1FF60];
	_ =	sdelay $0x1  }
0x411: {  	v49 =	vand.u32 $0x7F, v49  }
0x412: {  	v49 =	vor.u32 v49, v57;
	v57 =	vld [tilespmem:$0x1FD40]  }
0x413: {  	v52 =	vld.idx.msk [tilespmem:v52+s28+$0x0], $0xffff;
	v16 =	vadd.s32 v16, v48  }
0x414: {  	v51 =	vor.u32 s13, v56;
	[tilespmem:v55+s29+$0x0] =	vst.idx.msk $0xffff, v50;
	v55 =	vld [tilespmem:$0x1F960];
	v56 =	vand.u32 $0xFFFFFF80, v16  }
0x415: {  	v58 =	vadd.s32 v14, v56;
	v56 =	vld [tilespmem:$0x1FEC0];
	_ =	sdelay $0x3  }
0x416: {  	v54 =	vor.u32 s10, v57;
	v53 =	vand.u32 $0x7F, v53;
	v50 =	vor.u32 s10, v55;
	v55 =	vld [tilespmem:$0x1F940]  }
0x417: {  	v15 =	vor.u32 v53, v15;
	v16 =	vand.u32 $0x7F, v16;
	v53 =	vadd.s32 v56, v48;
	v56 =	vld [tilespmem:$0x1F950]  }
0x418: {  	v13 =	vld.idx.msk [tilespmem:v13+s28+$0x0], $0xffff;
	v12 =	vadd.s32 v12, v43;
	v16 =	vor.u32 v16, v58  }
0x419: {  	v49 =	vld.idx.msk [tilespmem:v49+s28+$0x0], $0xffff;
	v57 =	vand.u32 $0xFFFFFF80, v12  }
0x41a: {  	v12 =	vand.u32 $0x7F, v12;
	v58 =	vadd.s32 v30, v57;
	v57 =	vld [tilespmem:$0x1F970]  }
0x41b: {  	v0 =	vld.idx.msk [tilespmem:v0+s28+$0x0], $0xffff;
	v12 =	vor.u32 v12, v58  }
0x41c: {  	[tilespmem:v54+s29+$0x0] =	vst.idx.msk $0xffff, v52;
	v58 =	vld [tilespmem:$0x1FF70];
	v55 =	vcombine.low v55, v56  }
0x41d: {  	v16 =	vld.idx.msk [tilespmem:v16+s28+$0x0], $0xffff  }
0x41e: {  	[tilespmem:v51+s29+$0x0] =	vst.idx.msk $0xffff, v49;
	v49 =	vadd.s32 v55, v43;
	v55 =	vld [tilespmem:$0x1FC20]  }
0x41f: {  	v52 =	vadd.s32 v57, v48;
	v57 =	vld [tilespmem:$0x1FD90]  }
0x420: {  	[tilespmem:v11+s29+$0x0] =	vst.idx.msk $0xffff, v13;
	v11 =	vld.idx.msk [tilespmem:v12+s28+$0x0], $0xffff;
	v12 =	vand.u32 $0xFFFFFF80, v49  }
0x421: {  	v56 =	vand.u32 $0xFFFFFF80, v53;
	v13 =	vand.u32 $0x7F, v49;
	v12 =	vadd.s32 v30, v12  }
0x422: {  	v12 =	vor.u32 v13, v12;
	v13 =	vand.u32 $0x7F, v53;
	v53 =	vadd.s32 v14, v56;
	v56 =	vld [tilespmem:$0x1F9A0]  }
0x423: {  	[tilespmem:v50+s29+$0x0] =	vst.idx.msk $0xffff, v0;
	v54 =	vor.u32 s13, v58;
	v58 =	vand.u32 $0xFFFFFF80, v52;
	v50 =	vor.u32 s10, v55;
	v55 =	vld [tilespmem:$0x1F9B0]  }
0x424: {  	v51 =	vand.u32 $0x7F, v52;
	v52 =	vadd.s32 v14, v58;
	v57 =	vor.u32 s10, v57  }
0x425: {  	v0 =	vor.u32 v51, v52;
	_ =	sdelay $0x1  }
0x426: {  	v15 =	vld.idx.msk [tilespmem:v15+s28+$0x0], $0xffff  }
0x427: {  	v49 =	vcombine.low v56, v55;
	v56 =	vld [tilespmem:$0x1FF80]  }
0x428: {  	v10 =	vld.idx.msk [tilespmem:v10+s28+$0x0], $0xffff;
	[tilespmem:v57+s29+$0x0] =	vst.idx.msk $0xffff, v16;
	v16 =	vadd.s32 v27, v48  }
0x429: {  	v13 =	vor.u32 v13, v53;
	v53 =	vor.u32 s10, v19;
	v0 =	vld.idx.msk [tilespmem:v0+s28+$0x0], $0xffff;
	v57 =	vand.u32 $0xFFFFFF80, v16  }
0x42a: {  	[tilespmem:v54+s29+$0x0] =	vst.idx.msk $0xffff, v11;
	v16 =	vand.u32 $0x7F, v16;
	v11 =	vadd.s32 v49, v43;
	v49 =	vadd.s32 v14, v57  }
0x42b: {  	v51 =	vadd.s32 v22, v48;
	v12 =	vld.idx.msk [tilespmem:v12+s28+$0x0], $0xffff;
	v57 =	vand.u32 $0xFFFFFF80, v11;
	v16 =	vor.u32 v16, v49  }
0x42c: {  	v55 =	vld [tilespmem:$0x1FF90];
	v11 =	vand.u32 $0x7F, v11;
	v57 =	vadd.s32 v30, v57;
	v52 =	vor.u32 s13, v56  }
0x42d: {  	[tilespmem:v50+s29+$0x0] =	vst.idx.msk $0xffff, v15;
	v15 =	vand.u32 $0x7F, v51;
	v43 =	vmov v48;
	v11 =	vor.u32 v11, v57  }
0x42e: {  	v13 =	vld.idx.msk [tilespmem:v13+s28+$0x0], $0xffff;
	[tilespmem:v7+s29+$0x0] =	vst.idx.msk $0xffff, v10;
	v10 =	vadd.s32 v23, v43;
	v30 =	vmov v14;
	v14 =	vand.u32 $0xFFFFFF80, v51  }
0x42f: {  	[tilespmem:v53+s29+$0x0] =	vst.idx.msk $0xffff, v0;
	v0 =	vand.u32 $0xFFFFFF80, v10;
	v14 =	vadd.s32 v30, v14;
	v56 =	vor.u32 s10, v20  }
0x430: {  	v10 =	vand.u32 $0x7F, v10;
	v57 =	vadd.s32 v38, v43;
	v14 =	vor.u32 v15, v14  }
0x431: {  	v0 =	vadd.s32 v30, v0;
	v51 =	vor.u32 s13, v55;
	v16 =	vld.idx.msk [tilespmem:v16+s28+$0x0], $0xffff;
	[tilespmem:v52+s29+$0x0] =	vst.idx.msk $0xffff, v12;
	v12 =	vor.u32 s10, v63  }
0x432: {  	v15 =	vadd.s32 v45, v43;
	v53 =	vand.u32 $0xFFFFFF80, v57;
	v49 =	vand.u32 $0x7F, v57;
	v11 =	vld.idx.msk [tilespmem:v11+s28+$0x0], $0xffff  }
0x433: {  	v6 =	vld.idx.msk [tilespmem:v6+s28+$0x0], $0xffff;
	v0 =	vor.u32 v10, v0;
	v50 =	vadd.s32 v30, v53;
	v10 =	vand.u32 $0xFFFFFF80, v15  }
0x434: {  	v15 =	vand.u32 $0x7F, v15;
	v10 =	vadd.s32 v30, v10;
	[tilespmem:v56+s29+$0x0] =	vst.idx.msk $0xffff, v13;
	v13 =	vor.u32 v49, v50  }
0x435: {  	v7 =	vor.u32 s10, v1;
	v10 =	vor.u32 v15, v10;
	v15 =	vadd.s32 v40, v43;
	v14 =	vld.idx.msk [tilespmem:v14+s28+$0x0], $0xffff  }
0x436: {  	[tilespmem:v12+s29+$0x0] =	vst.idx.msk $0xffff, v16;
	v12 =	vand.u32 $0xFFFFFF80, v15;
	v16 =	vadd.s32 v34, v43  }
0x437: {  	v57 =	vor.u32 s10, v21;
	[tilespmem:v51+s29+$0x0] =	vst.idx.msk $0xffff, v11;
	v11 =	vadd.s32 v30, v12;
	v12 =	vadd.s32 v37, v43  }
0x438: {  	v54 =	vld [tilespmem:$0x1FF20];
	[tilespmem:v3+s29+$0x0] =	vst.idx.msk $0xffff, v6;
	v15 =	vand.u32 $0x7F, v15;
	v56 =	vand.u32 $0xFFFFFF80, v16;
	v6 =	vand.u32 $0xFFFFFF80, v12  }
0x439: {  	v13 =	vld.idx.msk [tilespmem:v13+s28+$0x0], $0xffff;
	v3 =	vor.u32 v15, v11;
	v11 =	vand.u32 $0x7F, v12;
	v6 =	vadd.s32 v30, v6  }
0x43a: {  	v16 =	vand.u32 $0x7F, v16;
	[tilespmem:v7+s29+$0x0] =	vst.idx.msk $0xffff, v14;
	v50 =	vadd.s32 v30, v56;
	v53 =	vor.u32 v11, v6;
	v6 =	vld [tilespmem:$0x1FFA0]  }
0x43b: {  	v48 =	vor.u32 s10, v17;
	v0 =	vld.idx.msk [tilespmem:v0+s28+$0x0], $0xffff;
	v7 =	vor.u32 v16, v50  }
0x43c: {  	v4 =	vld.idx.msk [tilespmem:v4+s28+$0x0], $0xffff  }
0x43d: {  	v58 =	vld [tilespmem:$0x1FFD0];
	v55 =	vor.u32 s10, v46;
	v49 =	vor.u32 s10, v47  }
0x43e: {  	v52 =	vor.u32 s10, v62;
	v14 =	vor.u32 s10, v28;
	v12 =	vadd.s32 v36, v43  }
0x43f: {  	v56 =	vor.u32 s10, v42;
	v15 =	vand.u32 $0xFFFFFF80, v12;
	[tilespmem:v57+s29+$0x0] =	vst.idx.msk $0xffff, v13;
	v6 =	vadd.s32 v6, v43  }
0x440: {  	v12 =	vand.u32 $0x7F, v12;
	v15 =	vadd.s32 v30, v15;
	[tilespmem:v48+s29+$0x0] =	vst.idx.msk $0xffff, v0;
	v7 =	vld.idx.msk [tilespmem:v7+s28+$0x0], $0xffff;
	v11 =	vand.u32 $0xFFFFFF80, v6  }
0x441: {  	v50 =	vor.u32 s10, v54;
	v10 =	vld.idx.msk [tilespmem:v10+s28+$0x0], $0xffff;
	[tilespmem:v2+s29+$0x0] =	vst.idx.msk $0xffff, v4;
	v6 =	vand.u32 $0x7F, v6;
	v11 =	vadd.s32 v30, v11  }
0x442: {  	v2 =	vadd.s32 v58, v43;
	v16 =	vor.u32 v6, v11;
	v6 =	vor.u32 v12, v15  }
0x443: {  	v13 =	vadd.s32 v39, v43;
	v57 =	vadd.s32 v61, v43;
	v4 =	vld.idx.msk [tilespmem:v9+s28+$0x0], $0xffff;
	v9 =	vand.u32 $0xFFFFFF80, v2  }
0x444: {  	v0 =	vand.u32 $0xFFFFFF80, v13;
	v2 =	vand.u32 $0x7F, v2;
	v9 =	vadd.s32 v30, v9  }
0x445: {  	v11 =	vadd.s32 v30, v0;
	v12 =	vand.u32 $0x7F, v13;
	v13 =	vor.u32 v2, v9  }
0x446: {  	v2 =	vand.u32 $0xFFFFFF80, v57;
	v15 =	vor.u32 v12, v11;
	[tilespmem:v56+s29+$0x0] =	vst.idx.msk $0xffff, v7;
	v7 =	vadd.s32 v60, v43  }
0x447: {  	v0 =	vor.u32 s10, v29;
	[tilespmem:v49+s29+$0x0] =	vst.idx.msk $0xffff, v10;
	v2 =	vadd.s32 v30, v2;
	v11 =	vand.u32 $0xFFFFFF80, v7;
	v6 =	vld.idx.msk [tilespmem:v6+s28+$0x0], $0xffff  }
0x448: {  	v7 =	vand.u32 $0x7F, v7;
	v49 =	vld.idx.msk [tilespmem:v3+s28+$0x0], $0xffff;
	v3 =	vand.u32 $0x7F, v57;
	v11 =	vadd.s32 v30, v11  }
0x449: {  	v10 =	vor.u32 v3, v2;
	v2 =	vadd.s32 v32, v43;
	v9 =	vor.u32 v7, v11  }
0x44a: {  	v12 =	vor.u32 s10, v25;
	[tilespmem:v8+s29+$0x0] =	vst.idx.msk $0xffff, v4;
	v8 =	vadd.s32 v26, v43;
	v3 =	vand.u32 $0xFFFFFF80, v2  }
0x44b: {  	s17 =	sadd.s32 $0x2, s17;
	v11 =	vor.u32 s10, v35;
	v2 =	vand.u32 $0x7F, v2;
	v4 =	vadd.s32 v30, v3  }
0x44c: {  	p1 =	slt.u32 s17, $0xE;
	v48 =	vld [tilespmem:$0x1FEA0];
	v7 =	vor.u32 s10, v24;
	v3 =	vor.u32 s10, v31;
	[tilespmem:v55+s29+$0x0] =	vst.idx.msk $0xffff, v6;
	v6 =	vor.u32 v2, v4  }
.Ltmp8:
0x44d: {  	v5 =	vld.idx.msk [tilespmem:v5+s28+$0x0], $0xffff;
	v2 =	vadd.s32 v59, v43;
	v4 =	vand.u32 $0xFFFFFF80, v8;
	v8 =	vand.u32 $0x7F, v8;
	(pc) =	sbr.rel @p1 .LBB2_16-.Ltmp8, $4  }
0x44e: {  	[tilespmem:v52+s29+$0x0] =	vst.idx.msk $0xffff, v49;
	v51 =	vld.idx.msk [tilespmem:v9+s28+$0x0], $0xffff;
	v4 =	vadd.s32 v30, v4;
	v9 =	vand.u32 $0xFFFFFF80, v2;
	v56 =	vand.u32 $0x7F, v2  }
0x44f: {  	v52 =	vor.u32 v8, v4;
	v4 =	vadd.s32 v30, v9;
	v8 =	vadd.s32 v18, v43  }
0x450: {  	v2 =	vor.u32 s10, v41;
	v4 =	vor.u32 v56, v4;
	v57 =	vand.u32 $0xFFFFFF80, v8  }
0x451: {  	s18 =	sadd.s32 $0x10, s18;
	s13 =	smov.u32 s10;
	v53 =	vld.idx.msk [tilespmem:v53+s28+$0x0], $0xffff;
	v9 =	vand.u32 $0x7F, v8;
	v8 =	vadd.s32 v48, v43;
	v49 =	vadd.s32 v30, v57  }
0x452: {  	_ =	sdelay $0x2  }
0x453: {  	v29 =	vld [tilespmem:$0x1FEC0]  }
0x454: {  	v28 =	vld [tilespmem:$0x1FFF0];
	[tilespmem:v14+s29+$0x0] =	vst.idx.msk $0xffff, v53  }
0x455: {  	v14 =	vld [tilespmem:$0x1F850];
	[tilespmem:v50+s29+$0x0] =	vst.idx.msk $0xffff, v51  }
0x456: {  	v35 =	vmov v22;
	v22 =	vld [tilespmem:$0x1FF30];
	_ =	sdelay $0x3  }
0x457: {  	v1 =	vld.idx.msk [tilespmem:v16+s28+$0x0], $0xffff  }
0x458: {  	v17 =	vld.idx.msk [tilespmem:v52+s28+$0x0], $0xffff;
	v20 =	vor.u32 s10, v22;
	_ =	sdelay $0x2  }
0x459: {  	v14 =	vadd.s32 v14, v43  }
0x45a: {  	[tilespmem:v0+s29+$0x0] =	vst.idx.msk $0xffff, v1;
	v16 =	vand.u32 $0xFFFFFF80, v14  }
0x45b: {  	v14 =	vand.u32 $0x7F, v14;
	v34 =	vld [tilespmem:$0x1F890];
	v16 =	vadd.s32 v30, v16;
	[tilespmem:v20+s29+$0x0] =	vst.idx.msk $0xffff, v17  }
0x45c: {  	v56 =	vmov v23;
	v23 =	vor.u32 v14, v16;
	v26 =	vld [tilespmem:$0x1FF40];
	_ =	sdelay $0x3  }
0x45d: {  	v1 =	vld.idx.msk [tilespmem:v15+s28+$0x0], $0xffff  }
0x45e: {  	v0 =	vld.idx.msk [tilespmem:v23+s28+$0x0], $0xffff;
	v16 =	vor.u32 s13, v26;
	_ =	sdelay $0x2  }
0x45f: {  	v14 =	vadd.s32 v34, v43  }
0x460: {  	v36 =	vand.u32 $0xFFFFFF80, v14;
	[tilespmem:v12+s29+$0x0] =	vst.idx.msk $0xffff, v1  }
0x461: {  	v14 =	vand.u32 $0x7F, v14;
	v15 =	vadd.s32 v30, v36;
	v40 =	vld [tilespmem:$0x1F8D0];
	[tilespmem:v16+s29+$0x0] =	vst.idx.msk $0xffff, v0  }
0x462: {  	v38 =	vor.u32 v14, v15;
	v27 =	vld [tilespmem:$0x1FF50];
	_ =	sdelay $0x3  }
0x463: {  	v12 =	vld.idx.msk [tilespmem:v13+s28+$0x0], $0xffff  }
0x464: {  	v1 =	vld.idx.msk [tilespmem:v38+s28+$0x0], $0xffff;
	v42 =	vor.u32 s13, v27;
	_ =	sdelay $0x2  }
0x465: {  	v13 =	vadd.s32 v40, v43  }
0x466: {  	v41 =	vand.u32 $0xFFFFFF80, v13;
	[tilespmem:v11+s29+$0x0] =	vst.idx.msk $0xffff, v12  }
0x467: {  	v13 =	vand.u32 $0x7F, v13;
	v0 =	vadd.s32 v30, v41;
	v11 =	vld [tilespmem:$0x1F930];
	[tilespmem:v42+s29+$0x0] =	vst.idx.msk $0xffff, v1  }
0x468: {  	v0 =	vor.u32 v13, v0;
	v62 =	vld [tilespmem:$0x1FF60];
	_ =	sdelay $0x2  }
0x469: {  	v10 =	vld.idx.msk [tilespmem:v10+s28+$0x0], $0xffff;
	_ =	sdelay $0x1  }
0x46a: {  	v0 =	vld.idx.msk [tilespmem:v0+s28+$0x0], $0xffff;
	v46 =	vor.u32 s13, v62;
	_ =	sdelay $0x2  }
0x46b: {  	v11 =	vadd.s32 v11, v43;
	[tilespmem:v7+s29+$0x0] =	vst.idx.msk $0xffff, v10  }
0x46c: {  	v19 =	vmov v37;
	v37 =	vmov v45;
	v45 =	vand.u32 $0xFFFFFF80, v11;
	v6 =	vld.idx.msk [tilespmem:v6+s28+$0x0], $0xffff  }
0x46d: {  	v11 =	vand.u32 $0x7F, v11;
	v1 =	vadd.s32 v30, v45;
	v7 =	vld [tilespmem:$0x1F980];
	[tilespmem:v46+s29+$0x0] =	vst.idx.msk $0xffff, v0  }
0x46e: {  	v1 =	vor.u32 v11, v1;
	v50 =	vld [tilespmem:$0x1FF70];
	_ =	sdelay $0x4  }
0x46f: {  	v1 =	vld.idx.msk [tilespmem:v1+s28+$0x0], $0xffff;
	[tilespmem:v3+s29+$0x0] =	vst.idx.msk $0xffff, v6;
	v51 =	vor.u32 s13, v50  }
0x470: {  	v3 =	vld.idx.msk [tilespmem:v4+s28+$0x0], $0xffff;
	_ =	sdelay $0x1  }
0x471: {  	v7 =	vadd.s32 v7, v43  }
0x472: {  	v47 =	vand.u32 $0xFFFFFF80, v7  }
0x473: {  	v7 =	vand.u32 $0x7F, v7;
	v0 =	vadd.s32 v30, v47;
	v6 =	vld [tilespmem:$0x1F9D0];
	[tilespmem:v51+s29+$0x0] =	vst.idx.msk $0xffff, v1  }
0x474: {  	v0 =	vor.u32 v7, v0;
	v10 =	vld [tilespmem:$0x1FF80];
	[tilespmem:v2+s29+$0x0] =	vst.idx.msk $0xffff, v3  }
0x475: {  	v52 =	vor.u32 v9, v49;
	v3 =	vld [tilespmem:$0x1FCF0];
	_ =	sdelay $0x3  }
0x476: {  	v0 =	vld.idx.msk [tilespmem:v0+s28+$0x0], $0xffff;
	v57 =	vor.u32 s13, v10  }
0x477: {  	v4 =	vld.idx.msk [tilespmem:v52+s28+$0x0], $0xffff;
	v3 =	vor.u32 s10, v3;
	_ =	sdelay $0x1  }
0x478: {  	v6 =	vadd.s32 v6, v43  }
0x479: {  	v55 =	vand.u32 $0xFFFFFF80, v6  }
0x47a: {  	v53 =	vand.u32 $0xFFFFFF80, v8;
	v6 =	vand.u32 $0x7F, v6;
	v1 =	vadd.s32 v30, v55;
	[tilespmem:v57+s29+$0x0] =	vst.idx.msk $0xffff, v0  }
0x47b: {  	v54 =	vand.u32 $0x7F, v8;
	v60 =	vadd.s32 v30, v53;
	v1 =	vor.u32 v6, v1;
	v24 =	vld [tilespmem:$0x1FF90];
	[tilespmem:v3+s29+$0x0] =	vst.idx.msk $0xffff, v4  }
0x47c: {  	v2 =	vor.u32 v54, v60;
	v47 =	vld [tilespmem:$0x1FEF0];
	_ =	sdelay $0x3  }
0x47d: {  	v0 =	vld.idx.msk [tilespmem:v1+s28+$0x0], $0xffff;
	v62 =	vor.u32 s13, v24  }
0x47e: {  	v2 =	vld.idx.msk [tilespmem:v2+s28+$0x0], $0xffff;
	v63 =	vor.u32 s13, v47;
	_ =	sdelay $0x1  }
0x47f: {  	p1 =	slt.u32 s24, $0xC8  }
.Ltmp9:
0x480: {  	s28 =	sshll.u32 s23, $0x11;
	[tilespmem:v44+s29+$0x0] =	vst.idx.msk $0xffff, v5;
	(pc) =	sbr.rel @p1 .LBB2_8-.Ltmp9, $4  }
0x481: {  	s10 =	sor.u32 s14, s28;
	[tilespmem:v62+s29+$0x0] =	vst.idx.msk $0xffff, v0  }
0x482: {  	s10 =	sshrl.u32 s10, $0x3;
	[tilespmem:v63+s29+$0x0] =	vst.idx.msk $0xffff, v2  }
0x483: {  	s6 =	sadd.s32 $0x9, s6;
	s23 =	smov.u32 s24;
	s10 =	sadd.s32 s3, s10;
	v50 =	vld [tilespmem:$0x1FEB0]  }
0x484: {  	[hbm4b:s10+s30] =	stream.strided.scatter [tilespmem:s29], [sflag:s6], $0x1000, s31, s30, $0x38;
	v31 =	vld [tilespmem:$0x1FFA0]  }
0x485: {  	s19 =	sadd.s32 $0x1, s19  }
0x486: {  	_ =	swait.ge [sflag:s2], $0x1000;
	p1 =	sne.s32 s19, s16  }
.Ltmp10:
0x487: {  	[sflag:s2] =	ssyncset.done $0x0;
	(pc) =	sbr.rel @p1 .LBB2_1-.Ltmp10, $4  }
0x488: {  	[sflag:s2] =	ssyncadd.s32 $0xFFFFF000  }
0x489: {  	_ =	swait.ge [sflag:s5], $0x1000  }
0x48a: {  	[sflag:s5] =	ssyncset.done $0x0  }
0x48b: {  	v51 =	vmovc v61;
	v55 =	vmovc v59;
	v63 =	vlaneseq.u32;
	v30 =	vmov v37;
	v59 =	vmov v19;
	v3 =	vld [tilespmem:$0x1FEE0];
	[sflag:s5] =	ssyncadd.s32 $0xFFFFF000  }
0x48c: {  	_ =	sfence.sel $0x180000  }
0x48d: {  	[bflag:$0x0] =	sbarrier.arrive $0xFFFF  }
0x48e: {  	_ =	strace $0x90000047  }
0x48f: {  	s0 =	stileid.u32;
	[bflag:$0x2] =	sbarrier.arrive $0xFFFF  }
0x490: {  	p0 =	sne.s32 s0, $0x0;
	s0 =	rddreg [dreg:$0x4]  }
0x491: {  	s0 =	sadd.s32 @!p0 $0x100000, s0  }
0x492: {  	[sflag:s0] =	ssyncadd.tile.s32 @!p0 $0x1;
	_ =	shalt  }
.Lfunc_end2:
_tile_overlayer_lowered:
.L_overlay_start_2:
0x493: {  	(tag) =	ssettag $0x2  }
0x494: {  	s0 =	rddreg [dreg:$0x0];
	s2 =	stileid.u32  }
0x495: {  	s1 =	rddreg [dreg:$0x1];
	p0 =	sne.s32 s2, $0x0  }
0x496: {  	s3 =	rddreg [dreg:$0x2];
	[bflag:$0x3] =	sbarrier.arrive $0xFFFF;
	s2 =	simm.s32 @!p0 $0x1C0C  }
0x497: {  	[timem:s3], [sflag:s2] =	dma.local @!p0 [hbm:s0], s1  }
0x498: {  	s0 =	simm.s32 @!p0 $0xC  }
0x499: {  	_ =	swait.ge @!p0 [sflag:s0], s1  }
0x49a: {  	s1 =	ssub.s32 @!p0 $0x0, s1;
	[sflag:s0] =	ssyncset.done @!p0 $0x0  }
0x49b: {  	[sflag:s0] =	ssyncadd.s32 @!p0 s1  }
0x49c: {  	[bflag:$0x3] =	sbarrier.arrive $0xFFFF  }
0x49d: {  	_ =	shalt  }

</sc_bundles>
